<compile_context>
chip_gen: v7x
topology: tpu7x:2x2x1
jax: 0.10.2.dev20260603
libtpu: 0.0.44.dev20260713+nightly
codegen_flags: <defaults>
</compile_context>

<pallas_src>
import functools

import jax
import jax.numpy as jnp
from jax import lax
from jax.experimental import pallas as pl
from jax.experimental.pallas import tpu as pltpu
from jax.experimental.pallas import tpu_sc as plsc

EMBED = 64
N_BINS = 256
_info = plsc.get_sparse_core_info()
NC, NS = _info.num_cores, _info.num_subcores


def _make_sc_lookup(B: int, C: int):
    b_per_sc = B // NC
    win_rows = NS * C
    windows = b_per_sc // win_rows
    assert windows * win_rows * NC == B
    mesh = plsc.VectorSubcoreMesh(core_axis_name="c", subcore_axis_name="s")

    @functools.partial(
        pl.kernel,
        out_type=jax.ShapeDtypeStruct((B * EMBED,), jnp.float32),
        mesh=mesh,
        scratch_types=[
            pltpu.VMEM((N_BINS * EMBED,), jnp.float32),
            pltpu.VMEM((2, C), jnp.int32),
            pltpu.VMEM((C * EMBED,), jnp.float32),
            pltpu.VMEM_SHARED((2, win_rows * EMBED), jnp.float32),
            pltpu.SemaphoreType.DMA((2,)),
            pltpu.SemaphoreType.DMA((2,)),
        ],
        compiler_params=pltpu.CompilerParams(use_tc_tiling_on_sc=False,
                                             needs_layout_passes=False),
    )
    def sc_lookup(x_hbm, table_hbm, out_hbm, table_v, idx_v, rows_v,
                  stage_s, sem_idx, sem_big):
        sc = lax.axis_index("c")
        tid = lax.axis_index("s")
        base0 = sc * b_per_sc + tid * C
        lane = lax.iota(jnp.int32, 16)

        pltpu.sync_copy(table_hbm, table_v)

        pltpu.async_copy(x_hbm.at[pl.ds(base0, C)], idx_v.at[0],
                         sem_idx.at[0])

        @pl.loop(0, windows)
        def _window(w):
            b = w % 2
            nb = 1 - b

            @pl.when(w + 1 < windows)
            def _prefetch():
                nbase = base0 + (w + 1) * win_rows
                pltpu.async_copy(x_hbm.at[pl.ds(nbase, C)], idx_v.at[nb],
                                 sem_idx.at[nb])

            pltpu.make_async_copy(x_hbm.at[pl.ds(base0, C)], idx_v.at[b],
                                  sem_idx.at[b]).wait()

            @plsc.parallel_loop(0, C // 16)
            def _i(i):
                tbase = idx_v[b, pl.ds(i * 16, 16)] * EMBED
                obase_v = (i * 16 + lane) * EMBED
                for j in range(EMBED):
                    col = (lane + j) & (EMBED - 1)
                    vals = plsc.load_gather(table_v, [tbase + col])
                    plsc.store_scatter(rows_v, [obase_v + col], vals)

            @pl.when((tid == 0) & (w >= 2))
            def _drain():
                obase = (sc * b_per_sc + (w - 2) * win_rows) * EMBED
                pltpu.make_async_copy(
                    stage_s.at[b], out_hbm.at[pl.ds(obase, win_rows * EMBED)],
                    sem_big.at[b]).wait()

            plsc.subcore_barrier()

            pltpu.sync_copy(rows_v,
                            stage_s.at[b, pl.ds(tid * C * EMBED, C * EMBED)])

            plsc.subcore_barrier()

            @pl.when(tid == 0)
            def _fire():
                obase = (sc * b_per_sc + w * win_rows) * EMBED
                pltpu.async_copy(
                    stage_s.at[b], out_hbm.at[pl.ds(obase, win_rows * EMBED)],
                    sem_big.at[b])

        @pl.when(tid == 0)
        def _tail():
            @pl.loop(windows - 2, windows)
            def _t(w):
                b = w % 2
                obase = (sc * b_per_sc + w * win_rows) * EMBED
                pltpu.make_async_copy(
                    stage_s.at[b], out_hbm.at[pl.ds(obase, win_rows * EMBED)],
                    sem_big.at[b]).wait()

    return sc_lookup


def kernel(x, table):
    lead = x.shape[:-1]
    k = x.shape[-1]
    B = 1
    for s in x.shape:
        B *= s
    xf = x.reshape(B).astype(jnp.int32)
    out = _make_sc_lookup(B, 512)(xf, table.reshape(-1))
    return out.reshape(lead + (k * EMBED,))

# --- scband reference (transcript-rebuilt; emitter-appended) ---
"""Pipeline reference for scband-bbox-encoder-80728205296017 (READ-ONLY COPY).

The authoritative reference and input builder live on the scoring server;
editing this copy changes nothing except your own understanding.
"""

import jax, jax.numpy as jnp
import numpy as np

EMBED_DIM = 64
N_MAX_BINS = 256

def setup_inputs(seed: int = 0) -> dict:
    key = jax.random.key(seed)
    k1, k2 = jax.random.split(key)
    x = jax.random.randint(k1, (16384, 200, 4), 0, N_MAX_BINS, dtype=jnp.int64 if jax.config.jax_enable_x64 else jnp.int32)
    table = jax.random.normal(k2, (N_MAX_BINS, EMBED_DIM), dtype=jnp.float32)
    return {"x": x, "table": table}

def reference(x, table):
    # embedding lookup: (..., 4) -> (..., 4, embed_dim)
    emb = jnp.take(table, x, axis=0)
    # flatten the last two dims: (..., 4, embed_dim) -> (..., 4*embed_dim)
    primitive_shape = emb.shape[:-2]
    out = emb.reshape(primitive_shape + (-1,))
    return out

if __name__ == "__main__":
    import jax
    _d = setup_inputs()
    print(jax.jit(kernel)(*tuple(_d.values())))

</pallas_src>

<mosaic_0001>
#map = affine_map<(d0, d1) -> (0)>
module attributes {stable_mosaic.version = 14 : i64} {
  func.func @sc_lookup(%arg0: i32, %arg1: i32, %arg2: memref<13107200xi32, #tpu.memory_space<hbm>>, %arg3: memref<16384xf32, #tpu.memory_space<hbm>>, %arg4: memref<838860800xf32, #tpu.memory_space<hbm>>, %arg5: memref<16384xf32, #tpu.memory_space<vmem>>, %arg6: memref<2x512xi32, #tpu.memory_space<vmem>>, %arg7: memref<32768xf32, #tpu.memory_space<vmem>>, %arg8: memref<2x524288xf32, #tpu.memory_space<vmem_shared>>, %arg9: memref<2x!tpu.dma_semaphore, #tpu.memory_space<semaphore_mem>>, %arg10: memref<2x!tpu.dma_semaphore, #tpu.memory_space<semaphore_mem>>) attributes {dimension_semantics = [#tpu.dimension_semantics<core_parallel>, #tpu.dimension_semantics<subcore_parallel>], iteration_bounds = array<i64: 2, 16>, scalar_prefetch = 0 : i64, scratch_operands = 6 : i64, tpu.core_type = #tpu.core_type<sc_vector_subcore>, window_params = [{transform_indices = #map}, {transform_indices = #map}, {transform_indices = #map}]} {
    %mul3A = arith.constant 6553600 : i32
    %mul3A_0 = arith.muli %arg0, %mul3A : i32
    %mul3A_1 = arith.constant 512 : i32
    %mul3A_2 = arith.muli %arg1, %mul3A_1 : i32
    %add3A = arith.addi %mul3A_0, %mul3A_2 : i32
    %iota3A = tpu.iota {dimensions = array<i32: 0>} : vector<16xi32>
    "tpu.region"() ({
      %run_scoped3A = tpu.sem_alloc : memref<!tpu.dma_semaphore, #tpu.memory_space<semaphore_mem>>
      tpu.enqueue_dma source(%arg3 : memref<16384xf32, #tpu.memory_space<hbm>>) target(%arg5 : memref<16384xf32, #tpu.memory_space<vmem>>) target_semaphore(%run_scoped3A : memref<!tpu.dma_semaphore, #tpu.memory_space<semaphore_mem>>)
      tpu.wait_dma2 semaphore(%run_scoped3A : memref<!tpu.dma_semaphore, #tpu.memory_space<semaphore_mem>>) src(%arg3 : memref<16384xf32, #tpu.memory_space<hbm>>) dst(%arg5 : memref<16384xf32, #tpu.memory_space<vmem>>)
      tpu.yield
    }) : () -> ()
    %dma_start3A = arith.constant 0 : i32
    %dma_start3A_3 = arith.constant 0 : i32
    %dma_start3A_4 = arith.constant 0 : i32
    %dma_start3A_5 = tpu.memref_slice %arg6[%dma_start3A, %dma_start3A_4] : memref<2x512xi32, #tpu.memory_space<vmem>> -> memref<1x512xi32, #tpu.memory_space<vmem>>
    %dma_start3A_6 = tpu.memref_squeeze %dma_start3A_5 : memref<1x512xi32, #tpu.memory_space<vmem>> -> memref<512xi32, #tpu.memory_space<vmem>>
    %dma_start3A_7 = tpu.memref_slice %arg2[%add3A] : memref<13107200xi32, #tpu.memory_space<hbm>> -> memref<512xi32, #tpu.memory_space<hbm>>
    %dma_start3A_8 = tpu.memref_slice %arg9[%dma_start3A_3] : memref<2x!tpu.dma_semaphore, #tpu.memory_space<semaphore_mem>> -> memref<1x!tpu.dma_semaphore, #tpu.memory_space<semaphore_mem>>
    %dma_start3A_9 = tpu.memref_squeeze %dma_start3A_8 : memref<1x!tpu.dma_semaphore, #tpu.memory_space<semaphore_mem>> -> memref<!tpu.dma_semaphore, #tpu.memory_space<semaphore_mem>>
    %dma_start3A_10 = arith.constant 0 : i32
    %dma_start3A_11 = tpu.memref_slice %arg6[%dma_start3A, %dma_start3A_10] : memref<2x512xi32, #tpu.memory_space<vmem>> -> memref<1x512xi32, #tpu.memory_space<vmem>>
    %dma_start3A_12 = tpu.memref_squeeze %dma_start3A_11 : memref<1x512xi32, #tpu.memory_space<vmem>> -> memref<512xi32, #tpu.memory_space<vmem>>
    %dma_start3A_13 = tpu.memref_slice %arg2[%add3A] : memref<13107200xi32, #tpu.memory_space<hbm>> -> memref<512xi32, #tpu.memory_space<hbm>>
    tpu.enqueue_dma source(%dma_start3A_13 : memref<512xi32, #tpu.memory_space<hbm>>) target(%dma_start3A_12 : memref<512xi32, #tpu.memory_space<vmem>>) target_semaphore(%dma_start3A_9 : memref<!tpu.dma_semaphore, #tpu.memory_space<semaphore_mem>>)
    %scan3A = arith.constant 0 : i32
    %scan3A_14 = arith.constant 800 : i32
    %scan3A_15 = arith.addi %scan3A, %scan3A_14 : i32
    %scan3A_16 = arith.constant 1 : i32
    scf.for %scan3A_20 = %scan3A to %scan3A_15 step %scan3A_16  : i32 {
      %mul3A_21 = arith.constant 1 : i32
      %mul3A_22 = arith.muli %scan3A_20, %mul3A_21 : i32
      %add3A_23 = arith.constant 0 : i32
      %add3A_24 = arith.addi %add3A_23, %mul3A_22 : i32
      %jit3A = arith.constant 2 : i32
      %eq3A_25 = arith.constant 0 : i32
      %eq3A_26 = arith.cmpi eq, %jit3A, %eq3A_25 : i32
      %jit3A_27 = arith.constant 1 : i32
      %select_n3A = arith.select %eq3A_26, %jit3A_27, %jit3A : i32
      %rem3A = arith.remsi %add3A_24, %select_n3A : i32
      %ne3A = arith.constant 0 : i32
      %ne3A_28 = arith.cmpi ne, %rem3A, %ne3A : i32
      %lt3A = arith.constant 0 : i32
      %lt3A_29 = arith.cmpi slt, %rem3A, %lt3A : i32
      %lt3A_30 = arith.constant 0 : i32
      %lt3A_31 = arith.cmpi slt, %select_n3A, %lt3A_30 : i32
      %ne3A_32 = arith.xori %lt3A_29, %lt3A_31 : i1
      %and3A = arith.andi %ne3A_32, %ne3A_28 : i1
      %add3A_33 = arith.addi %rem3A, %select_n3A : i32
      %select_n3A_34 = arith.select %and3A, %add3A_33, %rem3A : i32
      %sub3A = arith.constant 1 : i32
      %sub3A_35 = arith.subi %sub3A, %select_n3A_34 : i32
      %add3A_36 = arith.constant 1 : i32
      %add3A_37 = arith.addi %add3A_24, %add3A_36 : i32
      %lt3A_38 = arith.constant 800 : i32
      %lt3A_39 = arith.cmpi slt, %add3A_37, %lt3A_38 : i32
      %convert_element_type3A_40 = arith.extui %lt3A_39 : i1 to i32
      %cond3A_41 = arith.constant 0 : i32
      %cond3A_42 = arith.cmpi ne, %convert_element_type3A_40, %cond3A_41 : i32
      scf.if %cond3A_42 {
        %add3A_71 = arith.constant 1 : i32
        %add3A_72 = arith.addi %add3A_24, %add3A_71 : i32
        %mul3A_73 = arith.constant 8192 : i32
        %mul3A_74 = arith.muli %add3A_72, %mul3A_73 : i32
        %add3A_75 = arith.addi %add3A, %mul3A_74 : i32
        %dma_start3A_76 = arith.constant 0 : i32
        %dma_start3A_77 = tpu.memref_slice %arg6[%sub3A_35, %dma_start3A_76] : memref<2x512xi32, #tpu.memory_space<vmem>> -> memref<1x512xi32, #tpu.memory_space<vmem>>
        %dma_start3A_78 = tpu.memref_squeeze %dma_start3A_77 : memref<1x512xi32, #tpu.memory_space<vmem>> -> memref<512xi32, #tpu.memory_space<vmem>>
        %dma_start3A_79 = tpu.memref_slice %arg2[%add3A_75] : memref<13107200xi32, #tpu.memory_space<hbm>> -> memref<512xi32, #tpu.memory_space<hbm>>
        %dma_start3A_80 = tpu.memref_slice %arg9[%sub3A_35] : memref<2x!tpu.dma_semaphore, #tpu.memory_space<semaphore_mem>> -> memref<1x!tpu.dma_semaphore, #tpu.memory_space<semaphore_mem>>
        %dma_start3A_81 = tpu.memref_squeeze %dma_start3A_80 : memref<1x!tpu.dma_semaphore, #tpu.memory_space<semaphore_mem>> -> memref<!tpu.dma_semaphore, #tpu.memory_space<semaphore_mem>>
        %dma_start3A_82 = arith.constant 0 : i32
        %dma_start3A_83 = tpu.memref_slice %arg6[%sub3A_35, %dma_start3A_82] : memref<2x512xi32, #tpu.memory_space<vmem>> -> memref<1x512xi32, #tpu.memory_space<vmem>>
        %dma_start3A_84 = tpu.memref_squeeze %dma_start3A_83 : memref<1x512xi32, #tpu.memory_space<vmem>> -> memref<512xi32, #tpu.memory_space<vmem>>
        %dma_start3A_85 = tpu.memref_slice %arg2[%add3A_75] : memref<13107200xi32, #tpu.memory_space<hbm>> -> memref<512xi32, #tpu.memory_space<hbm>>
        tpu.enqueue_dma source(%dma_start3A_85 : memref<512xi32, #tpu.memory_space<hbm>>) target(%dma_start3A_84 : memref<512xi32, #tpu.memory_space<vmem>>) target_semaphore(%dma_start3A_81 : memref<!tpu.dma_semaphore, #tpu.memory_space<semaphore_mem>>)
      } else {
      }
      %dma_wait3A = arith.constant 0 : i32
      %dma_wait3A_43 = tpu.memref_slice %arg6[%select_n3A_34, %dma_wait3A] : memref<2x512xi32, #tpu.memory_space<vmem>> -> memref<1x512xi32, #tpu.memory_space<vmem>>
      %dma_wait3A_44 = tpu.memref_squeeze %dma_wait3A_43 : memref<1x512xi32, #tpu.memory_space<vmem>> -> memref<512xi32, #tpu.memory_space<vmem>>
      %dma_wait3A_45 = tpu.memref_slice %arg2[%add3A] : memref<13107200xi32, #tpu.memory_space<hbm>> -> memref<512xi32, #tpu.memory_space<hbm>>
      %dma_wait3A_46 = tpu.memref_slice %arg9[%select_n3A_34] : memref<2x!tpu.dma_semaphore, #tpu.memory_space<semaphore_mem>> -> memref<1x!tpu.dma_semaphore, #tpu.memory_space<semaphore_mem>>
      %dma_wait3A_47 = tpu.memref_squeeze %dma_wait3A_46 : memref<1x!tpu.dma_semaphore, #tpu.memory_space<semaphore_mem>> -> memref<!tpu.dma_semaphore, #tpu.memory_space<semaphore_mem>>
      %dma_wait3A_48 = arith.constant 0 : i32
      %dma_wait3A_49 = tpu.memref_slice %arg6[%select_n3A_34, %dma_wait3A_48] : memref<2x512xi32, #tpu.memory_space<vmem>> -> memref<1x512xi32, #tpu.memory_space<vmem>>
      %dma_wait3A_50 = tpu.memref_squeeze %dma_wait3A_49 : memref<1x512xi32, #tpu.memory_space<vmem>> -> memref<512xi32, #tpu.memory_space<vmem>>
      %dma_wait3A_51 = tpu.memref_slice %arg2[%add3A] : memref<13107200xi32, #tpu.memory_space<hbm>> -> memref<512xi32, #tpu.memory_space<hbm>>
      tpu.wait_dma2 semaphore(%dma_wait3A_47 : memref<!tpu.dma_semaphore, #tpu.memory_space<semaphore_mem>>) src(%dma_wait3A_51 : memref<512xi32, #tpu.memory_space<hbm>>) dst(%dma_wait3A_50 : memref<512xi32, #tpu.memory_space<vmem>>)
      %parallel_loop3A = arith.constant 0 : i32
      %parallel_loop3A_52 = arith.constant 32 : i32
      %parallel_loop3A_53 = arith.constant 1 : i32
      scf.for %parallel_loop3A_71 = %parallel_loop3A to %parallel_loop3A_52 step %parallel_loop3A_53  : i32 {
        %parallel_loop3A_72 = arith.constant 16 : i32
        %parallel_loop3A_73 = arith.muli %parallel_loop3A_71, %parallel_loop3A_72 : i32
        %parallel_loop3A_74 = arith.index_cast %select_n3A_34 : i32 to index
        %parallel_loop3A_75 = arith.index_cast %parallel_loop3A_73 : i32 to index
        %parallel_loop3A_76 = tpu.vector_load %arg6[%parallel_loop3A_74, %parallel_loop3A_75] {strides = array<i32>} : memref<2x512xi32, #tpu.memory_space<vmem>>, vector<16xi32>,
        %parallel_loop3A_77 = arith.constant 64 : i32
        %parallel_loop3A_78 = vector.broadcast %parallel_loop3A_77 : i32 to vector<16xi32>
        %parallel_loop3A_79 = arith.muli %parallel_loop3A_76, %parallel_loop3A_78 : vector<16xi32>
        %parallel_loop3A_80 = arith.constant 16 : i32
        %parallel_loop3A_81 = arith.muli %parallel_loop3A_71, %parallel_loop3A_80 : i32
        %parallel_loop3A_82 = vector.broadcast %parallel_loop3A_81 : i32 to vector<16xi32>
        %parallel_loop3A_83 = arith.addi %parallel_loop3A_82, %iota3A : vector<16xi32>
        %parallel_loop3A_84 = arith.constant 64 : i32
        %parallel_loop3A_85 = vector.broadcast %parallel_loop3A_84 : i32 to vector<16xi32>
        %parallel_loop3A_86 = arith.muli %parallel_loop3A_83, %parallel_loop3A_85 : vector<16xi32>
        %parallel_loop3A_87 = arith.constant 0 : i32
        %parallel_loop3A_88 = vector.broadcast %parallel_loop3A_87 : i32 to vector<16xi32>
        %parallel_loop3A_89 = arith.addi %iota3A, %parallel_loop3A_88 : vector<16xi32>
        %parallel_loop3A_90 = arith.constant 63 : i32
        %parallel_loop3A_91 = vector.broadcast %parallel_loop3A_90 : i32 to vector<16xi32>
        %parallel_loop3A_92 = arith.andi %parallel_loop3A_89, %parallel_loop3A_91 : vector<16xi32>
        %parallel_loop3A_93 = arith.addi %parallel_loop3A_79, %parallel_loop3A_92 : vector<16xi32>
        %parallel_loop3A_94 = tpu.vector_load_idx %arg5[%parallel_loop3A_93] : memref<16384xf32, #tpu.memory_space<vmem>>[vector<16xi32>], vector<16xf32>,
        %parallel_loop3A_95 = arith.addi %parallel_loop3A_86, %parallel_loop3A_92 : vector<16xi32>
        tpu.vector_store_idx %arg7[%parallel_loop3A_95], %parallel_loop3A_94 : memref<32768xf32, #tpu.memory_space<vmem>>[vector<16xi32>], vector<16xf32>,
        %parallel_loop3A_96 = arith.constant 1 : i32
        %parallel_loop3A_97 = vector.broadcast %parallel_loop3A_96 : i32 to vector<16xi32>
        %parallel_loop3A_98 = arith.addi %iota3A, %parallel_loop3A_97 : vector<16xi32>
        %parallel_loop3A_99 = arith.constant 63 : i32
        %parallel_loop3A_100 = vector.broadcast %parallel_loop3A_99 : i32 to vector<16xi32>
        %parallel_loop3A_101 = arith.andi %parallel_loop3A_98, %parallel_loop3A_100 : vector<16xi32>
        %parallel_loop3A_102 = arith.addi %parallel_loop3A_79, %parallel_loop3A_101 : vector<16xi32>
        %parallel_loop3A_103 = tpu.vector_load_idx %arg5[%parallel_loop3A_102] : memref<16384xf32, #tpu.memory_space<vmem>>[vector<16xi32>], vector<16xf32>,
        %parallel_loop3A_104 = arith.addi %parallel_loop3A_86, %parallel_loop3A_101 : vector<16xi32>
        tpu.vector_store_idx %arg7[%parallel_loop3A_104], %parallel_loop3A_103 : memref<32768xf32, #tpu.memory_space<vmem>>[vector<16xi32>], vector<16xf32>,
        %parallel_loop3A_105 = arith.constant 2 : i32
        %parallel_loop3A_106 = vector.broadcast %parallel_loop3A_105 : i32 to vector<16xi32>
        %parallel_loop3A_107 = arith.addi %iota3A, %parallel_loop3A_106 : vector<16xi32>
        %parallel_loop3A_108 = arith.constant 63 : i32
        %parallel_loop3A_109 = vector.broadcast %parallel_loop3A_108 : i32 to vector<16xi32>
        %parallel_loop3A_110 = arith.andi %parallel_loop3A_107, %parallel_loop3A_109 : vector<16xi32>
        %parallel_loop3A_111 = arith.addi %parallel_loop3A_79, %parallel_loop3A_110 : vector<16xi32>
        %parallel_loop3A_112 = tpu.vector_load_idx %arg5[%parallel_loop3A_111] : memref<16384xf32, #tpu.memory_space<vmem>>[vector<16xi32>], vector<16xf32>,
        %parallel_loop3A_113 = arith.addi %parallel_loop3A_86, %parallel_loop3A_110 : vector<16xi32>
        tpu.vector_store_idx %arg7[%parallel_loop3A_113], %parallel_loop3A_112 : memref<32768xf32, #tpu.memory_space<vmem>>[vector<16xi32>], vector<16xf32>,
        %parallel_loop3A_114 = arith.constant 3 : i32
        %parallel_loop3A_115 = vector.broadcast %parallel_loop3A_114 : i32 to vector<16xi32>
        %parallel_loop3A_116 = arith.addi %iota3A, %parallel_loop3A_115 : vector<16xi32>
        %parallel_loop3A_117 = arith.constant 63 : i32
        %parallel_loop3A_118 = vector.broadcast %parallel_loop3A_117 : i32 to vector<16xi32>
        %parallel_loop3A_119 = arith.andi %parallel_loop3A_116, %parallel_loop3A_118 : vector<16xi32>
        %parallel_loop3A_120 = arith.addi %parallel_loop3A_79, %parallel_loop3A_119 : vector<16xi32>
        %parallel_loop3A_121 = tpu.vector_load_idx %arg5[%parallel_loop3A_120] : memref<16384xf32, #tpu.memory_space<vmem>>[vector<16xi32>], vector<16xf32>,
        %parallel_loop3A_122 = arith.addi %parallel_loop3A_86, %parallel_loop3A_119 : vector<16xi32>
        tpu.vector_store_idx %arg7[%parallel_loop3A_122], %parallel_loop3A_121 : memref<32768xf32, #tpu.memory_space<vmem>>[vector<16xi32>], vector<16xf32>,
        %parallel_loop3A_123 = arith.constant 4 : i32
        %parallel_loop3A_124 = vector.broadcast %parallel_loop3A_123 : i32 to vector<16xi32>
        %parallel_loop3A_125 = arith.addi %iota3A, %parallel_loop3A_124 : vector<16xi32>
        %parallel_loop3A_126 = arith.constant 63 : i32
        %parallel_loop3A_127 = vector.broadcast %parallel_loop3A_126 : i32 to vector<16xi32>
        %parallel_loop3A_128 = arith.andi %parallel_loop3A_125, %parallel_loop3A_127 : vector<16xi32>
        %parallel_loop3A_129 = arith.addi %parallel_loop3A_79, %parallel_loop3A_128 : vector<16xi32>
        %parallel_loop3A_130 = tpu.vector_load_idx %arg5[%parallel_loop3A_129] : memref<16384xf32, #tpu.memory_space<vmem>>[vector<16xi32>], vector<16xf32>,
        %parallel_loop3A_131 = arith.addi %parallel_loop3A_86, %parallel_loop3A_128 : vector<16xi32>
        tpu.vector_store_idx %arg7[%parallel_loop3A_131], %parallel_loop3A_130 : memref<32768xf32, #tpu.memory_space<vmem>>[vector<16xi32>], vector<16xf32>,
        %parallel_loop3A_132 = arith.constant 5 : i32
        %parallel_loop3A_133 = vector.broadcast %parallel_loop3A_132 : i32 to vector<16xi32>
        %parallel_loop3A_134 = arith.addi %iota3A, %parallel_loop3A_133 : vector<16xi32>
        %parallel_loop3A_135 = arith.constant 63 : i32
        %parallel_loop3A_136 = vector.broadcast %parallel_loop3A_135 : i32 to vector<16xi32>
        %parallel_loop3A_137 = arith.andi %parallel_loop3A_134, %parallel_loop3A_136 : vector<16xi32>
        %parallel_loop3A_138 = arith.addi %parallel_loop3A_79, %parallel_loop3A_137 : vector<16xi32>
        %parallel_loop3A_139 = tpu.vector_load_idx %arg5[%parallel_loop3A_138] : memref<16384xf32, #tpu.memory_space<vmem>>[vector<16xi32>], vector<16xf32>,
        %parallel_loop3A_140 = arith.addi %parallel_loop3A_86, %parallel_loop3A_137 : vector<16xi32>
        tpu.vector_store_idx %arg7[%parallel_loop3A_140], %parallel_loop3A_139 : memref<32768xf32, #tpu.memory_space<vmem>>[vector<16xi32>], vector<16xf32>,
        %parallel_loop3A_141 = arith.constant 6 : i32
        %parallel_loop3A_142 = vector.broadcast %parallel_loop3A_141 : i32 to vector<16xi32>
        %parallel_loop3A_143 = arith.addi %iota3A, %parallel_loop3A_142 : vector<16xi32>
        %parallel_loop3A_144 = arith.constant 63 : i32
        %parallel_loop3A_145 = vector.broadcast %parallel_loop3A_144 : i32 to vector<16xi32>
        %parallel_loop3A_146 = arith.andi %parallel_loop3A_143, %parallel_loop3A_145 : vector<16xi32>
        %parallel_loop3A_147 = arith.addi %parallel_loop3A_79, %parallel_loop3A_146 : vector<16xi32>
        %parallel_loop3A_148 = tpu.vector_load_idx %arg5[%parallel_loop3A_147] : memref<16384xf32, #tpu.memory_space<vmem>>[vector<16xi32>], vector<16xf32>,
        %parallel_loop3A_149 = arith.addi %parallel_loop3A_86, %parallel_loop3A_146 : vector<16xi32>
        tpu.vector_store_idx %arg7[%parallel_loop3A_149], %parallel_loop3A_148 : memref<32768xf32, #tpu.memory_space<vmem>>[vector<16xi32>], vector<16xf32>,
        %parallel_loop3A_150 = arith.constant 7 : i32
        %parallel_loop3A_151 = vector.broadcast %parallel_loop3A_150 : i32 to vector<16xi32>
        %parallel_loop3A_152 = arith.addi %iota3A, %parallel_loop3A_151 : vector<16xi32>
        %parallel_loop3A_153 = arith.constant 63 : i32
        %parallel_loop3A_154 = vector.broadcast %parallel_loop3A_153 : i32 to vector<16xi32>
        %parallel_loop3A_155 = arith.andi %parallel_loop3A_152, %parallel_loop3A_154 : vector<16xi32>
        %parallel_loop3A_156 = arith.addi %parallel_loop3A_79, %parallel_loop3A_155 : vector<16xi32>
        %parallel_loop3A_157 = tpu.vector_load_idx %arg5[%parallel_loop3A_156] : memref<16384xf32, #tpu.memory_space<vmem>>[vector<16xi32>], vector<16xf32>,
        %parallel_loop3A_158 = arith.addi %parallel_loop3A_86, %parallel_loop3A_155 : vector<16xi32>
        tpu.vector_store_idx %arg7[%parallel_loop3A_158], %parallel_loop3A_157 : memref<32768xf32, #tpu.memory_space<vmem>>[vector<16xi32>], vector<16xf32>,
        %parallel_loop3A_159 = arith.constant 8 : i32
        %parallel_loop3A_160 = vector.broadcast %parallel_loop3A_159 : i32 to vector<16xi32>
        %parallel_loop3A_161 = arith.addi %iota3A, %parallel_loop3A_160 : vector<16xi32>
        %parallel_loop3A_162 = arith.constant 63 : i32
        %parallel_loop3A_163 = vector.broadcast %parallel_loop3A_162 : i32 to vector<16xi32>
        %parallel_loop3A_164 = arith.andi %parallel_loop3A_161, %parallel_loop3A_163 : vector<16xi32>
        %parallel_loop3A_165 = arith.addi %parallel_loop3A_79, %parallel_loop3A_164 : vector<16xi32>
        %parallel_loop3A_166 = tpu.vector_load_idx %arg5[%parallel_loop3A_165] : memref<16384xf32, #tpu.memory_space<vmem>>[vector<16xi32>], vector<16xf32>,
        %parallel_loop3A_167 = arith.addi %parallel_loop3A_86, %parallel_loop3A_164 : vector<16xi32>
        tpu.vector_store_idx %arg7[%parallel_loop3A_167], %parallel_loop3A_166 : memref<32768xf32, #tpu.memory_space<vmem>>[vector<16xi32>], vector<16xf32>,
        %parallel_loop3A_168 = arith.constant 9 : i32
        %parallel_loop3A_169 = vector.broadcast %parallel_loop3A_168 : i32 to vector<16xi32>
        %parallel_loop3A_170 = arith.addi %iota3A, %parallel_loop3A_169 : vector<16xi32>
        %parallel_loop3A_171 = arith.constant 63 : i32
        %parallel_loop3A_172 = vector.broadcast %parallel_loop3A_171 : i32 to vector<16xi32>
        %parallel_loop3A_173 = arith.andi %parallel_loop3A_170, %parallel_loop3A_172 : vector<16xi32>
        %parallel_loop3A_174 = arith.addi %parallel_loop3A_79, %parallel_loop3A_173 : vector<16xi32>
        %parallel_loop3A_175 = tpu.vector_load_idx %arg5[%parallel_loop3A_174] : memref<16384xf32, #tpu.memory_space<vmem>>[vector<16xi32>], vector<16xf32>,
        %parallel_loop3A_176 = arith.addi %parallel_loop3A_86, %parallel_loop3A_173 : vector<16xi32>
        tpu.vector_store_idx %arg7[%parallel_loop3A_176], %parallel_loop3A_175 : memref<32768xf32, #tpu.memory_space<vmem>>[vector<16xi32>], vector<16xf32>,
        %parallel_loop3A_177 = arith.constant 10 : i32
        %parallel_loop3A_178 = vector.broadcast %parallel_loop3A_177 : i32 to vector<16xi32>
        %parallel_loop3A_179 = arith.addi %iota3A, %parallel_loop3A_178 : vector<16xi32>
        %parallel_loop3A_180 = arith.constant 63 : i32
        %parallel_loop3A_181 = vector.broadcast %parallel_loop3A_180 : i32 to vector<16xi32>
        %parallel_loop3A_182 = arith.andi %parallel_loop3A_179, %parallel_loop3A_181 : vector<16xi32>
        %parallel_loop3A_183 = arith.addi %parallel_loop3A_79, %parallel_loop3A_182 : vector<16xi32>
        %parallel_loop3A_184 = tpu.vector_load_idx %arg5[%parallel_loop3A_183] : memref<16384xf32, #tpu.memory_space<vmem>>[vector<16xi32>], vector<16xf32>,
        %parallel_loop3A_185 = arith.addi %parallel_loop3A_86, %parallel_loop3A_182 : vector<16xi32>
        tpu.vector_store_idx %arg7[%parallel_loop3A_185], %parallel_loop3A_184 : memref<32768xf32, #tpu.memory_space<vmem>>[vector<16xi32>], vector<16xf32>,
        %parallel_loop3A_186 = arith.constant 11 : i32
        %parallel_loop3A_187 = vector.broadcast %parallel_loop3A_186 : i32 to vector<16xi32>
        %parallel_loop3A_188 = arith.addi %iota3A, %parallel_loop3A_187 : vector<16xi32>
        %parallel_loop3A_189 = arith.constant 63 : i32
        %parallel_loop3A_190 = vector.broadcast %parallel_loop3A_189 : i32 to vector<16xi32>
        %parallel_loop3A_191 = arith.andi %parallel_loop3A_188, %parallel_loop3A_190 : vector<16xi32>
        %parallel_loop3A_192 = arith.addi %parallel_loop3A_79, %parallel_loop3A_191 : vector<16xi32>
        %parallel_loop3A_193 = tpu.vector_load_idx %arg5[%parallel_loop3A_192] : memref<16384xf32, #tpu.memory_space<vmem>>[vector<16xi32>], vector<16xf32>,
        %parallel_loop3A_194 = arith.addi %parallel_loop3A_86, %parallel_loop3A_191 : vector<16xi32>
        tpu.vector_store_idx %arg7[%parallel_loop3A_194], %parallel_loop3A_193 : memref<32768xf32, #tpu.memory_space<vmem>>[vector<16xi32>], vector<16xf32>,
        %parallel_loop3A_195 = arith.constant 12 : i32
        %parallel_loop3A_196 = vector.broadcast %parallel_loop3A_195 : i32 to vector<16xi32>
        %parallel_loop3A_197 = arith.addi %iota3A, %parallel_loop3A_196 : vector<16xi32>
        %parallel_loop3A_198 = arith.constant 63 : i32
        %parallel_loop3A_199 = vector.broadcast %parallel_loop3A_198 : i32 to vector<16xi32>
        %parallel_loop3A_200 = arith.andi %parallel_loop3A_197, %parallel_loop3A_199 : vector<16xi32>
        %parallel_loop3A_201 = arith.addi %parallel_loop3A_79, %parallel_loop3A_200 : vector<16xi32>
        %parallel_loop3A_202 = tpu.vector_load_idx %arg5[%parallel_loop3A_201] : memref<16384xf32, #tpu.memory_space<vmem>>[vector<16xi32>], vector<16xf32>,
        %parallel_loop3A_203 = arith.addi %parallel_loop3A_86, %parallel_loop3A_200 : vector<16xi32>
        tpu.vector_store_idx %arg7[%parallel_loop3A_203], %parallel_loop3A_202 : memref<32768xf32, #tpu.memory_space<vmem>>[vector<16xi32>], vector<16xf32>,
        %parallel_loop3A_204 = arith.constant 13 : i32
        %parallel_loop3A_205 = vector.broadcast %parallel_loop3A_204 : i32 to vector<16xi32>
        %parallel_loop3A_206 = arith.addi %iota3A, %parallel_loop3A_205 : vector<16xi32>
        %parallel_loop3A_207 = arith.constant 63 : i32
        %parallel_loop3A_208 = vector.broadcast %parallel_loop3A_207 : i32 to vector<16xi32>
        %parallel_loop3A_209 = arith.andi %parallel_loop3A_206, %parallel_loop3A_208 : vector<16xi32>
        %parallel_loop3A_210 = arith.addi %parallel_loop3A_79, %parallel_loop3A_209 : vector<16xi32>
        %parallel_loop3A_211 = tpu.vector_load_idx %arg5[%parallel_loop3A_210] : memref<16384xf32, #tpu.memory_space<vmem>>[vector<16xi32>], vector<16xf32>,
        %parallel_loop3A_212 = arith.addi %parallel_loop3A_86, %parallel_loop3A_209 : vector<16xi32>
        tpu.vector_store_idx %arg7[%parallel_loop3A_212], %parallel_loop3A_211 : memref<32768xf32, #tpu.memory_space<vmem>>[vector<16xi32>], vector<16xf32>,
        %parallel_loop3A_213 = arith.constant 14 : i32
        %parallel_loop3A_214 = vector.broadcast %parallel_loop3A_213 : i32 to vector<16xi32>
        %parallel_loop3A_215 = arith.addi %iota3A, %parallel_loop3A_214 : vector<16xi32>
        %parallel_loop3A_216 = arith.constant 63 : i32
        %parallel_loop3A_217 = vector.broadcast %parallel_loop3A_216 : i32 to vector<16xi32>
        %parallel_loop3A_218 = arith.andi %parallel_loop3A_215, %parallel_loop3A_217 : vector<16xi32>
        %parallel_loop3A_219 = arith.addi %parallel_loop3A_79, %parallel_loop3A_218 : vector<16xi32>
        %parallel_loop3A_220 = tpu.vector_load_idx %arg5[%parallel_loop3A_219] : memref<16384xf32, #tpu.memory_space<vmem>>[vector<16xi32>], vector<16xf32>,
        %parallel_loop3A_221 = arith.addi %parallel_loop3A_86, %parallel_loop3A_218 : vector<16xi32>
        tpu.vector_store_idx %arg7[%parallel_loop3A_221], %parallel_loop3A_220 : memref<32768xf32, #tpu.memory_space<vmem>>[vector<16xi32>], vector<16xf32>,
        %parallel_loop3A_222 = arith.constant 15 : i32
        %parallel_loop3A_223 = vector.broadcast %parallel_loop3A_222 : i32 to vector<16xi32>
        %parallel_loop3A_224 = arith.addi %iota3A, %parallel_loop3A_223 : vector<16xi32>
        %parallel_loop3A_225 = arith.constant 63 : i32
        %parallel_loop3A_226 = vector.broadcast %parallel_loop3A_225 : i32 to vector<16xi32>
        %parallel_loop3A_227 = arith.andi %parallel_loop3A_224, %parallel_loop3A_226 : vector<16xi32>
        %parallel_loop3A_228 = arith.addi %parallel_loop3A_79, %parallel_loop3A_227 : vector<16xi32>
        %parallel_loop3A_229 = tpu.vector_load_idx %arg5[%parallel_loop3A_228] : memref<16384xf32, #tpu.memory_space<vmem>>[vector<16xi32>], vector<16xf32>,
        %parallel_loop3A_230 = arith.addi %parallel_loop3A_86, %parallel_loop3A_227 : vector<16xi32>
        tpu.vector_store_idx %arg7[%parallel_loop3A_230], %parallel_loop3A_229 : memref<32768xf32, #tpu.memory_space<vmem>>[vector<16xi32>], vector<16xf32>,
        %parallel_loop3A_231 = arith.constant 16 : i32
        %parallel_loop3A_232 = vector.broadcast %parallel_loop3A_231 : i32 to vector<16xi32>
        %parallel_loop3A_233 = arith.addi %iota3A, %parallel_loop3A_232 : vector<16xi32>
        %parallel_loop3A_234 = arith.constant 63 : i32
        %parallel_loop3A_235 = vector.broadcast %parallel_loop3A_234 : i32 to vector<16xi32>
        %parallel_loop3A_236 = arith.andi %parallel_loop3A_233, %parallel_loop3A_235 : vector<16xi32>
        %parallel_loop3A_237 = arith.addi %parallel_loop3A_79, %parallel_loop3A_236 : vector<16xi32>
        %parallel_loop3A_238 = tpu.vector_load_idx %arg5[%parallel_loop3A_237] : memref<16384xf32, #tpu.memory_space<vmem>>[vector<16xi32>], vector<16xf32>,
        %parallel_loop3A_239 = arith.addi %parallel_loop3A_86, %parallel_loop3A_236 : vector<16xi32>
        tpu.vector_store_idx %arg7[%parallel_loop3A_239], %parallel_loop3A_238 : memref<32768xf32, #tpu.memory_space<vmem>>[vector<16xi32>], vector<16xf32>,
        %parallel_loop3A_240 = arith.constant 17 : i32
        %parallel_loop3A_241 = vector.broadcast %parallel_loop3A_240 : i32 to vector<16xi32>
        %parallel_loop3A_242 = arith.addi %iota3A, %parallel_loop3A_241 : vector<16xi32>
        %parallel_loop3A_243 = arith.constant 63 : i32
        %parallel_loop3A_244 = vector.broadcast %parallel_loop3A_243 : i32 to vector<16xi32>
        %parallel_loop3A_245 = arith.andi %parallel_loop3A_242, %parallel_loop3A_244 : vector<16xi32>
        %parallel_loop3A_246 = arith.addi %parallel_loop3A_79, %parallel_loop3A_245 : vector<16xi32>
        %parallel_loop3A_247 = tpu.vector_load_idx %arg5[%parallel_loop3A_246] : memref<16384xf32, #tpu.memory_space<vmem>>[vector<16xi32>], vector<16xf32>,
        %parallel_loop3A_248 = arith.addi %parallel_loop3A_86, %parallel_loop3A_245 : vector<16xi32>
        tpu.vector_store_idx %arg7[%parallel_loop3A_248], %parallel_loop3A_247 : memref<32768xf32, #tpu.memory_space<vmem>>[vector<16xi32>], vector<16xf32>,
        %parallel_loop3A_249 = arith.constant 18 : i32
        %parallel_loop3A_250 = vector.broadcast %parallel_loop3A_249 : i32 to vector<16xi32>
        %parallel_loop3A_251 = arith.addi %iota3A, %parallel_loop3A_250 : vector<16xi32>
        %parallel_loop3A_252 = arith.constant 63 : i32
        %parallel_loop3A_253 = vector.broadcast %parallel_loop3A_252 : i32 to vector<16xi32>
        %parallel_loop3A_254 = arith.andi %parallel_loop3A_251, %parallel_loop3A_253 : vector<16xi32>
        %parallel_loop3A_255 = arith.addi %parallel_loop3A_79, %parallel_loop3A_254 : vector<16xi32>
        %parallel_loop3A_256 = tpu.vector_load_idx %arg5[%parallel_loop3A_255] : memref<16384xf32, #tpu.memory_space<vmem>>[vector<16xi32>], vector<16xf32>,
        %parallel_loop3A_257 = arith.addi %parallel_loop3A_86, %parallel_loop3A_254 : vector<16xi32>
        tpu.vector_store_idx %arg7[%parallel_loop3A_257], %parallel_loop3A_256 : memref<32768xf32, #tpu.memory_space<vmem>>[vector<16xi32>], vector<16xf32>,
        %parallel_loop3A_258 = arith.constant 19 : i32
        %parallel_loop3A_259 = vector.broadcast %parallel_loop3A_258 : i32 to vector<16xi32>
        %parallel_loop3A_260 = arith.addi %iota3A, %parallel_loop3A_259 : vector<16xi32>
        %parallel_loop3A_261 = arith.constant 63 : i32
        %parallel_loop3A_262 = vector.broadcast %parallel_loop3A_261 : i32 to vector<16xi32>
        %parallel_loop3A_263 = arith.andi %parallel_loop3A_260, %parallel_loop3A_262 : vector<16xi32>
        %parallel_loop3A_264 = arith.addi %parallel_loop3A_79, %parallel_loop3A_263 : vector<16xi32>
        %parallel_loop3A_265 = tpu.vector_load_idx %arg5[%parallel_loop3A_264] : memref<16384xf32, #tpu.memory_space<vmem>>[vector<16xi32>], vector<16xf32>,
        %parallel_loop3A_266 = arith.addi %parallel_loop3A_86, %parallel_loop3A_263 : vector<16xi32>
        tpu.vector_store_idx %arg7[%parallel_loop3A_266], %parallel_loop3A_265 : memref<32768xf32, #tpu.memory_space<vmem>>[vector<16xi32>], vector<16xf32>,
        %parallel_loop3A_267 = arith.constant 20 : i32
        %parallel_loop3A_268 = vector.broadcast %parallel_loop3A_267 : i32 to vector<16xi32>
        %parallel_loop3A_269 = arith.addi %iota3A, %parallel_loop3A_268 : vector<16xi32>
        %parallel_loop3A_270 = arith.constant 63 : i32
        %parallel_loop3A_271 = vector.broadcast %parallel_loop3A_270 : i32 to vector<16xi32>
        %parallel_loop3A_272 = arith.andi %parallel_loop3A_269, %parallel_loop3A_271 : vector<16xi32>
        %parallel_loop3A_273 = arith.addi %parallel_loop3A_79, %parallel_loop3A_272 : vector<16xi32>
        %parallel_loop3A_274 = tpu.vector_load_idx %arg5[%parallel_loop3A_273] : memref<16384xf32, #tpu.memory_space<vmem>>[vector<16xi32>], vector<16xf32>,
        %parallel_loop3A_275 = arith.addi %parallel_loop3A_86, %parallel_loop3A_272 : vector<16xi32>
        tpu.vector_store_idx %arg7[%parallel_loop3A_275], %parallel_loop3A_274 : memref<32768xf32, #tpu.memory_space<vmem>>[vector<16xi32>], vector<16xf32>,
        %parallel_loop3A_276 = arith.constant 21 : i32
        %parallel_loop3A_277 = vector.broadcast %parallel_loop3A_276 : i32 to vector<16xi32>
        %parallel_loop3A_278 = arith.addi %iota3A, %parallel_loop3A_277 : vector<16xi32>
        %parallel_loop3A_279 = arith.constant 63 : i32
        %parallel_loop3A_280 = vector.broadcast %parallel_loop3A_279 : i32 to vector<16xi32>
        %parallel_loop3A_281 = arith.andi %parallel_loop3A_278, %parallel_loop3A_280 : vector<16xi32>
        %parallel_loop3A_282 = arith.addi %parallel_loop3A_79, %parallel_loop3A_281 : vector<16xi32>
        %parallel_loop3A_283 = tpu.vector_load_idx %arg5[%parallel_loop3A_282] : memref<16384xf32, #tpu.memory_space<vmem>>[vector<16xi32>], vector<16xf32>,
        %parallel_loop3A_284 = arith.addi %parallel_loop3A_86, %parallel_loop3A_281 : vector<16xi32>
        tpu.vector_store_idx %arg7[%parallel_loop3A_284], %parallel_loop3A_283 : memref<32768xf32, #tpu.memory_space<vmem>>[vector<16xi32>], vector<16xf32>,
        %parallel_loop3A_285 = arith.constant 22 : i32
        %parallel_loop3A_286 = vector.broadcast %parallel_loop3A_285 : i32 to vector<16xi32>
        %parallel_loop3A_287 = arith.addi %iota3A, %parallel_loop3A_286 : vector<16xi32>
        %parallel_loop3A_288 = arith.constant 63 : i32
        %parallel_loop3A_289 = vector.broadcast %parallel_loop3A_288 : i32 to vector<16xi32>
        %parallel_loop3A_290 = arith.andi %parallel_loop3A_287, %parallel_loop3A_289 : vector<16xi32>
        %parallel_loop3A_291 = arith.addi %parallel_loop3A_79, %parallel_loop3A_290 : vector<16xi32>
        %parallel_loop3A_292 = tpu.vector_load_idx %arg5[%parallel_loop3A_291] : memref<16384xf32, #tpu.memory_space<vmem>>[vector<16xi32>], vector<16xf32>,
        %parallel_loop3A_293 = arith.addi %parallel_loop3A_86, %parallel_loop3A_290 : vector<16xi32>
        tpu.vector_store_idx %arg7[%parallel_loop3A_293], %parallel_loop3A_292 : memref<32768xf32, #tpu.memory_space<vmem>>[vector<16xi32>], vector<16xf32>,
        %parallel_loop3A_294 = arith.constant 23 : i32
        %parallel_loop3A_295 = vector.broadcast %parallel_loop3A_294 : i32 to vector<16xi32>
        %parallel_loop3A_296 = arith.addi %iota3A, %parallel_loop3A_295 : vector<16xi32>
        %parallel_loop3A_297 = arith.constant 63 : i32
        %parallel_loop3A_298 = vector.broadcast %parallel_loop3A_297 : i32 to vector<16xi32>
        %parallel_loop3A_299 = arith.andi %parallel_loop3A_296, %parallel_loop3A_298 : vector<16xi32>
        %parallel_loop3A_300 = arith.addi %parallel_loop3A_79, %parallel_loop3A_299 : vector<16xi32>
        %parallel_loop3A_301 = tpu.vector_load_idx %arg5[%parallel_loop3A_300] : memref<16384xf32, #tpu.memory_space<vmem>>[vector<16xi32>], vector<16xf32>,
        %parallel_loop3A_302 = arith.addi %parallel_loop3A_86, %parallel_loop3A_299 : vector<16xi32>
        tpu.vector_store_idx %arg7[%parallel_loop3A_302], %parallel_loop3A_301 : memref<32768xf32, #tpu.memory_space<vmem>>[vector<16xi32>], vector<16xf32>,
        %parallel_loop3A_303 = arith.constant 24 : i32
        %parallel_loop3A_304 = vector.broadcast %parallel_loop3A_303 : i32 to vector<16xi32>
        %parallel_loop3A_305 = arith.addi %iota3A, %parallel_loop3A_304 : vector<16xi32>
        %parallel_loop3A_306 = arith.constant 63 : i32
        %parallel_loop3A_307 = vector.broadcast %parallel_loop3A_306 : i32 to vector<16xi32>
        %parallel_loop3A_308 = arith.andi %parallel_loop3A_305, %parallel_loop3A_307 : vector<16xi32>
        %parallel_loop3A_309 = arith.addi %parallel_loop3A_79, %parallel_loop3A_308 : vector<16xi32>
        %parallel_loop3A_310 = tpu.vector_load_idx %arg5[%parallel_loop3A_309] : memref<16384xf32, #tpu.memory_space<vmem>>[vector<16xi32>], vector<16xf32>,
        %parallel_loop3A_311 = arith.addi %parallel_loop3A_86, %parallel_loop3A_308 : vector<16xi32>
        tpu.vector_store_idx %arg7[%parallel_loop3A_311], %parallel_loop3A_310 : memref<32768xf32, #tpu.memory_space<vmem>>[vector<16xi32>], vector<16xf32>,
        %parallel_loop3A_312 = arith.constant 25 : i32
        %parallel_loop3A_313 = vector.broadcast %parallel_loop3A_312 : i32 to vector<16xi32>
        %parallel_loop3A_314 = arith.addi %iota3A, %parallel_loop3A_313 : vector<16xi32>
        %parallel_loop3A_315 = arith.constant 63 : i32
        %parallel_loop3A_316 = vector.broadcast %parallel_loop3A_315 : i32 to vector<16xi32>
        %parallel_loop3A_317 = arith.andi %parallel_loop3A_314, %parallel_loop3A_316 : vector<16xi32>
        %parallel_loop3A_318 = arith.addi %parallel_loop3A_79, %parallel_loop3A_317 : vector<16xi32>
        %parallel_loop3A_319 = tpu.vector_load_idx %arg5[%parallel_loop3A_318] : memref<16384xf32, #tpu.memory_space<vmem>>[vector<16xi32>], vector<16xf32>,
        %parallel_loop3A_320 = arith.addi %parallel_loop3A_86, %parallel_loop3A_317 : vector<16xi32>
        tpu.vector_store_idx %arg7[%parallel_loop3A_320], %parallel_loop3A_319 : memref<32768xf32, #tpu.memory_space<vmem>>[vector<16xi32>], vector<16xf32>,
        %parallel_loop3A_321 = arith.constant 26 : i32
        %parallel_loop3A_322 = vector.broadcast %parallel_loop3A_321 : i32 to vector<16xi32>
        %parallel_loop3A_323 = arith.addi %iota3A, %parallel_loop3A_322 : vector<16xi32>
        %parallel_loop3A_324 = arith.constant 63 : i32
        %parallel_loop3A_325 = vector.broadcast %parallel_loop3A_324 : i32 to vector<16xi32>
        %parallel_loop3A_326 = arith.andi %parallel_loop3A_323, %parallel_loop3A_325 : vector<16xi32>
        %parallel_loop3A_327 = arith.addi %parallel_loop3A_79, %parallel_loop3A_326 : vector<16xi32>
        %parallel_loop3A_328 = tpu.vector_load_idx %arg5[%parallel_loop3A_327] : memref<16384xf32, #tpu.memory_space<vmem>>[vector<16xi32>], vector<16xf32>,
        %parallel_loop3A_329 = arith.addi %parallel_loop3A_86, %parallel_loop3A_326 : vector<16xi32>
        tpu.vector_store_idx %arg7[%parallel_loop3A_329], %parallel_loop3A_328 : memref<32768xf32, #tpu.memory_space<vmem>>[vector<16xi32>], vector<16xf32>,
        %parallel_loop3A_330 = arith.constant 27 : i32
        %parallel_loop3A_331 = vector.broadcast %parallel_loop3A_330 : i32 to vector<16xi32>
        %parallel_loop3A_332 = arith.addi %iota3A, %parallel_loop3A_331 : vector<16xi32>
        %parallel_loop3A_333 = arith.constant 63 : i32
        %parallel_loop3A_334 = vector.broadcast %parallel_loop3A_333 : i32 to vector<16xi32>
        %parallel_loop3A_335 = arith.andi %parallel_loop3A_332, %parallel_loop3A_334 : vector<16xi32>
        %parallel_loop3A_336 = arith.addi %parallel_loop3A_79, %parallel_loop3A_335 : vector<16xi32>
        %parallel_loop3A_337 = tpu.vector_load_idx %arg5[%parallel_loop3A_336] : memref<16384xf32, #tpu.memory_space<vmem>>[vector<16xi32>], vector<16xf32>,
        %parallel_loop3A_338 = arith.addi %parallel_loop3A_86, %parallel_loop3A_335 : vector<16xi32>
        tpu.vector_store_idx %arg7[%parallel_loop3A_338], %parallel_loop3A_337 : memref<32768xf32, #tpu.memory_space<vmem>>[vector<16xi32>], vector<16xf32>,
        %parallel_loop3A_339 = arith.constant 28 : i32
        %parallel_loop3A_340 = vector.broadcast %parallel_loop3A_339 : i32 to vector<16xi32>
        %parallel_loop3A_341 = arith.addi %iota3A, %parallel_loop3A_340 : vector<16xi32>
        %parallel_loop3A_342 = arith.constant 63 : i32
        %parallel_loop3A_343 = vector.broadcast %parallel_loop3A_342 : i32 to vector<16xi32>
        %parallel_loop3A_344 = arith.andi %parallel_loop3A_341, %parallel_loop3A_343 : vector<16xi32>
        %parallel_loop3A_345 = arith.addi %parallel_loop3A_79, %parallel_loop3A_344 : vector<16xi32>
        %parallel_loop3A_346 = tpu.vector_load_idx %arg5[%parallel_loop3A_345] : memref<16384xf32, #tpu.memory_space<vmem>>[vector<16xi32>], vector<16xf32>,
        %parallel_loop3A_347 = arith.addi %parallel_loop3A_86, %parallel_loop3A_344 : vector<16xi32>
        tpu.vector_store_idx %arg7[%parallel_loop3A_347], %parallel_loop3A_346 : memref<32768xf32, #tpu.memory_space<vmem>>[vector<16xi32>], vector<16xf32>,
        %parallel_loop3A_348 = arith.constant 29 : i32
        %parallel_loop3A_349 = vector.broadcast %parallel_loop3A_348 : i32 to vector<16xi32>
        %parallel_loop3A_350 = arith.addi %iota3A, %parallel_loop3A_349 : vector<16xi32>
        %parallel_loop3A_351 = arith.constant 63 : i32
        %parallel_loop3A_352 = vector.broadcast %parallel_loop3A_351 : i32 to vector<16xi32>
        %parallel_loop3A_353 = arith.andi %parallel_loop3A_350, %parallel_loop3A_352 : vector<16xi32>
        %parallel_loop3A_354 = arith.addi %parallel_loop3A_79, %parallel_loop3A_353 : vector<16xi32>
        %parallel_loop3A_355 = tpu.vector_load_idx %arg5[%parallel_loop3A_354] : memref<16384xf32, #tpu.memory_space<vmem>>[vector<16xi32>], vector<16xf32>,
        %parallel_loop3A_356 = arith.addi %parallel_loop3A_86, %parallel_loop3A_353 : vector<16xi32>
        tpu.vector_store_idx %arg7[%parallel_loop3A_356], %parallel_loop3A_355 : memref<32768xf32, #tpu.memory_space<vmem>>[vector<16xi32>], vector<16xf32>,
        %parallel_loop3A_357 = arith.constant 30 : i32
        %parallel_loop3A_358 = vector.broadcast %parallel_loop3A_357 : i32 to vector<16xi32>
        %parallel_loop3A_359 = arith.addi %iota3A, %parallel_loop3A_358 : vector<16xi32>
        %parallel_loop3A_360 = arith.constant 63 : i32
        %parallel_loop3A_361 = vector.broadcast %parallel_loop3A_360 : i32 to vector<16xi32>
        %parallel_loop3A_362 = arith.andi %parallel_loop3A_359, %parallel_loop3A_361 : vector<16xi32>
        %parallel_loop3A_363 = arith.addi %parallel_loop3A_79, %parallel_loop3A_362 : vector<16xi32>
        %parallel_loop3A_364 = tpu.vector_load_idx %arg5[%parallel_loop3A_363] : memref<16384xf32, #tpu.memory_space<vmem>>[vector<16xi32>], vector<16xf32>,
        %parallel_loop3A_365 = arith.addi %parallel_loop3A_86, %parallel_loop3A_362 : vector<16xi32>
        tpu.vector_store_idx %arg7[%parallel_loop3A_365], %parallel_loop3A_364 : memref<32768xf32, #tpu.memory_space<vmem>>[vector<16xi32>], vector<16xf32>,
        %parallel_loop3A_366 = arith.constant 31 : i32
        %parallel_loop3A_367 = vector.broadcast %parallel_loop3A_366 : i32 to vector<16xi32>
        %parallel_loop3A_368 = arith.addi %iota3A, %parallel_loop3A_367 : vector<16xi32>
        %parallel_loop3A_369 = arith.constant 63 : i32
        %parallel_loop3A_370 = vector.broadcast %parallel_loop3A_369 : i32 to vector<16xi32>
        %parallel_loop3A_371 = arith.andi %parallel_loop3A_368, %parallel_loop3A_370 : vector<16xi32>
        %parallel_loop3A_372 = arith.addi %parallel_loop3A_79, %parallel_loop3A_371 : vector<16xi32>
        %parallel_loop3A_373 = tpu.vector_load_idx %arg5[%parallel_loop3A_372] : memref<16384xf32, #tpu.memory_space<vmem>>[vector<16xi32>], vector<16xf32>,
        %parallel_loop3A_374 = arith.addi %parallel_loop3A_86, %parallel_loop3A_371 : vector<16xi32>
        tpu.vector_store_idx %arg7[%parallel_loop3A_374], %parallel_loop3A_373 : memref<32768xf32, #tpu.memory_space<vmem>>[vector<16xi32>], vector<16xf32>,
        %parallel_loop3A_375 = arith.constant 32 : i32
        %parallel_loop3A_376 = vector.broadcast %parallel_loop3A_375 : i32 to vector<16xi32>
        %parallel_loop3A_377 = arith.addi %iota3A, %parallel_loop3A_376 : vector<16xi32>
        %parallel_loop3A_378 = arith.constant 63 : i32
        %parallel_loop3A_379 = vector.broadcast %parallel_loop3A_378 : i32 to vector<16xi32>
        %parallel_loop3A_380 = arith.andi %parallel_loop3A_377, %parallel_loop3A_379 : vector<16xi32>
        %parallel_loop3A_381 = arith.addi %parallel_loop3A_79, %parallel_loop3A_380 : vector<16xi32>
        %parallel_loop3A_382 = tpu.vector_load_idx %arg5[%parallel_loop3A_381] : memref<16384xf32, #tpu.memory_space<vmem>>[vector<16xi32>], vector<16xf32>,
        %parallel_loop3A_383 = arith.addi %parallel_loop3A_86, %parallel_loop3A_380 : vector<16xi32>
        tpu.vector_store_idx %arg7[%parallel_loop3A_383], %parallel_loop3A_382 : memref<32768xf32, #tpu.memory_space<vmem>>[vector<16xi32>], vector<16xf32>,
        %parallel_loop3A_384 = arith.constant 33 : i32
        %parallel_loop3A_385 = vector.broadcast %parallel_loop3A_384 : i32 to vector<16xi32>
        %parallel_loop3A_386 = arith.addi %iota3A, %parallel_loop3A_385 : vector<16xi32>
        %parallel_loop3A_387 = arith.constant 63 : i32
        %parallel_loop3A_388 = vector.broadcast %parallel_loop3A_387 : i32 to vector<16xi32>
        %parallel_loop3A_389 = arith.andi %parallel_loop3A_386, %parallel_loop3A_388 : vector<16xi32>
        %parallel_loop3A_390 = arith.addi %parallel_loop3A_79, %parallel_loop3A_389 : vector<16xi32>
        %parallel_loop3A_391 = tpu.vector_load_idx %arg5[%parallel_loop3A_390] : memref<16384xf32, #tpu.memory_space<vmem>>[vector<16xi32>], vector<16xf32>,
        %parallel_loop3A_392 = arith.addi %parallel_loop3A_86, %parallel_loop3A_389 : vector<16xi32>
        tpu.vector_store_idx %arg7[%parallel_loop3A_392], %parallel_loop3A_391 : memref<32768xf32, #tpu.memory_space<vmem>>[vector<16xi32>], vector<16xf32>,
        %parallel_loop3A_393 = arith.constant 34 : i32
        %parallel_loop3A_394 = vector.broadcast %parallel_loop3A_393 : i32 to vector<16xi32>
        %parallel_loop3A_395 = arith.addi %iota3A, %parallel_loop3A_394 : vector<16xi32>
        %parallel_loop3A_396 = arith.constant 63 : i32
        %parallel_loop3A_397 = vector.broadcast %parallel_loop3A_396 : i32 to vector<16xi32>
        %parallel_loop3A_398 = arith.andi %parallel_loop3A_395, %parallel_loop3A_397 : vector<16xi32>
        %parallel_loop3A_399 = arith.addi %parallel_loop3A_79, %parallel_loop3A_398 : vector<16xi32>
        %parallel_loop3A_400 = tpu.vector_load_idx %arg5[%parallel_loop3A_399] : memref<16384xf32, #tpu.memory_space<vmem>>[vector<16xi32>], vector<16xf32>,
        %parallel_loop3A_401 = arith.addi %parallel_loop3A_86, %parallel_loop3A_398 : vector<16xi32>
        tpu.vector_store_idx %arg7[%parallel_loop3A_401], %parallel_loop3A_400 : memref<32768xf32, #tpu.memory_space<vmem>>[vector<16xi32>], vector<16xf32>,
        %parallel_loop3A_402 = arith.constant 35 : i32
        %parallel_loop3A_403 = vector.broadcast %parallel_loop3A_402 : i32 to vector<16xi32>
        %parallel_loop3A_404 = arith.addi %iota3A, %parallel_loop3A_403 : vector<16xi32>
        %parallel_loop3A_405 = arith.constant 63 : i32
        %parallel_loop3A_406 = vector.broadcast %parallel_loop3A_405 : i32 to vector<16xi32>
        %parallel_loop3A_407 = arith.andi %parallel_loop3A_404, %parallel_loop3A_406 : vector<16xi32>
        %parallel_loop3A_408 = arith.addi %parallel_loop3A_79, %parallel_loop3A_407 : vector<16xi32>
        %parallel_loop3A_409 = tpu.vector_load_idx %arg5[%parallel_loop3A_408] : memref<16384xf32, #tpu.memory_space<vmem>>[vector<16xi32>], vector<16xf32>,
        %parallel_loop3A_410 = arith.addi %parallel_loop3A_86, %parallel_loop3A_407 : vector<16xi32>
        tpu.vector_store_idx %arg7[%parallel_loop3A_410], %parallel_loop3A_409 : memref<32768xf32, #tpu.memory_space<vmem>>[vector<16xi32>], vector<16xf32>,
        %parallel_loop3A_411 = arith.constant 36 : i32
        %parallel_loop3A_412 = vector.broadcast %parallel_loop3A_411 : i32 to vector<16xi32>
        %parallel_loop3A_413 = arith.addi %iota3A, %parallel_loop3A_412 : vector<16xi32>
        %parallel_loop3A_414 = arith.constant 63 : i32
        %parallel_loop3A_415 = vector.broadcast %parallel_loop3A_414 : i32 to vector<16xi32>
        %parallel_loop3A_416 = arith.andi %parallel_loop3A_413, %parallel_loop3A_415 : vector<16xi32>
        %parallel_loop3A_417 = arith.addi %parallel_loop3A_79, %parallel_loop3A_416 : vector<16xi32>
        %parallel_loop3A_418 = tpu.vector_load_idx %arg5[%parallel_loop3A_417] : memref<16384xf32, #tpu.memory_space<vmem>>[vector<16xi32>], vector<16xf32>,
        %parallel_loop3A_419 = arith.addi %parallel_loop3A_86, %parallel_loop3A_416 : vector<16xi32>
        tpu.vector_store_idx %arg7[%parallel_loop3A_419], %parallel_loop3A_418 : memref<32768xf32, #tpu.memory_space<vmem>>[vector<16xi32>], vector<16xf32>,
        %parallel_loop3A_420 = arith.constant 37 : i32
        %parallel_loop3A_421 = vector.broadcast %parallel_loop3A_420 : i32 to vector<16xi32>
        %parallel_loop3A_422 = arith.addi %iota3A, %parallel_loop3A_421 : vector<16xi32>
        %parallel_loop3A_423 = arith.constant 63 : i32
        %parallel_loop3A_424 = vector.broadcast %parallel_loop3A_423 : i32 to vector<16xi32>
        %parallel_loop3A_425 = arith.andi %parallel_loop3A_422, %parallel_loop3A_424 : vector<16xi32>
        %parallel_loop3A_426 = arith.addi %parallel_loop3A_79, %parallel_loop3A_425 : vector<16xi32>
        %parallel_loop3A_427 = tpu.vector_load_idx %arg5[%parallel_loop3A_426] : memref<16384xf32, #tpu.memory_space<vmem>>[vector<16xi32>], vector<16xf32>,
        %parallel_loop3A_428 = arith.addi %parallel_loop3A_86, %parallel_loop3A_425 : vector<16xi32>
        tpu.vector_store_idx %arg7[%parallel_loop3A_428], %parallel_loop3A_427 : memref<32768xf32, #tpu.memory_space<vmem>>[vector<16xi32>], vector<16xf32>,
        %parallel_loop3A_429 = arith.constant 38 : i32
        %parallel_loop3A_430 = vector.broadcast %parallel_loop3A_429 : i32 to vector<16xi32>
        %parallel_loop3A_431 = arith.addi %iota3A, %parallel_loop3A_430 : vector<16xi32>
        %parallel_loop3A_432 = arith.constant 63 : i32
        %parallel_loop3A_433 = vector.broadcast %parallel_loop3A_432 : i32 to vector<16xi32>
        %parallel_loop3A_434 = arith.andi %parallel_loop3A_431, %parallel_loop3A_433 : vector<16xi32>
        %parallel_loop3A_435 = arith.addi %parallel_loop3A_79, %parallel_loop3A_434 : vector<16xi32>
        %parallel_loop3A_436 = tpu.vector_load_idx %arg5[%parallel_loop3A_435] : memref<16384xf32, #tpu.memory_space<vmem>>[vector<16xi32>], vector<16xf32>,
        %parallel_loop3A_437 = arith.addi %parallel_loop3A_86, %parallel_loop3A_434 : vector<16xi32>
        tpu.vector_store_idx %arg7[%parallel_loop3A_437], %parallel_loop3A_436 : memref<32768xf32, #tpu.memory_space<vmem>>[vector<16xi32>], vector<16xf32>,
        %parallel_loop3A_438 = arith.constant 39 : i32
        %parallel_loop3A_439 = vector.broadcast %parallel_loop3A_438 : i32 to vector<16xi32>
        %parallel_loop3A_440 = arith.addi %iota3A, %parallel_loop3A_439 : vector<16xi32>
        %parallel_loop3A_441 = arith.constant 63 : i32
        %parallel_loop3A_442 = vector.broadcast %parallel_loop3A_441 : i32 to vector<16xi32>
        %parallel_loop3A_443 = arith.andi %parallel_loop3A_440, %parallel_loop3A_442 : vector<16xi32>
        %parallel_loop3A_444 = arith.addi %parallel_loop3A_79, %parallel_loop3A_443 : vector<16xi32>
        %parallel_loop3A_445 = tpu.vector_load_idx %arg5[%parallel_loop3A_444] : memref<16384xf32, #tpu.memory_space<vmem>>[vector<16xi32>], vector<16xf32>,
        %parallel_loop3A_446 = arith.addi %parallel_loop3A_86, %parallel_loop3A_443 : vector<16xi32>
        tpu.vector_store_idx %arg7[%parallel_loop3A_446], %parallel_loop3A_445 : memref<32768xf32, #tpu.memory_space<vmem>>[vector<16xi32>], vector<16xf32>,
        %parallel_loop3A_447 = arith.constant 40 : i32
        %parallel_loop3A_448 = vector.broadcast %parallel_loop3A_447 : i32 to vector<16xi32>
        %parallel_loop3A_449 = arith.addi %iota3A, %parallel_loop3A_448 : vector<16xi32>
        %parallel_loop3A_450 = arith.constant 63 : i32
        %parallel_loop3A_451 = vector.broadcast %parallel_loop3A_450 : i32 to vector<16xi32>
        %parallel_loop3A_452 = arith.andi %parallel_loop3A_449, %parallel_loop3A_451 : vector<16xi32>
        %parallel_loop3A_453 = arith.addi %parallel_loop3A_79, %parallel_loop3A_452 : vector<16xi32>
        %parallel_loop3A_454 = tpu.vector_load_idx %arg5[%parallel_loop3A_453] : memref<16384xf32, #tpu.memory_space<vmem>>[vector<16xi32>], vector<16xf32>,
        %parallel_loop3A_455 = arith.addi %parallel_loop3A_86, %parallel_loop3A_452 : vector<16xi32>
        tpu.vector_store_idx %arg7[%parallel_loop3A_455], %parallel_loop3A_454 : memref<32768xf32, #tpu.memory_space<vmem>>[vector<16xi32>], vector<16xf32>,
        %parallel_loop3A_456 = arith.constant 41 : i32
        %parallel_loop3A_457 = vector.broadcast %parallel_loop3A_456 : i32 to vector<16xi32>
        %parallel_loop3A_458 = arith.addi %iota3A, %parallel_loop3A_457 : vector<16xi32>
        %parallel_loop3A_459 = arith.constant 63 : i32
        %parallel_loop3A_460 = vector.broadcast %parallel_loop3A_459 : i32 to vector<16xi32>
        %parallel_loop3A_461 = arith.andi %parallel_loop3A_458, %parallel_loop3A_460 : vector<16xi32>
        %parallel_loop3A_462 = arith.addi %parallel_loop3A_79, %parallel_loop3A_461 : vector<16xi32>
        %parallel_loop3A_463 = tpu.vector_load_idx %arg5[%parallel_loop3A_462] : memref<16384xf32, #tpu.memory_space<vmem>>[vector<16xi32>], vector<16xf32>,
        %parallel_loop3A_464 = arith.addi %parallel_loop3A_86, %parallel_loop3A_461 : vector<16xi32>
        tpu.vector_store_idx %arg7[%parallel_loop3A_464], %parallel_loop3A_463 : memref<32768xf32, #tpu.memory_space<vmem>>[vector<16xi32>], vector<16xf32>,
        %parallel_loop3A_465 = arith.constant 42 : i32
        %parallel_loop3A_466 = vector.broadcast %parallel_loop3A_465 : i32 to vector<16xi32>
        %parallel_loop3A_467 = arith.addi %iota3A, %parallel_loop3A_466 : vector<16xi32>
        %parallel_loop3A_468 = arith.constant 63 : i32
        %parallel_loop3A_469 = vector.broadcast %parallel_loop3A_468 : i32 to vector<16xi32>
        %parallel_loop3A_470 = arith.andi %parallel_loop3A_467, %parallel_loop3A_469 : vector<16xi32>
        %parallel_loop3A_471 = arith.addi %parallel_loop3A_79, %parallel_loop3A_470 : vector<16xi32>
        %parallel_loop3A_472 = tpu.vector_load_idx %arg5[%parallel_loop3A_471] : memref<16384xf32, #tpu.memory_space<vmem>>[vector<16xi32>], vector<16xf32>,
        %parallel_loop3A_473 = arith.addi %parallel_loop3A_86, %parallel_loop3A_470 : vector<16xi32>
        tpu.vector_store_idx %arg7[%parallel_loop3A_473], %parallel_loop3A_472 : memref<32768xf32, #tpu.memory_space<vmem>>[vector<16xi32>], vector<16xf32>,
        %parallel_loop3A_474 = arith.constant 43 : i32
        %parallel_loop3A_475 = vector.broadcast %parallel_loop3A_474 : i32 to vector<16xi32>
        %parallel_loop3A_476 = arith.addi %iota3A, %parallel_loop3A_475 : vector<16xi32>
        %parallel_loop3A_477 = arith.constant 63 : i32
        %parallel_loop3A_478 = vector.broadcast %parallel_loop3A_477 : i32 to vector<16xi32>
        %parallel_loop3A_479 = arith.andi %parallel_loop3A_476, %parallel_loop3A_478 : vector<16xi32>
        %parallel_loop3A_480 = arith.addi %parallel_loop3A_79, %parallel_loop3A_479 : vector<16xi32>
        %parallel_loop3A_481 = tpu.vector_load_idx %arg5[%parallel_loop3A_480] : memref<16384xf32, #tpu.memory_space<vmem>>[vector<16xi32>], vector<16xf32>,
        %parallel_loop3A_482 = arith.addi %parallel_loop3A_86, %parallel_loop3A_479 : vector<16xi32>
        tpu.vector_store_idx %arg7[%parallel_loop3A_482], %parallel_loop3A_481 : memref<32768xf32, #tpu.memory_space<vmem>>[vector<16xi32>], vector<16xf32>,
        %parallel_loop3A_483 = arith.constant 44 : i32
        %parallel_loop3A_484 = vector.broadcast %parallel_loop3A_483 : i32 to vector<16xi32>
        %parallel_loop3A_485 = arith.addi %iota3A, %parallel_loop3A_484 : vector<16xi32>
        %parallel_loop3A_486 = arith.constant 63 : i32
        %parallel_loop3A_487 = vector.broadcast %parallel_loop3A_486 : i32 to vector<16xi32>
        %parallel_loop3A_488 = arith.andi %parallel_loop3A_485, %parallel_loop3A_487 : vector<16xi32>
        %parallel_loop3A_489 = arith.addi %parallel_loop3A_79, %parallel_loop3A_488 : vector<16xi32>
        %parallel_loop3A_490 = tpu.vector_load_idx %arg5[%parallel_loop3A_489] : memref<16384xf32, #tpu.memory_space<vmem>>[vector<16xi32>], vector<16xf32>,
        %parallel_loop3A_491 = arith.addi %parallel_loop3A_86, %parallel_loop3A_488 : vector<16xi32>
        tpu.vector_store_idx %arg7[%parallel_loop3A_491], %parallel_loop3A_490 : memref<32768xf32, #tpu.memory_space<vmem>>[vector<16xi32>], vector<16xf32>,
        %parallel_loop3A_492 = arith.constant 45 : i32
        %parallel_loop3A_493 = vector.broadcast %parallel_loop3A_492 : i32 to vector<16xi32>
        %parallel_loop3A_494 = arith.addi %iota3A, %parallel_loop3A_493 : vector<16xi32>
        %parallel_loop3A_495 = arith.constant 63 : i32
        %parallel_loop3A_496 = vector.broadcast %parallel_loop3A_495 : i32 to vector<16xi32>
        %parallel_loop3A_497 = arith.andi %parallel_loop3A_494, %parallel_loop3A_496 : vector<16xi32>
        %parallel_loop3A_498 = arith.addi %parallel_loop3A_79, %parallel_loop3A_497 : vector<16xi32>
        %parallel_loop3A_499 = tpu.vector_load_idx %arg5[%parallel_loop3A_498] : memref<16384xf32, #tpu.memory_space<vmem>>[vector<16xi32>], vector<16xf32>,
        %parallel_loop3A_500 = arith.addi %parallel_loop3A_86, %parallel_loop3A_497 : vector<16xi32>
        tpu.vector_store_idx %arg7[%parallel_loop3A_500], %parallel_loop3A_499 : memref<32768xf32, #tpu.memory_space<vmem>>[vector<16xi32>], vector<16xf32>,
        %parallel_loop3A_501 = arith.constant 46 : i32
        %parallel_loop3A_502 = vector.broadcast %parallel_loop3A_501 : i32 to vector<16xi32>
        %parallel_loop3A_503 = arith.addi %iota3A, %parallel_loop3A_502 : vector<16xi32>
        %parallel_loop3A_504 = arith.constant 63 : i32
        %parallel_loop3A_505 = vector.broadcast %parallel_loop3A_504 : i32 to vector<16xi32>
        %parallel_loop3A_506 = arith.andi %parallel_loop3A_503, %parallel_loop3A_505 : vector<16xi32>
        %parallel_loop3A_507 = arith.addi %parallel_loop3A_79, %parallel_loop3A_506 : vector<16xi32>
        %parallel_loop3A_508 = tpu.vector_load_idx %arg5[%parallel_loop3A_507] : memref<16384xf32, #tpu.memory_space<vmem>>[vector<16xi32>], vector<16xf32>,
        %parallel_loop3A_509 = arith.addi %parallel_loop3A_86, %parallel_loop3A_506 : vector<16xi32>
        tpu.vector_store_idx %arg7[%parallel_loop3A_509], %parallel_loop3A_508 : memref<32768xf32, #tpu.memory_space<vmem>>[vector<16xi32>], vector<16xf32>,
        %parallel_loop3A_510 = arith.constant 47 : i32
        %parallel_loop3A_511 = vector.broadcast %parallel_loop3A_510 : i32 to vector<16xi32>
        %parallel_loop3A_512 = arith.addi %iota3A, %parallel_loop3A_511 : vector<16xi32>
        %parallel_loop3A_513 = arith.constant 63 : i32
        %parallel_loop3A_514 = vector.broadcast %parallel_loop3A_513 : i32 to vector<16xi32>
        %parallel_loop3A_515 = arith.andi %parallel_loop3A_512, %parallel_loop3A_514 : vector<16xi32>
        %parallel_loop3A_516 = arith.addi %parallel_loop3A_79, %parallel_loop3A_515 : vector<16xi32>
        %parallel_loop3A_517 = tpu.vector_load_idx %arg5[%parallel_loop3A_516] : memref<16384xf32, #tpu.memory_space<vmem>>[vector<16xi32>], vector<16xf32>,
        %parallel_loop3A_518 = arith.addi %parallel_loop3A_86, %parallel_loop3A_515 : vector<16xi32>
        tpu.vector_store_idx %arg7[%parallel_loop3A_518], %parallel_loop3A_517 : memref<32768xf32, #tpu.memory_space<vmem>>[vector<16xi32>], vector<16xf32>,
        %parallel_loop3A_519 = arith.constant 48 : i32
        %parallel_loop3A_520 = vector.broadcast %parallel_loop3A_519 : i32 to vector<16xi32>
        %parallel_loop3A_521 = arith.addi %iota3A, %parallel_loop3A_520 : vector<16xi32>
        %parallel_loop3A_522 = arith.constant 63 : i32
        %parallel_loop3A_523 = vector.broadcast %parallel_loop3A_522 : i32 to vector<16xi32>
        %parallel_loop3A_524 = arith.andi %parallel_loop3A_521, %parallel_loop3A_523 : vector<16xi32>
        %parallel_loop3A_525 = arith.addi %parallel_loop3A_79, %parallel_loop3A_524 : vector<16xi32>
        %parallel_loop3A_526 = tpu.vector_load_idx %arg5[%parallel_loop3A_525] : memref<16384xf32, #tpu.memory_space<vmem>>[vector<16xi32>], vector<16xf32>,
        %parallel_loop3A_527 = arith.addi %parallel_loop3A_86, %parallel_loop3A_524 : vector<16xi32>
        tpu.vector_store_idx %arg7[%parallel_loop3A_527], %parallel_loop3A_526 : memref<32768xf32, #tpu.memory_space<vmem>>[vector<16xi32>], vector<16xf32>,
        %parallel_loop3A_528 = arith.constant 49 : i32
        %parallel_loop3A_529 = vector.broadcast %parallel_loop3A_528 : i32 to vector<16xi32>
        %parallel_loop3A_530 = arith.addi %iota3A, %parallel_loop3A_529 : vector<16xi32>
        %parallel_loop3A_531 = arith.constant 63 : i32
        %parallel_loop3A_532 = vector.broadcast %parallel_loop3A_531 : i32 to vector<16xi32>
        %parallel_loop3A_533 = arith.andi %parallel_loop3A_530, %parallel_loop3A_532 : vector<16xi32>
        %parallel_loop3A_534 = arith.addi %parallel_loop3A_79, %parallel_loop3A_533 : vector<16xi32>
        %parallel_loop3A_535 = tpu.vector_load_idx %arg5[%parallel_loop3A_534] : memref<16384xf32, #tpu.memory_space<vmem>>[vector<16xi32>], vector<16xf32>,
        %parallel_loop3A_536 = arith.addi %parallel_loop3A_86, %parallel_loop3A_533 : vector<16xi32>
        tpu.vector_store_idx %arg7[%parallel_loop3A_536], %parallel_loop3A_535 : memref<32768xf32, #tpu.memory_space<vmem>>[vector<16xi32>], vector<16xf32>,
        %parallel_loop3A_537 = arith.constant 50 : i32
        %parallel_loop3A_538 = vector.broadcast %parallel_loop3A_537 : i32 to vector<16xi32>
        %parallel_loop3A_539 = arith.addi %iota3A, %parallel_loop3A_538 : vector<16xi32>
        %parallel_loop3A_540 = arith.constant 63 : i32
        %parallel_loop3A_541 = vector.broadcast %parallel_loop3A_540 : i32 to vector<16xi32>
        %parallel_loop3A_542 = arith.andi %parallel_loop3A_539, %parallel_loop3A_541 : vector<16xi32>
        %parallel_loop3A_543 = arith.addi %parallel_loop3A_79, %parallel_loop3A_542 : vector<16xi32>
        %parallel_loop3A_544 = tpu.vector_load_idx %arg5[%parallel_loop3A_543] : memref<16384xf32, #tpu.memory_space<vmem>>[vector<16xi32>], vector<16xf32>,
        %parallel_loop3A_545 = arith.addi %parallel_loop3A_86, %parallel_loop3A_542 : vector<16xi32>
        tpu.vector_store_idx %arg7[%parallel_loop3A_545], %parallel_loop3A_544 : memref<32768xf32, #tpu.memory_space<vmem>>[vector<16xi32>], vector<16xf32>,
        %parallel_loop3A_546 = arith.constant 51 : i32
        %parallel_loop3A_547 = vector.broadcast %parallel_loop3A_546 : i32 to vector<16xi32>
        %parallel_loop3A_548 = arith.addi %iota3A, %parallel_loop3A_547 : vector<16xi32>
        %parallel_loop3A_549 = arith.constant 63 : i32
        %parallel_loop3A_550 = vector.broadcast %parallel_loop3A_549 : i32 to vector<16xi32>
        %parallel_loop3A_551 = arith.andi %parallel_loop3A_548, %parallel_loop3A_550 : vector<16xi32>
        %parallel_loop3A_552 = arith.addi %parallel_loop3A_79, %parallel_loop3A_551 : vector<16xi32>
        %parallel_loop3A_553 = tpu.vector_load_idx %arg5[%parallel_loop3A_552] : memref<16384xf32, #tpu.memory_space<vmem>>[vector<16xi32>], vector<16xf32>,
        %parallel_loop3A_554 = arith.addi %parallel_loop3A_86, %parallel_loop3A_551 : vector<16xi32>
        tpu.vector_store_idx %arg7[%parallel_loop3A_554], %parallel_loop3A_553 : memref<32768xf32, #tpu.memory_space<vmem>>[vector<16xi32>], vector<16xf32>,
        %parallel_loop3A_555 = arith.constant 52 : i32
        %parallel_loop3A_556 = vector.broadcast %parallel_loop3A_555 : i32 to vector<16xi32>
        %parallel_loop3A_557 = arith.addi %iota3A, %parallel_loop3A_556 : vector<16xi32>
        %parallel_loop3A_558 = arith.constant 63 : i32
        %parallel_loop3A_559 = vector.broadcast %parallel_loop3A_558 : i32 to vector<16xi32>
        %parallel_loop3A_560 = arith.andi %parallel_loop3A_557, %parallel_loop3A_559 : vector<16xi32>
        %parallel_loop3A_561 = arith.addi %parallel_loop3A_79, %parallel_loop3A_560 : vector<16xi32>
        %parallel_loop3A_562 = tpu.vector_load_idx %arg5[%parallel_loop3A_561] : memref<16384xf32, #tpu.memory_space<vmem>>[vector<16xi32>], vector<16xf32>,
        %parallel_loop3A_563 = arith.addi %parallel_loop3A_86, %parallel_loop3A_560 : vector<16xi32>
        tpu.vector_store_idx %arg7[%parallel_loop3A_563], %parallel_loop3A_562 : memref<32768xf32, #tpu.memory_space<vmem>>[vector<16xi32>], vector<16xf32>,
        %parallel_loop3A_564 = arith.constant 53 : i32
        %parallel_loop3A_565 = vector.broadcast %parallel_loop3A_564 : i32 to vector<16xi32>
        %parallel_loop3A_566 = arith.addi %iota3A, %parallel_loop3A_565 : vector<16xi32>
        %parallel_loop3A_567 = arith.constant 63 : i32
        %parallel_loop3A_568 = vector.broadcast %parallel_loop3A_567 : i32 to vector<16xi32>
        %parallel_loop3A_569 = arith.andi %parallel_loop3A_566, %parallel_loop3A_568 : vector<16xi32>
        %parallel_loop3A_570 = arith.addi %parallel_loop3A_79, %parallel_loop3A_569 : vector<16xi32>
        %parallel_loop3A_571 = tpu.vector_load_idx %arg5[%parallel_loop3A_570] : memref<16384xf32, #tpu.memory_space<vmem>>[vector<16xi32>], vector<16xf32>,
        %parallel_loop3A_572 = arith.addi %parallel_loop3A_86, %parallel_loop3A_569 : vector<16xi32>
        tpu.vector_store_idx %arg7[%parallel_loop3A_572], %parallel_loop3A_571 : memref<32768xf32, #tpu.memory_space<vmem>>[vector<16xi32>], vector<16xf32>,
        %parallel_loop3A_573 = arith.constant 54 : i32
        %parallel_loop3A_574 = vector.broadcast %parallel_loop3A_573 : i32 to vector<16xi32>
        %parallel_loop3A_575 = arith.addi %iota3A, %parallel_loop3A_574 : vector<16xi32>
        %parallel_loop3A_576 = arith.constant 63 : i32
        %parallel_loop3A_577 = vector.broadcast %parallel_loop3A_576 : i32 to vector<16xi32>
        %parallel_loop3A_578 = arith.andi %parallel_loop3A_575, %parallel_loop3A_577 : vector<16xi32>
        %parallel_loop3A_579 = arith.addi %parallel_loop3A_79, %parallel_loop3A_578 : vector<16xi32>
        %parallel_loop3A_580 = tpu.vector_load_idx %arg5[%parallel_loop3A_579] : memref<16384xf32, #tpu.memory_space<vmem>>[vector<16xi32>], vector<16xf32>,
        %parallel_loop3A_581 = arith.addi %parallel_loop3A_86, %parallel_loop3A_578 : vector<16xi32>
        tpu.vector_store_idx %arg7[%parallel_loop3A_581], %parallel_loop3A_580 : memref<32768xf32, #tpu.memory_space<vmem>>[vector<16xi32>], vector<16xf32>,
        %parallel_loop3A_582 = arith.constant 55 : i32
        %parallel_loop3A_583 = vector.broadcast %parallel_loop3A_582 : i32 to vector<16xi32>
        %parallel_loop3A_584 = arith.addi %iota3A, %parallel_loop3A_583 : vector<16xi32>
        %parallel_loop3A_585 = arith.constant 63 : i32
        %parallel_loop3A_586 = vector.broadcast %parallel_loop3A_585 : i32 to vector<16xi32>
        %parallel_loop3A_587 = arith.andi %parallel_loop3A_584, %parallel_loop3A_586 : vector<16xi32>
        %parallel_loop3A_588 = arith.addi %parallel_loop3A_79, %parallel_loop3A_587 : vector<16xi32>
        %parallel_loop3A_589 = tpu.vector_load_idx %arg5[%parallel_loop3A_588] : memref<16384xf32, #tpu.memory_space<vmem>>[vector<16xi32>], vector<16xf32>,
        %parallel_loop3A_590 = arith.addi %parallel_loop3A_86, %parallel_loop3A_587 : vector<16xi32>
        tpu.vector_store_idx %arg7[%parallel_loop3A_590], %parallel_loop3A_589 : memref<32768xf32, #tpu.memory_space<vmem>>[vector<16xi32>], vector<16xf32>,
        %parallel_loop3A_591 = arith.constant 56 : i32
        %parallel_loop3A_592 = vector.broadcast %parallel_loop3A_591 : i32 to vector<16xi32>
        %parallel_loop3A_593 = arith.addi %iota3A, %parallel_loop3A_592 : vector<16xi32>
        %parallel_loop3A_594 = arith.constant 63 : i32
        %parallel_loop3A_595 = vector.broadcast %parallel_loop3A_594 : i32 to vector<16xi32>
        %parallel_loop3A_596 = arith.andi %parallel_loop3A_593, %parallel_loop3A_595 : vector<16xi32>
        %parallel_loop3A_597 = arith.addi %parallel_loop3A_79, %parallel_loop3A_596 : vector<16xi32>
        %parallel_loop3A_598 = tpu.vector_load_idx %arg5[%parallel_loop3A_597] : memref<16384xf32, #tpu.memory_space<vmem>>[vector<16xi32>], vector<16xf32>,
        %parallel_loop3A_599 = arith.addi %parallel_loop3A_86, %parallel_loop3A_596 : vector<16xi32>
        tpu.vector_store_idx %arg7[%parallel_loop3A_599], %parallel_loop3A_598 : memref<32768xf32, #tpu.memory_space<vmem>>[vector<16xi32>], vector<16xf32>,
        %parallel_loop3A_600 = arith.constant 57 : i32
        %parallel_loop3A_601 = vector.broadcast %parallel_loop3A_600 : i32 to vector<16xi32>
        %parallel_loop3A_602 = arith.addi %iota3A, %parallel_loop3A_601 : vector<16xi32>
        %parallel_loop3A_603 = arith.constant 63 : i32
        %parallel_loop3A_604 = vector.broadcast %parallel_loop3A_603 : i32 to vector<16xi32>
        %parallel_loop3A_605 = arith.andi %parallel_loop3A_602, %parallel_loop3A_604 : vector<16xi32>
        %parallel_loop3A_606 = arith.addi %parallel_loop3A_79, %parallel_loop3A_605 : vector<16xi32>
        %parallel_loop3A_607 = tpu.vector_load_idx %arg5[%parallel_loop3A_606] : memref<16384xf32, #tpu.memory_space<vmem>>[vector<16xi32>], vector<16xf32>,
        %parallel_loop3A_608 = arith.addi %parallel_loop3A_86, %parallel_loop3A_605 : vector<16xi32>
        tpu.vector_store_idx %arg7[%parallel_loop3A_608], %parallel_loop3A_607 : memref<32768xf32, #tpu.memory_space<vmem>>[vector<16xi32>], vector<16xf32>,
        %parallel_loop3A_609 = arith.constant 58 : i32
        %parallel_loop3A_610 = vector.broadcast %parallel_loop3A_609 : i32 to vector<16xi32>
        %parallel_loop3A_611 = arith.addi %iota3A, %parallel_loop3A_610 : vector<16xi32>
        %parallel_loop3A_612 = arith.constant 63 : i32
        %parallel_loop3A_613 = vector.broadcast %parallel_loop3A_612 : i32 to vector<16xi32>
        %parallel_loop3A_614 = arith.andi %parallel_loop3A_611, %parallel_loop3A_613 : vector<16xi32>
        %parallel_loop3A_615 = arith.addi %parallel_loop3A_79, %parallel_loop3A_614 : vector<16xi32>
        %parallel_loop3A_616 = tpu.vector_load_idx %arg5[%parallel_loop3A_615] : memref<16384xf32, #tpu.memory_space<vmem>>[vector<16xi32>], vector<16xf32>,
        %parallel_loop3A_617 = arith.addi %parallel_loop3A_86, %parallel_loop3A_614 : vector<16xi32>
        tpu.vector_store_idx %arg7[%parallel_loop3A_617], %parallel_loop3A_616 : memref<32768xf32, #tpu.memory_space<vmem>>[vector<16xi32>], vector<16xf32>,
        %parallel_loop3A_618 = arith.constant 59 : i32
        %parallel_loop3A_619 = vector.broadcast %parallel_loop3A_618 : i32 to vector<16xi32>
        %parallel_loop3A_620 = arith.addi %iota3A, %parallel_loop3A_619 : vector<16xi32>
        %parallel_loop3A_621 = arith.constant 63 : i32
        %parallel_loop3A_622 = vector.broadcast %parallel_loop3A_621 : i32 to vector<16xi32>
        %parallel_loop3A_623 = arith.andi %parallel_loop3A_620, %parallel_loop3A_622 : vector<16xi32>
        %parallel_loop3A_624 = arith.addi %parallel_loop3A_79, %parallel_loop3A_623 : vector<16xi32>
        %parallel_loop3A_625 = tpu.vector_load_idx %arg5[%parallel_loop3A_624] : memref<16384xf32, #tpu.memory_space<vmem>>[vector<16xi32>], vector<16xf32>,
        %parallel_loop3A_626 = arith.addi %parallel_loop3A_86, %parallel_loop3A_623 : vector<16xi32>
        tpu.vector_store_idx %arg7[%parallel_loop3A_626], %parallel_loop3A_625 : memref<32768xf32, #tpu.memory_space<vmem>>[vector<16xi32>], vector<16xf32>,
        %parallel_loop3A_627 = arith.constant 60 : i32
        %parallel_loop3A_628 = vector.broadcast %parallel_loop3A_627 : i32 to vector<16xi32>
        %parallel_loop3A_629 = arith.addi %iota3A, %parallel_loop3A_628 : vector<16xi32>
        %parallel_loop3A_630 = arith.constant 63 : i32
        %parallel_loop3A_631 = vector.broadcast %parallel_loop3A_630 : i32 to vector<16xi32>
        %parallel_loop3A_632 = arith.andi %parallel_loop3A_629, %parallel_loop3A_631 : vector<16xi32>
        %parallel_loop3A_633 = arith.addi %parallel_loop3A_79, %parallel_loop3A_632 : vector<16xi32>
        %parallel_loop3A_634 = tpu.vector_load_idx %arg5[%parallel_loop3A_633] : memref<16384xf32, #tpu.memory_space<vmem>>[vector<16xi32>], vector<16xf32>,
        %parallel_loop3A_635 = arith.addi %parallel_loop3A_86, %parallel_loop3A_632 : vector<16xi32>
        tpu.vector_store_idx %arg7[%parallel_loop3A_635], %parallel_loop3A_634 : memref<32768xf32, #tpu.memory_space<vmem>>[vector<16xi32>], vector<16xf32>,
        %parallel_loop3A_636 = arith.constant 61 : i32
        %parallel_loop3A_637 = vector.broadcast %parallel_loop3A_636 : i32 to vector<16xi32>
        %parallel_loop3A_638 = arith.addi %iota3A, %parallel_loop3A_637 : vector<16xi32>
        %parallel_loop3A_639 = arith.constant 63 : i32
        %parallel_loop3A_640 = vector.broadcast %parallel_loop3A_639 : i32 to vector<16xi32>
        %parallel_loop3A_641 = arith.andi %parallel_loop3A_638, %parallel_loop3A_640 : vector<16xi32>
        %parallel_loop3A_642 = arith.addi %parallel_loop3A_79, %parallel_loop3A_641 : vector<16xi32>
        %parallel_loop3A_643 = tpu.vector_load_idx %arg5[%parallel_loop3A_642] : memref<16384xf32, #tpu.memory_space<vmem>>[vector<16xi32>], vector<16xf32>,
        %parallel_loop3A_644 = arith.addi %parallel_loop3A_86, %parallel_loop3A_641 : vector<16xi32>
        tpu.vector_store_idx %arg7[%parallel_loop3A_644], %parallel_loop3A_643 : memref<32768xf32, #tpu.memory_space<vmem>>[vector<16xi32>], vector<16xf32>,
        %parallel_loop3A_645 = arith.constant 62 : i32
        %parallel_loop3A_646 = vector.broadcast %parallel_loop3A_645 : i32 to vector<16xi32>
        %parallel_loop3A_647 = arith.addi %iota3A, %parallel_loop3A_646 : vector<16xi32>
        %parallel_loop3A_648 = arith.constant 63 : i32
        %parallel_loop3A_649 = vector.broadcast %parallel_loop3A_648 : i32 to vector<16xi32>
        %parallel_loop3A_650 = arith.andi %parallel_loop3A_647, %parallel_loop3A_649 : vector<16xi32>
        %parallel_loop3A_651 = arith.addi %parallel_loop3A_79, %parallel_loop3A_650 : vector<16xi32>
        %parallel_loop3A_652 = tpu.vector_load_idx %arg5[%parallel_loop3A_651] : memref<16384xf32, #tpu.memory_space<vmem>>[vector<16xi32>], vector<16xf32>,
        %parallel_loop3A_653 = arith.addi %parallel_loop3A_86, %parallel_loop3A_650 : vector<16xi32>
        tpu.vector_store_idx %arg7[%parallel_loop3A_653], %parallel_loop3A_652 : memref<32768xf32, #tpu.memory_space<vmem>>[vector<16xi32>], vector<16xf32>,
        %parallel_loop3A_654 = arith.constant 63 : i32
        %parallel_loop3A_655 = vector.broadcast %parallel_loop3A_654 : i32 to vector<16xi32>
        %parallel_loop3A_656 = arith.addi %iota3A, %parallel_loop3A_655 : vector<16xi32>
        %parallel_loop3A_657 = arith.constant 63 : i32
        %parallel_loop3A_658 = vector.broadcast %parallel_loop3A_657 : i32 to vector<16xi32>
        %parallel_loop3A_659 = arith.andi %parallel_loop3A_656, %parallel_loop3A_658 : vector<16xi32>
        %parallel_loop3A_660 = arith.addi %parallel_loop3A_79, %parallel_loop3A_659 : vector<16xi32>
        %parallel_loop3A_661 = tpu.vector_load_idx %arg5[%parallel_loop3A_660] : memref<16384xf32, #tpu.memory_space<vmem>>[vector<16xi32>], vector<16xf32>,
        %parallel_loop3A_662 = arith.addi %parallel_loop3A_86, %parallel_loop3A_659 : vector<16xi32>
        tpu.vector_store_idx %arg7[%parallel_loop3A_662], %parallel_loop3A_661 : memref<32768xf32, #tpu.memory_space<vmem>>[vector<16xi32>], vector<16xf32>,
      } {sc.loop_unroll_factor = 1 : i64, sc.parallel_access}
      %eq3A_54 = arith.constant 0 : i32
      %eq3A_55 = arith.cmpi eq, %arg1, %eq3A_54 : i32
      %ge3A = arith.constant 2 : i32
      %ge3A_56 = arith.cmpi sge, %add3A_24, %ge3A : i32
      %and3A_57 = arith.andi %eq3A_55, %ge3A_56 : i1
      %convert_element_type3A_58 = arith.extui %and3A_57 : i1 to i32
      %cond3A_59 = arith.constant 0 : i32
      %cond3A_60 = arith.cmpi ne, %convert_element_type3A_58, %cond3A_59 : i32
      scf.if %cond3A_60 {
        %mul3A_71 = arith.constant 6553600 : i32
        %mul3A_72 = arith.muli %arg0, %mul3A_71 : i32
        %sub3A_73 = arith.constant 2 : i32
        %sub3A_74 = arith.subi %add3A_24, %sub3A_73 : i32
        %mul3A_75 = arith.constant 8192 : i32
        %mul3A_76 = arith.muli %sub3A_74, %mul3A_75 : i32
        %add3A_77 = arith.addi %mul3A_72, %mul3A_76 : i32
        %mul3A_78 = arith.constant 64 : i32
        %mul3A_79 = arith.muli %add3A_77, %mul3A_78 : i32
        %dma_wait3A_80 = tpu.memref_slice %arg10[%select_n3A_34] : memref<2x!tpu.dma_semaphore, #tpu.memory_space<semaphore_mem>> -> memref<1x!tpu.dma_semaphore, #tpu.memory_space<semaphore_mem>>
        %dma_wait3A_81 = tpu.memref_squeeze %dma_wait3A_80 : memref<1x!tpu.dma_semaphore, #tpu.memory_space<semaphore_mem>> -> memref<!tpu.dma_semaphore, #tpu.memory_space<semaphore_mem>>
        %dma_wait3A_82 = tpu.memref_slice %arg4[%mul3A_79] : memref<838860800xf32, #tpu.memory_space<hbm>> -> memref<524288xf32, #tpu.memory_space<hbm>>
        %dma_wait3A_83 = arith.constant 0 : i32
        %dma_wait3A_84 = tpu.memref_slice %arg8[%select_n3A_34, %dma_wait3A_83] : memref<2x524288xf32, #tpu.memory_space<vmem_shared>> -> memref<1x524288xf32, #tpu.memory_space<vmem_shared>>
        %dma_wait3A_85 = tpu.memref_squeeze %dma_wait3A_84 : memref<1x524288xf32, #tpu.memory_space<vmem_shared>> -> memref<524288xf32, #tpu.memory_space<vmem_shared>>
        tpu.wait_dma2 semaphore(%dma_wait3A_81 : memref<!tpu.dma_semaphore, #tpu.memory_space<semaphore_mem>>) src(%dma_wait3A_85 : memref<524288xf32, #tpu.memory_space<vmem_shared>>) dst(%dma_wait3A_82 : memref<524288xf32, #tpu.memory_space<hbm>>)
      } else {
      }
      %barrier3A = arith.constant 0 : index
      tpu.barrier barrier_id(%barrier3A)
      %mul3A_61 = arith.constant 512 : i32
      %mul3A_62 = arith.muli %arg1, %mul3A_61 : i32
      %mul3A_63 = arith.constant 64 : i32
      %mul3A_64 = arith.muli %mul3A_62, %mul3A_63 : i32
      "tpu.region"() ({
        %run_scoped3A = tpu.sem_alloc : memref<!tpu.dma_semaphore, #tpu.memory_space<semaphore_mem>>
        %dma_start3A_71 = tpu.memref_slice %arg8[%select_n3A_34, %mul3A_64] : memref<2x524288xf32, #tpu.memory_space<vmem_shared>> -> memref<1x32768xf32, #tpu.memory_space<vmem_shared>>
        %dma_start3A_72 = tpu.memref_squeeze %dma_start3A_71 : memref<1x32768xf32, #tpu.memory_space<vmem_shared>> -> memref<32768xf32, #tpu.memory_space<vmem_shared>>
        %dma_start3A_73 = tpu.memref_slice %arg8[%select_n3A_34, %mul3A_64] : memref<2x524288xf32, #tpu.memory_space<vmem_shared>> -> memref<1x32768xf32, #tpu.memory_space<vmem_shared>>
        %dma_start3A_74 = tpu.memref_squeeze %dma_start3A_73 : memref<1x32768xf32, #tpu.memory_space<vmem_shared>> -> memref<32768xf32, #tpu.memory_space<vmem_shared>>
        tpu.enqueue_dma source(%arg7 : memref<32768xf32, #tpu.memory_space<vmem>>) target(%dma_start3A_74 : memref<32768xf32, #tpu.memory_space<vmem_shared>>) target_semaphore(%run_scoped3A : memref<!tpu.dma_semaphore, #tpu.memory_space<semaphore_mem>>)
        %dma_wait3A_75 = tpu.memref_slice %arg8[%select_n3A_34, %mul3A_64] : memref<2x524288xf32, #tpu.memory_space<vmem_shared>> -> memref<1x32768xf32, #tpu.memory_space<vmem_shared>>
        %dma_wait3A_76 = tpu.memref_squeeze %dma_wait3A_75 : memref<1x32768xf32, #tpu.memory_space<vmem_shared>> -> memref<32768xf32, #tpu.memory_space<vmem_shared>>
        %dma_wait3A_77 = tpu.memref_slice %arg8[%select_n3A_34, %mul3A_64] : memref<2x524288xf32, #tpu.memory_space<vmem_shared>> -> memref<1x32768xf32, #tpu.memory_space<vmem_shared>>
        %dma_wait3A_78 = tpu.memref_squeeze %dma_wait3A_77 : memref<1x32768xf32, #tpu.memory_space<vmem_shared>> -> memref<32768xf32, #tpu.memory_space<vmem_shared>>
        tpu.wait_dma2 semaphore(%run_scoped3A : memref<!tpu.dma_semaphore, #tpu.memory_space<semaphore_mem>>) src(%arg7 : memref<32768xf32, #tpu.memory_space<vmem>>) dst(%dma_wait3A_78 : memref<32768xf32, #tpu.memory_space<vmem_shared>>)
        tpu.yield
      }) : () -> ()
      %barrier3A_65 = arith.constant 0 : index
      tpu.barrier barrier_id(%barrier3A_65)
      %eq3A_66 = arith.constant 0 : i32
      %eq3A_67 = arith.cmpi eq, %arg1, %eq3A_66 : i32
      %convert_element_type3A_68 = arith.extui %eq3A_67 : i1 to i32
      %cond3A_69 = arith.constant 0 : i32
      %cond3A_70 = arith.cmpi ne, %convert_element_type3A_68, %cond3A_69 : i32
      scf.if %cond3A_70 {
        %mul3A_71 = arith.constant 6553600 : i32
        %mul3A_72 = arith.muli %arg0, %mul3A_71 : i32
        %mul3A_73 = arith.constant 8192 : i32
        %mul3A_74 = arith.muli %add3A_24, %mul3A_73 : i32
        %add3A_75 = arith.addi %mul3A_72, %mul3A_74 : i32
        %mul3A_76 = arith.constant 64 : i32
        %mul3A_77 = arith.muli %add3A_75, %mul3A_76 : i32
        %dma_start3A_78 = tpu.memref_slice %arg10[%select_n3A_34] : memref<2x!tpu.dma_semaphore, #tpu.memory_space<semaphore_mem>> -> memref<1x!tpu.dma_semaphore, #tpu.memory_space<semaphore_mem>>
        %dma_start3A_79 = tpu.memref_squeeze %dma_start3A_78 : memref<1x!tpu.dma_semaphore, #tpu.memory_space<semaphore_mem>> -> memref<!tpu.dma_semaphore, #tpu.memory_space<semaphore_mem>>
        %dma_start3A_80 = tpu.memref_slice %arg4[%mul3A_77] : memref<838860800xf32, #tpu.memory_space<hbm>> -> memref<524288xf32, #tpu.memory_space<hbm>>
        %dma_start3A_81 = arith.constant 0 : i32
        %dma_start3A_82 = tpu.memref_slice %arg8[%select_n3A_34, %dma_start3A_81] : memref<2x524288xf32, #tpu.memory_space<vmem_shared>> -> memref<1x524288xf32, #tpu.memory_space<vmem_shared>>
        %dma_start3A_83 = tpu.memref_squeeze %dma_start3A_82 : memref<1x524288xf32, #tpu.memory_space<vmem_shared>> -> memref<524288xf32, #tpu.memory_space<vmem_shared>>
        tpu.enqueue_dma source(%dma_start3A_83 : memref<524288xf32, #tpu.memory_space<vmem_shared>>) target(%dma_start3A_80 : memref<524288xf32, #tpu.memory_space<hbm>>) target_semaphore(%dma_start3A_79 : memref<!tpu.dma_semaphore, #tpu.memory_space<semaphore_mem>>)
      } else {
      }
    }
    %scan3A_17 = arith.constant 800 : i32
    %eq3A = arith.constant 0 : i32
    %eq3A_18 = arith.cmpi eq, %arg1, %eq3A : i32
    %convert_element_type3A = arith.extui %eq3A_18 : i1 to i32
    %cond3A = arith.constant 0 : i32
    %cond3A_19 = arith.cmpi ne, %convert_element_type3A, %cond3A : i32
    scf.if %cond3A_19 {
      %scan3A_20 = arith.constant 0 : i32
      %scan3A_21 = arith.constant 2 : i32
      %scan3A_22 = arith.addi %scan3A_20, %scan3A_21 : i32
      %scan3A_23 = arith.constant 1 : i32
      scf.for %scan3A_25 = %scan3A_20 to %scan3A_22 step %scan3A_23  : i32 {
        %mul3A_26 = arith.constant 1 : i32
        %mul3A_27 = arith.muli %scan3A_25, %mul3A_26 : i32
        %add3A_28 = arith.constant 798 : i32
        %add3A_29 = arith.addi %add3A_28, %mul3A_27 : i32
        %jit3A = arith.constant 2 : i32
        %eq3A_30 = arith.constant 0 : i32
        %eq3A_31 = arith.cmpi eq, %jit3A, %eq3A_30 : i32
        %jit3A_32 = arith.constant 1 : i32
        %select_n3A = arith.select %eq3A_31, %jit3A_32, %jit3A : i32
        %rem3A = arith.remsi %add3A_29, %select_n3A : i32
        %ne3A = arith.constant 0 : i32
        %ne3A_33 = arith.cmpi ne, %rem3A, %ne3A : i32
        %lt3A = arith.constant 0 : i32
        %lt3A_34 = arith.cmpi slt, %rem3A, %lt3A : i32
        %lt3A_35 = arith.constant 0 : i32
        %lt3A_36 = arith.cmpi slt, %select_n3A, %lt3A_35 : i32
        %ne3A_37 = arith.xori %lt3A_34, %lt3A_36 : i1
        %and3A = arith.andi %ne3A_37, %ne3A_33 : i1
        %add3A_38 = arith.addi %rem3A, %select_n3A : i32
        %select_n3A_39 = arith.select %and3A, %add3A_38, %rem3A : i32
        %mul3A_40 = arith.constant 6553600 : i32
        %mul3A_41 = arith.muli %arg0, %mul3A_40 : i32
        %mul3A_42 = arith.constant 8192 : i32
        %mul3A_43 = arith.muli %add3A_29, %mul3A_42 : i32
        %add3A_44 = arith.addi %mul3A_41, %mul3A_43 : i32
        %mul3A_45 = arith.constant 64 : i32
        %mul3A_46 = arith.muli %add3A_44, %mul3A_45 : i32
        %dma_wait3A = tpu.memref_slice %arg10[%select_n3A_39] : memref<2x!tpu.dma_semaphore, #tpu.memory_space<semaphore_mem>> -> memref<1x!tpu.dma_semaphore, #tpu.memory_space<semaphore_mem>>
        %dma_wait3A_47 = tpu.memref_squeeze %dma_wait3A : memref<1x!tpu.dma_semaphore, #tpu.memory_space<semaphore_mem>> -> memref<!tpu.dma_semaphore, #tpu.memory_space<semaphore_mem>>
        %dma_wait3A_48 = tpu.memref_slice %arg4[%mul3A_46] : memref<838860800xf32, #tpu.memory_space<hbm>> -> memref<524288xf32, #tpu.memory_space<hbm>>
        %dma_wait3A_49 = arith.constant 0 : i32
        %dma_wait3A_50 = tpu.memref_slice %arg8[%select_n3A_39, %dma_wait3A_49] : memref<2x524288xf32, #tpu.memory_space<vmem_shared>> -> memref<1x524288xf32, #tpu.memory_space<vmem_shared>>
        %dma_wait3A_51 = tpu.memref_squeeze %dma_wait3A_50 : memref<1x524288xf32, #tpu.memory_space<vmem_shared>> -> memref<524288xf32, #tpu.memory_space<vmem_shared>>
        tpu.wait_dma2 semaphore(%dma_wait3A_47 : memref<!tpu.dma_semaphore, #tpu.memory_space<semaphore_mem>>) src(%dma_wait3A_51 : memref<524288xf32, #tpu.memory_space<vmem_shared>>) dst(%dma_wait3A_48 : memref<524288xf32, #tpu.memory_space<hbm>>)
      }
      %scan3A_24 = arith.constant 2 : i32
    } else {
    }
    return
  }
}

</mosaic_0001>

<sc_bundles>
// kernel: kernel.3.cloned.1.call-start
scs
__scs_entry_jumppad:
0x0: {  	(pc) =	sbr.rel $0x88, $3  }
0x1: {  	(tag) =	ssettag $0x0;
	lr =	simm.s32 $0x1  }
0x2: {  	[smem:$0x3F9F] =	sst lr;
	_ =	strace $0xD0000000  }
0x3: {  	_ = 	snop  }
0x4: {  	_ = 	snop  }
0x5: {  	_ = 	snop  }
0x6: {  	_ = 	snop  }
0x7: {  	_ = 	snop  }
__scs_overlays_trampoline_lowered:
0x8: {  	[smem:$0x3FAE] =	sst s0  }
0x9: {  	[smem:$0x3FAF] =	sst s1  }
0xa: {  	[smem:$0x3FB0] =	sst s2  }
0xb: {  	[smem:$0x3FB1] =	sst s3  }
0xc: {  	[smem:$0x3FB2] =	sst s4  }
0xd: {  	[smem:$0x3FB3] =	sst s5  }
0xe: {  	[smem:$0x3FB4] =	sst s6  }
0xf: {  	[smem:$0x3FB5] =	sst s7  }
0x10: {  	[smem:$0x3FB6] =	sst s8  }
0x11: {  	[smem:$0x3FB7] =	sst s9;
	s0 =	simm.s32 @!p0 $0x0  }
0x12: {  	s1 =	sld [smem:$0x3F9D];
	s0 =	simm.s32 @p0 $0x1  }
0x13: {  	[smem:$0x3FB8] =	sst s0;
	s0 =	simm.s32 @!p1 $0x0  }
0x14: {  	s2 =	sld [smem:$0x3F9C];
	s0 =	simm.s32 @p1 $0x1  }
0x15: {  	[smem:$0x3FB9] =	sst s0;
	s0 =	simm.s32 @!p2 $0x0  }
0x16: {  	s3 =	sld [smem:$0x3FDB];
	s0 =	simm.s32 @p2 $0x1  }
0x17: {  	s4 =	simm.s32 $0x1BF5;
	[smem:$0x3FBB] =	sst s0  }
0x18: {  	s0 =	sld [smem:$0x3F9E];
	_ =	swait.ge [sflag:s4], $0x0  }
0x19: {  	s7 =	sld [smem:$0x3F9F]  }
0x1a: {  	s8 =	sadd.s32 $0xFFFFE003, lr  }
0x1b: {  	s9 =	sadd.s32 $0xFFFFFEF7, lr;
	s5 =	simm.s32 $0xFFFFFFFF;
	p2 =	slt.u32 s8, $0xFFFFF086  }
0x1c: {  	p1 =	slt.u32 s9, $0xF7A;
	s5 =	simm.s32 @!p2 $0x0  }
0x1d: {  	s5 =	simm.s32 @p1 $0x1;
	p0 =	seq.s32 s7, s2  }
0x1e: {  	s7 =	smul.u32 @!p0 $0xF7A, s2;
	p2 =	seq.s32 @!p0 s5, $0x0  }
0x1f: {  	s9 =	smul.u32 $0xF7A, s1;
	s8 =	simm.s32 @!p0 $0x1BF5;
	p2 =	por !p2, p0  }
0x20: {  	[sflag:s8] =	ssyncset.s32 @!p0 $0xFFFFF086;
	s6 =	sadd.s32 @!p0 s3, s7;
	s7 =	simm.s32 @!p0 $0x108  }
0x21: {  	s3 =	sadd.s32 s3, s9;
	s6 =	sadd.s32 @!p0 $0x88, s6;
	s7 =	simm.s32 @p2 $0x1082  }
0x22: {  	[simem:s7], [sflag:s8] =	dma.local @!p0 [hbm:s6], $0xF7A  }
0x23: {  	s9 =	sor.u32 $0xD0000000, s2;
	s6 =	simm.s32 $0x108;
	_ =	swait.ge @!p0 [sflag:s8], $0x0  }
0x24: {  	s3 =	sadd.s32 $0x88, s3;
	s6 =	simm.s32 @!p1 $0x1082;
	[sflag:s4] =	ssyncset.s32 $0xFFFFF086  }
0x25: {  	[simem:s6], [sflag:s4] =	dma.local [hbm:s3], $0xF7A  }
0x26: {  	[smem:$0x3F9F] =	sst s1;
	(tag) =	ssettag s2;
	_ =	strace s9  }
0x27: {  	s1 =	sld [smem:$0x3FAF]  }
0x28: {  	s2 =	sld [smem:$0x3FB0]  }
0x29: {  	s4 =	sld [smem:$0x3FB2]  }
0x2a: {  	p0 =	seq.s32 s5, $0x0;
	s5 =	sld [smem:$0x3FB3]  }
0x2b: {  	s6 =	sld [smem:$0x3FB4]  }
0x2c: {  	s7 =	sld [smem:$0x3FB5]  }
0x2d: {  	s3 =	simm.s32 $0x108;
	s8 =	sld [smem:$0x3FB6]  }
0x2e: {  	s3 =	simm.s32 @!p0 $0x1082;
	s9 =	sld [smem:$0x3FB7]  }
0x2f: {  	lr =	sadd.s32 s0, s3;
	s0 =	sld [smem:$0x3FAE]  }
0x30: {  	s3 =	sld [smem:$0x3FB1]  }
0x31: {  	[smem:$0x3FBA] =	sst s10  }
0x32: {  	s10 =	sld [smem:$0x3FB8];
	_ =	sdelay $0x3  }
0x33: {  	p0 =	seq.s32 s10, $0x1;
	s10 =	sld [smem:$0x3FBA];
	_ =	sdelay $0x3  }
0x34: {  	[smem:$0x3FBA] =	sst s10  }
0x35: {  	s10 =	sld [smem:$0x3FB9];
	_ =	sdelay $0x3  }
0x36: {  	p1 =	seq.s32 s10, $0x1;
	s10 =	sld [smem:$0x3FBA];
	_ =	sdelay $0x3  }
0x37: {  	[smem:$0x3FBA] =	sst s10  }
0x38: {  	s10 =	sld [smem:$0x3FBB]  }
0x39: {  	_ = 	snop;
	(pc) =	sbr.ind lr, $3  }
0x3a: {  	_ = 	snop  }
0x3b: {  	_ = 	snop  }
0x3c: {  	p2 =	seq.s32 s10, $0x1;
	s10 =	sld [smem:$0x3FBA]  }
0x3d: {  	_ =	shalt  }
0x3e: {  	_ =	shalt  }
0x3f: {  	_ =	shalt  }
0x40: {  	_ =	shalt  }
0x41: {  	_ =	shalt  }
0x42: {  	_ =	shalt  }
0x43: {  	_ =	shalt  }
0x44: {  	_ =	shalt  }
0x45: {  	_ =	shalt  }
0x46: {  	_ =	shalt  }
0x47: {  	_ =	shalt  }
0x48: {  	_ =	shalt  }
0x49: {  	_ =	shalt  }
0x4a: {  	_ =	shalt  }
0x4b: {  	_ =	shalt  }
0x4c: {  	_ =	shalt  }
0x4d: {  	_ =	shalt  }
0x4e: {  	_ =	shalt  }
0x4f: {  	_ =	shalt  }
0x50: {  	_ =	shalt  }
0x51: {  	_ =	shalt  }
0x52: {  	_ =	shalt  }
0x53: {  	_ =	shalt  }
0x54: {  	_ =	shalt  }
0x55: {  	_ =	shalt  }
0x56: {  	_ =	shalt  }
0x57: {  	_ =	shalt  }
0x58: {  	_ =	shalt  }
0x59: {  	_ =	shalt  }
0x5a: {  	_ =	shalt  }
0x5b: {  	_ =	shalt  }
0x5c: {  	_ =	shalt  }
0x5d: {  	_ =	shalt  }
0x5e: {  	_ =	shalt  }
0x5f: {  	_ =	shalt  }
0x60: {  	_ =	shalt  }
0x61: {  	_ =	shalt  }
0x62: {  	_ =	shalt  }
0x63: {  	_ =	shalt  }
0x64: {  	_ =	shalt  }
0x65: {  	_ =	shalt  }
0x66: {  	_ =	shalt  }
0x67: {  	_ =	shalt  }
0x68: {  	_ =	shalt  }
0x69: {  	_ =	shalt  }
0x6a: {  	_ =	shalt  }
0x6b: {  	_ =	shalt  }
0x6c: {  	_ =	shalt  }
0x6d: {  	_ =	shalt  }
0x6e: {  	_ =	shalt  }
0x6f: {  	_ =	shalt  }
0x70: {  	_ =	shalt  }
0x71: {  	_ =	shalt  }
0x72: {  	_ =	shalt  }
0x73: {  	_ =	shalt  }
0x74: {  	_ =	shalt  }
0x75: {  	_ =	shalt  }
0x76: {  	_ =	shalt  }
0x77: {  	_ =	shalt  }
0x78: {  	_ =	shalt  }
0x79: {  	_ =	shalt  }
0x7a: {  	_ =	shalt  }
0x7b: {  	_ =	shalt  }
0x7c: {  	_ =	shalt  }
0x7d: {  	_ =	shalt  }
0x7e: {  	_ =	shalt  }
0x7f: {  	_ =	shalt  }
0x80: {  	_ =	shalt  }
0x81: {  	_ =	shalt  }
0x82: {  	_ =	shalt  }
0x83: {  	_ =	shalt  }
0x84: {  	_ =	shalt  }
0x85: {  	_ =	shalt  }
0x86: {  	_ =	shalt  }
0x87: {  	_ =	shalt  }
.Lfunc_end0:
.L_simem_size_0:
called_computation_lowered:
.L_overlay_start_0:
0x88: {  	s2 =	sld [smem:$0x3FD9]  }
0x89: {  	s3 =	sld [smem:$0x3FFE];
	_ =	sdelay $0x1  }
0x8a: {  	s1 =	srdreg.scid  }
0x8b: {  	s0 =	sand.u32 $0x1, s1  }
0x8c: {  	s16 =	sshll.u32 s0, $0xA;
	s2 =	sadd.s32 s3, s2  }
0x8d: {  	s2 =	sadd.s32 s2, s16  }
0x8e: {  	[smem:$0x3FC6] =	sst s2  }
0x8f: {  	_ = 	snop  }
0x90: {  	(tm) =	ssettm $0x1  }
0x91: {  	s17 =	sld [smem:$0x3FFB];
	_ =	sdelay $0x3  }
0x92: {  	_ =	strace s17  }
0x93: {  	s2 =	sld [smem:$0x3FFC];
	_ =	sdelay $0x3  }
0x94: {  	_ =	strace s2  }
0x95: {  	s2 =	sld [smem:$0x3FFD];
	_ =	sdelay $0x3  }
0x96: {  	_ =	strace s2  }
0x97: {  	_ =	strace $0x8FFFFFFF  }
0x98: {  	s18 =	sld [smem:$0x3FDB];
	_ =	sdelay $0x1  }
0x99: {  	s19 =	simm.s32 $_scs_section_size  }
0x9a: {  	s4 =	simm.s32 $_size__tile_overlayer_lowered;
	s5 =	simm.s32 $_tile_overlayer_lowered  }
0x9b: {  	s22 =	simm.s32 $0x1BFF;
	s21 =	sshll.u32 s5, $0x1;
	s2 =	sadd.s32 s19, s18  }
0x9c: {  	s6 =	simm.s32 $0x0;
	s20 =	sshll.u32 s4, $0x1;
	s4 =	sadd.s32 s21, s2  }
0x9d: {  	[timem:s6], [sflag:s22] =	dma.local [hbm:s4], s20  }
0x9e: {  	_ =	swait.ge [sflag:s22], s20  }
0x9f: {  	s3 =	ssub.s32 $0x0, s20;
	[sflag:s22] =	ssyncset.done $0x0  }
0xa0: {  	[sflag:s22] =	ssyncadd.s32 s3;
	_ =	sdelay $0x1  }
0xa1: {  	s23 =	simm.s32 $0x1B8B  }
0xa2: {  	_ =	swait.ge [sflag:s23], $0x1  }
0xa3: {  	[sflag:s23] =	ssyncset.done $0x0  }
0xa4: {  	s25 =	simm.s32 $0x1B8E;
	s24 =	sld [smem:$0x3FFE];
	[sflag:s23] =	ssyncadd.s32 $0xFFFFFFFF  }
0xa5: {  	s26 =	simm.s32 $execute0_lowered;
	[smem:$0x3FD2] =	sst s25  }
0xa6: {  	s4 =	sshll.u32 s26, $0x1;
	_ =	strace $0x80000046;
	[dreg:$0x1] =	wrdreg $0xFFFFFFFF  }
0xa7: {  	s28 =	simm.s32 $_size_execute0_lowered;
	s2 =	sadd.s32 s2, s4;
	[dreg:$0x0] =	wrdreg $0x0  }
0xa8: {  	s4 =	sshll.u32 s28, $0x1;
	[dreg:$0x2] =	wrdreg s2  }
0xa9: {  	[dreg:$0x3] =	wrdreg s4  }
0xaa: {  	[dreg:$0x4] =	wrdreg $0xC0  }
0xab: {  	_ =	task [dreg:s6], $0x5FFFF  }
0xac: {  	[dreg:$0x1] =	wrdreg $0xFFFFFFFF  }
0xad: {  	[dreg:$0x0] =	wrdreg $0x60  }
0xae: {  	[dreg:$0x2] =	wrdreg s24  }
0xaf: {  	[dreg:$0x3] =	wrdreg $0xC4000  }
0xb0: {  	[dreg:$0x4] =	wrdreg $0x9  }
0xb1: {  	_ =	task.clear_ibuf [dreg:s6], $0x5FFFF;
	_ =	strace $0x90000046  }
0xb2: {  	s29 =	simm.s32 $0x9;
	_ =	strace $0x80000048  }
0xb3: {  	_ =	swait.ge [sflag:s29], $0x1  }
0xb4: {  	[sflag:s29] =	ssyncadd.s32 $0xFFFFFFFF  }
0xb5: {  	_ =	strace $0x90000048  }
0xb6: {  	_ =	sfence  }
0xb7: {  	s30 =	sld [smem:$0x0];
	_ =	sdelay $0x2  }
0xb8: {  	s31 =	sshll.u32 s1, $0xD;
	s1 =	sshrl.u32 s1, $0x2  }
0xb9: {  	s3 =	sand.u32 $0x4000, s31;
	s1 =	sadd.s32 s1, s30  }
0xba: {  	s0 =	sor.u32 s3, s0;
	s1 =	sshll.u32 s1, $0x11  }
0xbb: {  	s0 =	sor.u32 s1, s0  }
0xbc: {  	s0 =	sadd.s32 $0x8F2B, s0  }
0xbd: {  	[sflag:s0] =	ssyncadd.remote.s32 $0x1  }
0xbe: {  	_ =	sfence.sel $0xFFFF  }
0xbf: {  	[dreg:$0x0] =	wrdreg $0xFFFFFFFF;
	(pc) =	sbr.abs _section_cstart, $3  }
0xc0: {  	[dreg:$0x1] =	wrdreg $0xFFFFFFFF  }
0xc1: {  	_ =	task.clear_ibuf [dreg:s6], $0x2FFFF;
	_ =	strace $0x9FFFFFFF  }
0xc2: {  	(tm) =	ssettm $0x7FFFFFFF  }
0xc3: {  	_ =	shalt  }
tec
execute0_lowered:
.L_overlay_start_1:
0x0: {  	(tag) =	ssettag $0x1  }
0x1: {  	v33 =	vlaneseq.u32  }
0x2: {  	v0 =	vadd.s32 $0x3, v33  }
0x3: {  	v8 =	vimm.s32 $0x34333231;
	v58 =	vadd.s32 $0x6, v33;
	[tilespmem:$0x1FC30] =	vst v0  }
0x4: {  	v10 =	vimm.s32 $0x38373635;
	v2 =	vimm.s32 $0x3C3B3A39;
	v59 =	vadd.s32 $0xC, v33;
	[tilespmem:$0x1FC40] =	vst v58  }
0x5: {  	v3 =	vimm.s32 $0x3F3E3D;
	vm0 =	vcmask $0x1F10;
	v60 =	vadd.s32 $0xD, v33;
	[tilespmem:$0x1FC50] =	vst v59  }
0x6: {  	v11 =	vimm.s32 $0x35343332;
	v18 =	vimm.s32 $0x39383736;
	v62 =	vadd.s32 $0xE, v33;
	[tilespmem:$0x1FC60] =	vst v60  }
0x7: {  	v19 =	vimm.s32 $0x3D3C3B3A;
	v26 =	vimm.s32 $0x3020100;
	v4 =	vadd.s32 $0x12, v33;
	[tilespmem:$0x1FC70] =	vst v62  }
0x8: {  	v34 =	vimm.s32 $0x3A393837;
	v38 =	vimm.s32 $0x201003F;
	v5 =	vadd.s32 $0x1C, v33;
	[tilespmem:$0x1FC90] =	vst v4  }
0x9: {  	v50 =	vimm.s32 $0x87654321;
	v63 =	vadd.s32 $0xF, v33;
	v6 =	vadd.s32 $0x1D, v33;
	[tilespmem:$0x1FCA0] =	vst v5  }
0xa: {  	v7 =	vadd.s32 $0x21, v33;
	v1 =	vadd.s32 $0x22, v33;
	v9 =	vadd.s32 $0x23, v33;
	[tilespmem:$0x1FCB0] =	vst v6  }
0xb: {  	[tilespmem:$0x1FCC0] =	vst v7;
	v0 =	vunpack.c.0.s8.s32 v8;
	v4 =	vunpack.c.0.s8.s32 v10;
	v5 =	vunpack.c.0.s8.s32 v2  }
0xc: {  	[tilespmem:$0x1FCD0] =	vst v1;
	v1 =	vunpack.c.0.s8.s32 v3;
	v2 =	vunpack.c.0.s8.s32 v11;
	v6 =	vimm.s32 $0x1003F3E  }
0xd: {  	[tilespmem:$0x1FCE0] =	vst v9;
	v7 =	vunpack.c.0.s8.s32 v18;
	v8 =	vimm.s32 $0x3F3E3D3C;
	v9 =	vimm.s32 $0x37363534  }
0xe: {  	v10 =	vimm.s32 $0x3B3A3938;
	v58 =	vimm.s32 $0x4030201;
	v60 =	vimm.s32 $0x5040302  }
0xf: {  	[tilespmem:$0x1FC80] =	vst v63;
	v63 =	vimm.s32 $0x98765432;
	v11 =	vunpack.c.0.s8.s32 v8;
	v41 =	vunpack.c.0.s8.s32 v9  }
0x10: {  	v49 =	vunpack.c.0.s8.s32 v10;
	v8 =	vunpack.c.0.s8.s32 v60;
	[tilespmem:$0x1FCF0] =	vst v4;
	v0 =	vsel vm0, v4, v0  }
0x11: {  	[tilespmem:$0x1FD00] =	vst v5;
	v3 =	vsel vm0, v1, v5;
	v5 =	vunpack.c.0.s8.s32 v19;
	v4 =	vunpack.c.0.s8.s32 v6  }
0x12: {  	v9 =	vunpack.c.l.s4.s8 v63;
	[tilespmem:$0x1FD20] =	vst v7;
	v24 =	vsel vm0, v7, v2;
	v6 =	vunpack.c.l.s4.s8 v50  }
0x13: {  	v0 =	vcombine.low v0, v3;
	[tilespmem:$0x1FD30] =	vst v5;
	v2 =	vsel vm0, v4, v5;
	v5 =	vunpack.c.0.s8.s32 v26  }
0x14: {  	[tilespmem:$0x1FD50] =	vst v49;
	v55 =	vsel vm0, v49, v41;
	v9 =	vunpack.c.0.s8.s32 v9;
	v6 =	vunpack.c.0.s8.s32 v6  }
0x15: {  	v8 =	vsel vm0, v8, v4;
	[tilespmem:$0x1FD10] =	vst v0;
	v0 =	vcombine.low v24, v2;
	v5 =	vsel vm0, v5, v11  }
0x16: {  	[tilespmem:$0x1FD80] =	vst v11;
	v6 =	vand.u32 $0xF, v6;
	v13 =	vcombine.low v55, v5;
	v5 =	vunpack.c.0.s8.s32 v58  }
0x17: {  	v59 =	vimm.s32 $0x32107654;
	[tilespmem:$0x1FD70] =	vst v8;
	v14 =	vcombine.low v3, v6;
	v3 =	vand.u32 $0xF, v9  }
0x18: {  	s6 =	rddreg [dreg:$0x0];
	s2 =	simm.s32 $0x0;
	v7 =	vunpack.c.l.s4.s8 v59;
	[tilespmem:$0x1FD40] =	vst v0;
	v2 =	vcombine.low v2, v3;
	v5 =	vsel vm0, v5, v1  }
0x19: {  	v12 =	vunpack.c.0.s8.s32 v38;
	[smem:$0x7FF] =	sst s2;
	v10 =	vunpack.c.0.s8.s32 v34;
	[tilespmem:$0x1FD60] =	vst v5  }
0x1a: {  	s1 =	rddreg [dreg:$0x1];
	v50 =	vimm.s32 $0xA9876543;
	v49 =	vimm.s32 $0x6050403;
	v7 =	vunpack.c.0.s8.s32 v7;
	[tilespmem:$0x1FD90] =	vst v2  }
0x1b: {  	s0 =	rddreg [dreg:$0x2];
	v63 =	vunpack.c.0.s8.s32 v49;
	v24 =	vimm.s32 $0xB0A0908;
	_ =	strace $0x80000047;
	[tilespmem:$0x1FDA0] =	vst v10  }
0x1c: {  	v18 =	vand.u32 $0xF, v7;
	v3 =	vunpack.c.l.s4.s8 v50;
	v50 =	vadd.s32 $0x2B, v33;
	[tilespmem:$0x1FDC0] =	vst v12  }
0x1d: {  	v7 =	vunpack.c.0.s8.s32 v24;
	v24 =	vsel vm0, v63, v12;
	v63 =	vor.u32 $0x30, v33;
	[tilespmem:$0x1FDE0] =	vst v50  }
0x1e: {  	v15 =	vadd.s32 $0x24, v33;
	[tilespmem:$0x1FE30] =	vst v63  }
0x1f: {  	v16 =	vadd.s32 $0x25, v33;
	[tilespmem:$0x1FE40] =	vst v15  }
0x20: {  	v25 =	vimm.s32 $0x36353433;
	v17 =	vadd.s32 $0x26, v33;
	[tilespmem:$0x1FE50] =	vst v16  }
0x21: {  	v0 =	vunpack.c.0.s8.s32 v25;
	[tilespmem:$0x1FE60] =	vst v17  }
0x22: {  	vm1 =	vcmask $0x2F10;
	v25 =	vimm.s32 $0x54329876;
	[tilespmem:$0x1FE70] =	vst v13  }
0x23: {  	v26 =	vunpack.c.l.s4.s8 v25;
	v5 =	vsel vm1, v18, v11;
	v18 =	vsel vm0, v10, v0;
	[tilespmem:$0x1FE80] =	vst v14  }
0x24: {  	[tilespmem:$0x1FED0] =	vst v18  }
0x25: {  	v2 =	vunpack.c.0.s8.s32 v26;
	v26 =	vadd.s32 $0x27, v33;
	[tilespmem:$0x1FEE0] =	vst v24  }
0x26: {  	v32 =	vadd.s32 $0x9, v33;
	[tilespmem:$0x1FF00] =	vst v26  }
0x27: {  	v40 =	vadd.s32 $0x8, v33;
	[tilespmem:$0x1FF40] =	vst v32  }
0x28: {  	v21 =	vadd.s32 $0x1B, v33;
	[tilespmem:$0x1FF50] =	vst v40  }
0x29: {  	v47 =	vadd.s32 $0x1F, v33;
	[tilespmem:$0x1FF60] =	vst v21  }
0x2a: {  	v22 =	vadd.s32 $0x1A, v33;
	[tilespmem:$0x1FF70] =	vst v47  }
0x2b: {  	v29 =	vadd.s32 $0x1E, v33;
	[tilespmem:$0x1FF80] =	vst v22  }
0x2c: {  	v61 =	vmul.u32 $0x40, v33;
	v35 =	vor.u32 $0x20, v33;
	[tilespmem:$0x1FF90] =	vst v29  }
0x2d: {  	[tilespmem:$0x1FFA0] =	vst v35  }
0x2e: {  	v42 =	vadd.s32 $0x4, v33;
	v19 =	vimm.s32 $0x43218765;
	[tilespmem:$0x1FFB0] =	vst v61  }
0x2f: {  	v39 =	vadd.s32 $0xB, v33;
	v6 =	vunpack.c.l.s4.s8 v19;
	[tilespmem:$0x1FFC0] =	vst v42  }
0x30: {  	vm2 =	vcmask $0x3F30;
	v44 =	vadd.s32 $0x1, v33;
	v37 =	vadd.s32 $0xA, v33;
	[tilespmem:$0x1FFD0] =	vst v39  }
0x31: {  	v38 =	vimm.s32 $0xC0B0A09;
	v41 =	vimm.s32 $0x6543A987;
	v6 =	vunpack.c.0.s8.s32 v6;
	[tilespmem:$0x1FFE0] =	vst v44  }
0x32: {  	v11 =	vimm.s32 $0x3E3D3C3B;
	v3 =	vunpack.c.0.s8.s32 v3;
	v9 =	vsel vm2, v7, v5;
	[tilespmem:$0x1FFF0] =	vst v37  }
0x33: {  	v34 =	vand.u32 $0xF, v6;
	v5 =	vunpack.c.0.s8.s32 v38;
	v38 =	vadd.s32 $0x29, v33;
	[tilespmem:$0x1FE90] =	vst v9  }
0x34: {  	v6 =	vunpack.c.l.s4.s8 v41;
	v19 =	vunpack.c.0.s8.s32 v11;
	v41 =	vadd.s32 $0x2A, v33;
	[tilespmem:$0x1FF20] =	vst v38  }
0x35: {  	v36 =	vadd.s32 $0x2, v33;
	[tilespmem:$0x1FF30] =	vst v41  }
0x36: {  	v60 =	vimm.s32 $0xE0D0C0B;
	v59 =	vimm.s32 $0xD0C0B0A;
	v25 =	vand.u32 $0xF, v3;
	[tilespmem:$0x1FDB0] =	vst v19  }
0x37: {  	v1 =	vsel vm1, v34, v1;
	v55 =	vand.u32 $0xF, v2;
	v34 =	vadd.s32 $0x28, v33;
	[tilespmem:$0x1FEF0] =	vst v25  }
0x38: {  	s3 =	srdreg.scid;
	s13 =	stileid.u32;
	v8 =	vsel vm2, v5, v1;
	v1 =	vsel vm1, v55, v4;
	v55 =	vadd.s32 $0x2C, v33;
	[tilespmem:$0x1FF10] =	vst v34  }
0x39: {  	s11 =	simm.s32 $0x4000;
	s12 =	simm.s32 $0x4400;
	s15 =	simm.s32 $0x4;
	v58 =	vunpack.c.0.s8.s32 v6;
	v4 =	vunpack.c.0.s8.s32 v59;
	v59 =	vadd.s32 $0x2E, v33;
	[tilespmem:$0x1FDF0] =	vst v55  }
0x3a: {  	v43 =	vadd.s32 $0x5, v33;
	s8 =	sand.u32 $0x1, s3;
	s3 =	sadd.s32 $0xC00, s6;
	s9 =	sshll.u32 s13, $0x9;
	v5 =	vunpack.c.0.s8.s32 v60;
	v60 =	vadd.s32 $0x2F, v33;
	[tilespmem:$0x1FE10] =	vst v59  }
0x3b: {  	s16 =	simm.s32 $0x0;
	v45 =	vadd.s32 $0x7, v33;
	s4 =	sadd.s32 $0x400, s6;
	s5 =	smul.u32 $0x640000, s8;
	v7 =	vimm.s32 $0x76543210;
	[tilespmem:$0x1FE20] =	vst v60;
	v2 =	vand.u32 $0xF, v58  }
.Ltmp0:
0x3c: {  	s6 =	sadd.s32 $0x190C00, s6;
	s14 =	sshll.u32 s13, $0x11;
	[tilespmem:$0x1FEA0] =	vst v8;
	v4 =	vsel vm2, v4, v1;
	v1 =	vunpack.c.l.s4.s8 v7;
	v58 =	vadd.s32 $0x2D, v33;
	(pc) =	sbr.rel .LBB2_1-.Ltmp0, $4  }
0x3d: {  	v46 =	vor.u32 $0x10, v33;
	v51 =	vadd.s32 $0x11, v33;
	p0 =	sne.s32 s13, $0x0;
	s7 =	ssub.s32 $0x2, s8;
	s8 =	smul.u32 $0x19000000, s8;
	v2 =	vsel vm1, v2, v12;
	[tilespmem:$0x1FE00] =	vst v58  }
0x3e: {  	v52 =	vadd.s32 $0x13, v33;
	s13 =	sshrl.u32 s14, $0x2;
	s10 =	sshrl.u32 s7, $0x1;
	s5 =	sor.u32 s9, s5;
	[tilespmem:$0x1FEB0] =	vst v4;
	v49 =	vsel vm2, v5, v2;
	v1 =	vunpack.c.0.s8.s32 v1  }
0x3f: {  	v48 =	vadd.s32 $0x14, v33;
	v53 =	vadd.s32 $0x15, v33;
	v54 =	vadd.s32 $0x16, v33;
	s14 =	simm.s32 $0x3;
	s30 =	ssub.s32 s7, s10;
	s31 =	sshrl.u32 s5, $0x3;
	[tilespmem:$0x1FEC0] =	vst v49  }
0x40: {  	v56 =	vadd.s32 $0x17, v33;
	v57 =	vadd.s32 $0x18, v33;
	v62 =	vadd.s32 $0x19, v33;
	s10 =	simm.s32 $0x5;
	s9 =	smax.u32 s30, $0x1;
	s7 =	sadd.s32 s3, s31;
	[tilespmem:$0x1FDD0] =	vst v1  }
.LBB2_8:
0x41: {  	_ =	swait.ge [sflag:s14], $0x10000  }
0x42: {  	[sflag:s14] =	ssyncset.done $0x0  }
0x43: {  	[sflag:s14] =	ssyncadd.s32 $0xFFFF0000  }
0x44: {  	_ =	swait.ge [sflag:s15], $0x10000  }
0x45: {  	[sflag:s15] =	ssyncset.done $0x0  }
0x46: {  	[sflag:s15] =	ssyncadd.s32 $0xFFFF0000  }
.LBB2_9:
0x47: {  	s16 =	sadd.s32 $0x1, s16  }
0x48: {  	p1 =	sne.s32 s16, s9  }
.Ltmp1:
0x49: {  	_ = 	snop;
	(pc) =	sbr.rel @!p1 .LBB2_10-.Ltmp1, $2  }
0x4a: {  	_ =	sdelay $0x2  }
0x4b: {  	v15 =	vld [tilespmem:$0x1FE40]  }
.LBB2_1:
0x4c: {  	[tilespmem:s2], [sflag:$0x5] =	stream.linear.gather [hbm4b:s4+s2], $0x4000, $0x38;
	[tilespmem:$0x1C400] =	vst v63  }
.Ltmp2:
0x4d: {  	_ = 	snop;
	(pc) =	sbr.rel .LBB2_2-.Ltmp2, $4  }
0x4e: {  	_ =	swait.ge [sflag:s10], $0x4000  }
0x4f: {  	[sflag:s10] =	ssyncset.done $0x0  }
0x50: {  	p1 =	por $0x0, $0x0;
	s19 =	simm.s32 $0x0;
	[sflag:s10] =	ssyncadd.s32 $0xFFFFC000  }
0x51: {  	[tilespmem:s11], [sflag:$0x1] =	stream.linear.gather [hbm4b:s7+s2], $0x200, $0x38;
	[tilespmem:$0x1C400] =	vst v63  }
.LBB2_5:
0x52: {  	p2 =	seq.s32 s17, $0x320  }
.Ltmp3:
0x53: {  	s19 =	sshll.u32 s19, $0x13;
	(pc) =	sbr.rel @p2 .LBB2_8-.Ltmp3, $4  }
0x54: {  	s19 =	sadd.s32 s8, s19  }
0x55: {  	s19 =	sshrl.u32 s19, $0x3  }
0x56: {  	s18 =	sadd.s32 $0x1C03, s18;
	s20 =	sshrl.u32 s20, $0x3;
	s19 =	sadd.s32 s6, s19  }
0x57: {  	[hbm:s19], [sflag:s18] =	dma.local [spmem:s20], $0x10000  }
.LBB2_6:
0x58: {  	p1 =	por !p1, !p1;
	s19 =	smov.u32 s17;
	v15 =	vld [tilespmem:$0x1FE40]  }
.LBB2_2:
0x59: {  	s17 =	sadd.s32 $0x1, s19;
	p2 =	seq.s32 s19, $0x31F  }
0x5a: {  	s18 =	sand.u32 $0x1, s19;
	s21 =	sshll.u32 @!p2 s17, $0xD  }
0x5b: {  	s20 =	sxor.u32 @!p2 $0x1, s18;
	s21 =	sadd.s32 @!p2 s5, s21  }
0x5c: {  	s23 =	simm.s32 @!p2 $0x0;
	s22 =	sshll.u32 @!p2 s20, $0x9;
	s21 =	sshrl.u32 @!p2 s21, $0x3  }
0x5d: {  	s20 =	sadd.s32 @!p2 $0x1, s20;
	s22 =	sor.u32 @!p2 $0x4000, s22;
	s21 =	sadd.s32 @!p2 s3, s21  }
0x5e: {  	[tilespmem:s22], [sflag:s20] =	stream.linear.gather @!p2 [hbm4b:s21+s23], $0x200, $0x38;
	[tilespmem:$0x1C400] =	vst v63  }
0x5f: {  	s24 =	sadd.s32 $0x1, s18;
	s20 =	simm.s32 $0x1  }
0x60: {  	s20 =	simm.s32 @!p1 $0x0;
	_ =	swait.ge [sflag:s24], $0x200  }
0x61: {  	s20 =	sshll.u32 s20, $0x9;
	[sflag:s24] =	ssyncset.done $0x0  }
0x62: {  	s20 =	sor.u32 $0x4000, s20;
	[sflag:s24] =	ssyncadd.s32 $0xFFFFFE00  }
0x63: {  	v0 =	vld [tilespmem:s20+$0x0];
	_ =	sdelay $0x4  }
0x64: {  	v31 =	vshll.u32 v0, $0x6  }
0x65: {  	v0 =	vor.u32 v33, v31  }
0x66: {  	s25 =	simm.s32 $0x0  }
0x67: {  	v1 =	vmov s25  }
0x68: {  	v1 =	vshll.u32 v1, $0x6  }
0x69: {  	v30 =	vor.u32 v61, v1  }
0x6a: {  	v1 =	vor.u32 v33, v30;
	v0 =	vld.idx.msk [tilespmem:v0+s2+$0x0], $0xffff  }
0x6b: {  	v3 =	vor.u32 v44, v31;
	_ =	sdelay $0x3  }
0x6c: {  	[tilespmem:v1+s12+$0x0] =	vst.idx.msk $0xffff, v0  }
0x6d: {  	v1 =	vor.u32 v44, v30;
	v0 =	vld.idx.msk [tilespmem:v3+s2+$0x0], $0xffff;
	_ =	sdelay $0x4  }
0x6e: {  	v3 =	vor.u32 v36, v31;
	[tilespmem:v1+s12+$0x0] =	vst.idx.msk $0xffff, v0  }
0x6f: {  	v24 =	vld [tilespmem:$0x1FC30];
	_ =	sdelay $0x3  }
0x70: {  	v1 =	vor.u32 v36, v30;
	v0 =	vld.idx.msk [tilespmem:v3+s2+$0x0], $0xffff  }
0x71: {  	v3 =	vor.u32 v24, v31;
	_ =	sdelay $0x3  }
0x72: {  	[tilespmem:v1+s12+$0x0] =	vst.idx.msk $0xffff, v0  }
0x73: {  	v1 =	vor.u32 v24, v30;
	v0 =	vld.idx.msk [tilespmem:v3+s2+$0x0], $0xffff  }
0x74: {  	v3 =	vor.u32 v42, v31;
	_ =	sdelay $0x3  }
0x75: {  	[tilespmem:v1+s12+$0x0] =	vst.idx.msk $0xffff, v0  }
0x76: {  	v1 =	vor.u32 v42, v30;
	v0 =	vld.idx.msk [tilespmem:v3+s2+$0x0], $0xffff;
	_ =	sdelay $0x4  }
0x77: {  	v3 =	vor.u32 v43, v31;
	[tilespmem:v1+s12+$0x0] =	vst.idx.msk $0xffff, v0  }
0x78: {  	v2 =	vld [tilespmem:$0x1FC40];
	_ =	sdelay $0x3  }
0x79: {  	v1 =	vor.u32 v43, v30;
	v0 =	vld.idx.msk [tilespmem:v3+s2+$0x0], $0xffff  }
0x7a: {  	v3 =	vor.u32 v2, v31;
	_ =	sdelay $0x3  }
0x7b: {  	[tilespmem:v1+s12+$0x0] =	vst.idx.msk $0xffff, v0  }
0x7c: {  	v1 =	vor.u32 v2, v30;
	v0 =	vld.idx.msk [tilespmem:v3+s2+$0x0], $0xffff  }
0x7d: {  	v3 =	vor.u32 v45, v31;
	_ =	sdelay $0x3  }
0x7e: {  	[tilespmem:v1+s12+$0x0] =	vst.idx.msk $0xffff, v0  }
0x7f: {  	v1 =	vor.u32 v45, v30;
	v0 =	vld.idx.msk [tilespmem:v3+s2+$0x0], $0xffff  }
0x80: {  	v3 =	vor.u32 v40, v31;
	_ =	sdelay $0x2  }
0x81: {  	s20 =	sadd.s32 $0x10, s20  }
0x82: {  	v4 =	vld [tilespmem:s20+$0x0];
	[tilespmem:v1+s12+$0x0] =	vst.idx.msk $0xffff, v0  }
0x83: {  	v1 =	vor.u32 v40, v30;
	v0 =	vld.idx.msk [tilespmem:v3+s2+$0x0], $0xffff  }
0x84: {  	v3 =	vor.u32 v32, v31;
	_ =	sdelay $0x3  }
0x85: {  	v49 =	vshll.u32 v4, $0x6;
	[tilespmem:v1+s12+$0x0] =	vst.idx.msk $0xffff, v0  }
0x86: {  	v1 =	vor.u32 v33, v49;
	v0 =	vld.idx.msk [tilespmem:v3+s2+$0x0], $0xffff;
	v3 =	vor.u32 v32, v30  }
0x87: {  	s26 =	simm.s32 $0x10;
	v4 =	vor.u32 v37, v31  }
0x88: {  	v5 =	vmov s26  }
0x89: {  	v5 =	vshll.u32 v5, $0x6  }
0x8a: {  	v60 =	vor.u32 v61, v5  }
0x8b: {  	v1 =	vld.idx.msk [tilespmem:v1+s2+$0x0], $0xffff;
	[tilespmem:v3+s12+$0x0] =	vst.idx.msk $0xffff, v0;
	v0 =	vor.u32 v33, v60  }
0x8c: {  	v5 =	vor.u32 v37, v30;
	v3 =	vld.idx.msk [tilespmem:v4+s2+$0x0], $0xffff;
	v4 =	vor.u32 v44, v49  }
0x8d: {  	v6 =	vor.u32 v39, v31;
	_ =	sdelay $0x2  }
0x8e: {  	[tilespmem:v0+s12+$0x0] =	vst.idx.msk $0xffff, v1  }
0x8f: {  	v0 =	vld.idx.msk [tilespmem:v4+s2+$0x0], $0xffff;
	[tilespmem:v5+s12+$0x0] =	vst.idx.msk $0xffff, v3  }
0x90: {  	v1 =	vor.u32 v44, v60;
	v3 =	vld.idx.msk [tilespmem:v6+s2+$0x0], $0xffff  }
0x91: {  	v28 =	vmov v47;
	v5 =	vor.u32 v39, v30;
	v47 =	vld [tilespmem:$0x1FC50];
	_ =	sdelay $0x3  }
0x92: {  	v4 =	vor.u32 v36, v49;
	[tilespmem:v1+s12+$0x0] =	vst.idx.msk $0xffff, v0  }
0x93: {  	v6 =	vor.u32 v47, v31;
	[tilespmem:v5+s12+$0x0] =	vst.idx.msk $0xffff, v3  }
0x94: {  	v41 =	vld [tilespmem:$0x1FC60];
	_ =	sdelay $0x2  }
0x95: {  	v1 =	vor.u32 v36, v60;
	v0 =	vld.idx.msk [tilespmem:v4+s2+$0x0], $0xffff  }
0x96: {  	v4 =	vor.u32 v24, v49;
	v5 =	vor.u32 v47, v30;
	v3 =	vld.idx.msk [tilespmem:v6+s2+$0x0], $0xffff  }
0x97: {  	v6 =	vor.u32 v41, v31;
	_ =	sdelay $0x2  }
0x98: {  	[tilespmem:v1+s12+$0x0] =	vst.idx.msk $0xffff, v0  }
0x99: {  	v0 =	vld.idx.msk [tilespmem:v4+s2+$0x0], $0xffff;
	[tilespmem:v5+s12+$0x0] =	vst.idx.msk $0xffff, v3  }
0x9a: {  	v1 =	vor.u32 v24, v60;
	v3 =	vld.idx.msk [tilespmem:v6+s2+$0x0], $0xffff  }
0x9b: {  	v5 =	vor.u32 v41, v30;
	v55 =	vld [tilespmem:$0x1FC70];
	_ =	sdelay $0x3  }
0x9c: {  	v4 =	vor.u32 v42, v49;
	[tilespmem:v1+s12+$0x0] =	vst.idx.msk $0xffff, v0  }
0x9d: {  	v6 =	vor.u32 v55, v31;
	[tilespmem:v5+s12+$0x0] =	vst.idx.msk $0xffff, v3  }
0x9e: {  	v23 =	vld [tilespmem:$0x1FC80];
	_ =	sdelay $0x2  }
0x9f: {  	v1 =	vor.u32 v42, v60;
	v0 =	vld.idx.msk [tilespmem:v4+s2+$0x0], $0xffff  }
0xa0: {  	v4 =	vor.u32 v43, v49;
	v5 =	vor.u32 v55, v30;
	v3 =	vld.idx.msk [tilespmem:v6+s2+$0x0], $0xffff  }
0xa1: {  	v6 =	vor.u32 v23, v31;
	_ =	sdelay $0x2  }
0xa2: {  	[tilespmem:v1+s12+$0x0] =	vst.idx.msk $0xffff, v0  }
0xa3: {  	v1 =	vor.u32 v43, v60;
	v0 =	vld.idx.msk [tilespmem:v4+s2+$0x0], $0xffff;
	[tilespmem:v5+s12+$0x0] =	vst.idx.msk $0xffff, v3  }
0xa4: {  	v4 =	vor.u32 v2, v49;
	v5 =	vor.u32 v23, v30;
	v3 =	vld.idx.msk [tilespmem:v6+s2+$0x0], $0xffff  }
0xa5: {  	v6 =	vor.u32 v46, v31;
	_ =	sdelay $0x2  }
0xa6: {  	[tilespmem:v1+s12+$0x0] =	vst.idx.msk $0xffff, v0  }
0xa7: {  	v1 =	vor.u32 v2, v60;
	v0 =	vld.idx.msk [tilespmem:v4+s2+$0x0], $0xffff;
	[tilespmem:v5+s12+$0x0] =	vst.idx.msk $0xffff, v3  }
0xa8: {  	v5 =	vor.u32 v46, v30;
	v3 =	vld.idx.msk [tilespmem:v6+s2+$0x0], $0xffff;
	_ =	sdelay $0x3  }
0xa9: {  	v4 =	vor.u32 v45, v49;
	[tilespmem:v1+s12+$0x0] =	vst.idx.msk $0xffff, v0  }
0xaa: {  	v6 =	vor.u32 v51, v31;
	[tilespmem:v5+s12+$0x0] =	vst.idx.msk $0xffff, v3  }
0xab: {  	v25 =	vld [tilespmem:$0x1FC90];
	_ =	sdelay $0x2  }
0xac: {  	v1 =	vor.u32 v45, v60;
	v0 =	vld.idx.msk [tilespmem:v4+s2+$0x0], $0xffff  }
0xad: {  	v4 =	vor.u32 v40, v49;
	v5 =	vor.u32 v51, v30;
	v3 =	vld.idx.msk [tilespmem:v6+s2+$0x0], $0xffff  }
0xae: {  	v6 =	vor.u32 v25, v31;
	_ =	sdelay $0x1  }
0xaf: {  	s20 =	sadd.s32 $0x10, s20  }
0xb0: {  	v7 =	vld [tilespmem:s20+$0x0];
	[tilespmem:v1+s12+$0x0] =	vst.idx.msk $0xffff, v0  }
0xb1: {  	v1 =	vor.u32 v40, v60;
	v0 =	vld.idx.msk [tilespmem:v4+s2+$0x0], $0xffff;
	[tilespmem:v5+s12+$0x0] =	vst.idx.msk $0xffff, v3  }
0xb2: {  	v4 =	vor.u32 v32, v49;
	v5 =	vor.u32 v25, v30;
	v3 =	vld.idx.msk [tilespmem:v6+s2+$0x0], $0xffff  }
0xb3: {  	v6 =	vor.u32 v52, v31;
	_ =	sdelay $0x2  }
0xb4: {  	v27 =	vmov v35;
	v35 =	vshll.u32 v7, $0x6;
	[tilespmem:v1+s12+$0x0] =	vst.idx.msk $0xffff, v0  }
0xb5: {  	v4 =	vld.idx.msk [tilespmem:v4+s2+$0x0], $0xffff;
	[tilespmem:v5+s12+$0x0] =	vst.idx.msk $0xffff, v3;
	v3 =	vor.u32 v33, v35;
	v5 =	vor.u32 v32, v60  }
0xb6: {  	s28 =	simm.s32 $0x20;
	v8 =	vor.u32 v52, v30;
	v7 =	vor.u32 v37, v49;
	v6 =	vld.idx.msk [tilespmem:v6+s2+$0x0], $0xffff  }
0xb7: {  	v9 =	vor.u32 v48, v31;
	v0 =	vmov s28  }
0xb8: {  	v0 =	vshll.u32 v0, $0x6  }
0xb9: {  	v63 =	vor.u32 v61, v0  }
0xba: {  	v3 =	vld.idx.msk [tilespmem:v3+s2+$0x0], $0xffff;
	[tilespmem:v5+s12+$0x0] =	vst.idx.msk $0xffff, v4;
	v4 =	vor.u32 v33, v63  }
0xbb: {  	v5 =	vld.idx.msk [tilespmem:v7+s2+$0x0], $0xffff;
	[tilespmem:v8+s12+$0x0] =	vst.idx.msk $0xffff, v6;
	v6 =	vor.u32 v44, v35;
	v7 =	vor.u32 v37, v60  }
0xbc: {  	v10 =	vor.u32 v48, v30;
	v8 =	vld.idx.msk [tilespmem:v9+s2+$0x0], $0xffff;
	v9 =	vor.u32 v39, v49  }
0xbd: {  	v11 =	vor.u32 v53, v31;
	_ =	sdelay $0x1  }
0xbe: {  	[tilespmem:v4+s12+$0x0] =	vst.idx.msk $0xffff, v3  }
0xbf: {  	v4 =	vor.u32 v44, v63;
	v3 =	vld.idx.msk [tilespmem:v6+s2+$0x0], $0xffff;
	[tilespmem:v7+s12+$0x0] =	vst.idx.msk $0xffff, v5  }
0xc0: {  	v6 =	vor.u32 v36, v35;
	v7 =	vor.u32 v39, v60;
	v5 =	vld.idx.msk [tilespmem:v9+s2+$0x0], $0xffff;
	[tilespmem:v10+s12+$0x0] =	vst.idx.msk $0xffff, v8  }
0xc1: {  	v9 =	vor.u32 v47, v49;
	v10 =	vor.u32 v53, v30;
	v8 =	vld.idx.msk [tilespmem:v11+s2+$0x0], $0xffff  }
0xc2: {  	v11 =	vor.u32 v54, v31;
	_ =	sdelay $0x1  }
0xc3: {  	[tilespmem:v4+s12+$0x0] =	vst.idx.msk $0xffff, v3  }
0xc4: {  	v4 =	vor.u32 v36, v63;
	v3 =	vld.idx.msk [tilespmem:v6+s2+$0x0], $0xffff;
	[tilespmem:v7+s12+$0x0] =	vst.idx.msk $0xffff, v5  }
0xc5: {  	v6 =	vor.u32 v24, v35;
	v7 =	vor.u32 v47, v60;
	v5 =	vld.idx.msk [tilespmem:v9+s2+$0x0], $0xffff;
	[tilespmem:v10+s12+$0x0] =	vst.idx.msk $0xffff, v8  }
0xc6: {  	v9 =	vor.u32 v41, v49;
	v10 =	vor.u32 v54, v30;
	v8 =	vld.idx.msk [tilespmem:v11+s2+$0x0], $0xffff  }
0xc7: {  	v11 =	vor.u32 v56, v31;
	_ =	sdelay $0x1  }
0xc8: {  	[tilespmem:v4+s12+$0x0] =	vst.idx.msk $0xffff, v3  }
0xc9: {  	v4 =	vor.u32 v24, v63;
	v3 =	vld.idx.msk [tilespmem:v6+s2+$0x0], $0xffff;
	[tilespmem:v7+s12+$0x0] =	vst.idx.msk $0xffff, v5  }
0xca: {  	v6 =	vor.u32 v42, v35;
	v7 =	vor.u32 v41, v60;
	v5 =	vld.idx.msk [tilespmem:v9+s2+$0x0], $0xffff;
	[tilespmem:v10+s12+$0x0] =	vst.idx.msk $0xffff, v8  }
0xcb: {  	v9 =	vor.u32 v55, v49;
	v10 =	vor.u32 v56, v30;
	v8 =	vld.idx.msk [tilespmem:v11+s2+$0x0], $0xffff  }
0xcc: {  	v11 =	vor.u32 v57, v31;
	_ =	sdelay $0x1  }
0xcd: {  	[tilespmem:v4+s12+$0x0] =	vst.idx.msk $0xffff, v3  }
0xce: {  	v4 =	vor.u32 v42, v63;
	v3 =	vld.idx.msk [tilespmem:v6+s2+$0x0], $0xffff;
	[tilespmem:v7+s12+$0x0] =	vst.idx.msk $0xffff, v5  }
0xcf: {  	v6 =	vor.u32 v43, v35;
	v7 =	vor.u32 v55, v60;
	v5 =	vld.idx.msk [tilespmem:v9+s2+$0x0], $0xffff;
	[tilespmem:v10+s12+$0x0] =	vst.idx.msk $0xffff, v8  }
0xd0: {  	v9 =	vor.u32 v23, v49;
	v10 =	vor.u32 v57, v30;
	v8 =	vld.idx.msk [tilespmem:v11+s2+$0x0], $0xffff  }
0xd1: {  	v11 =	vor.u32 v62, v31;
	_ =	sdelay $0x1  }
0xd2: {  	[tilespmem:v4+s12+$0x0] =	vst.idx.msk $0xffff, v3  }
0xd3: {  	v4 =	vor.u32 v43, v63;
	v3 =	vld.idx.msk [tilespmem:v6+s2+$0x0], $0xffff;
	[tilespmem:v7+s12+$0x0] =	vst.idx.msk $0xffff, v5  }
0xd4: {  	v6 =	vor.u32 v2, v35;
	v7 =	vor.u32 v23, v60;
	v5 =	vld.idx.msk [tilespmem:v9+s2+$0x0], $0xffff;
	[tilespmem:v10+s12+$0x0] =	vst.idx.msk $0xffff, v8  }
0xd5: {  	v9 =	vor.u32 v46, v49;
	v10 =	vor.u32 v62, v30;
	v8 =	vld.idx.msk [tilespmem:v11+s2+$0x0], $0xffff  }
0xd6: {  	v11 =	vor.u32 v22, v31;
	_ =	sdelay $0x1  }
0xd7: {  	[tilespmem:v4+s12+$0x0] =	vst.idx.msk $0xffff, v3  }
0xd8: {  	v4 =	vor.u32 v2, v63;
	v3 =	vld.idx.msk [tilespmem:v6+s2+$0x0], $0xffff;
	[tilespmem:v7+s12+$0x0] =	vst.idx.msk $0xffff, v5  }
0xd9: {  	v6 =	vor.u32 v45, v35;
	v7 =	vor.u32 v46, v60;
	v5 =	vld.idx.msk [tilespmem:v9+s2+$0x0], $0xffff;
	[tilespmem:v10+s12+$0x0] =	vst.idx.msk $0xffff, v8  }
0xda: {  	v9 =	vor.u32 v51, v49;
	v10 =	vor.u32 v22, v30;
	v8 =	vld.idx.msk [tilespmem:v11+s2+$0x0], $0xffff  }
0xdb: {  	v11 =	vor.u32 v21, v31;
	_ =	sdelay $0x1  }
0xdc: {  	[tilespmem:v4+s12+$0x0] =	vst.idx.msk $0xffff, v3  }
0xdd: {  	v3 =	vld.idx.msk [tilespmem:v6+s2+$0x0], $0xffff;
	[tilespmem:v7+s12+$0x0] =	vst.idx.msk $0xffff, v5  }
0xde: {  	v4 =	vor.u32 v45, v63;
	v5 =	vld.idx.msk [tilespmem:v9+s2+$0x0], $0xffff;
	[tilespmem:v10+s12+$0x0] =	vst.idx.msk $0xffff, v8  }
0xdf: {  	v7 =	vor.u32 v51, v60;
	v8 =	vld.idx.msk [tilespmem:v11+s2+$0x0], $0xffff  }
0xe0: {  	v10 =	vor.u32 v21, v30;
	v59 =	vld [tilespmem:$0x1FCA0];
	_ =	sdelay $0x1  }
0xe1: {  	v6 =	vor.u32 v40, v35  }
0xe2: {  	v9 =	vor.u32 v25, v49;
	[tilespmem:v4+s12+$0x0] =	vst.idx.msk $0xffff, v3  }
0xe3: {  	[tilespmem:v7+s12+$0x0] =	vst.idx.msk $0xffff, v5  }
0xe4: {  	v11 =	vor.u32 v59, v31;
	[tilespmem:v10+s12+$0x0] =	vst.idx.msk $0xffff, v8  }
0xe5: {  	v50 =	vmov v22;
	v22 =	vld [tilespmem:$0x1FCB0]  }
0xe6: {  	v4 =	vor.u32 v40, v63;
	v3 =	vld.idx.msk [tilespmem:v6+s2+$0x0], $0xffff  }
0xe7: {  	s20 =	sadd.s32 $0x10, s20;
	v6 =	vor.u32 v32, v35;
	v7 =	vor.u32 v25, v60;
	v5 =	vld.idx.msk [tilespmem:v9+s2+$0x0], $0xffff  }
0xe8: {  	v12 =	vld [tilespmem:s20+$0x0]  }
0xe9: {  	v9 =	vor.u32 v52, v49;
	v10 =	vor.u32 v59, v30;
	v8 =	vld.idx.msk [tilespmem:v11+s2+$0x0], $0xffff  }
0xea: {  	v11 =	vor.u32 v22, v31  }
0xeb: {  	[tilespmem:v4+s12+$0x0] =	vst.idx.msk $0xffff, v3  }
0xec: {  	v3 =	vld.idx.msk [tilespmem:v6+s2+$0x0], $0xffff;
	[tilespmem:v7+s12+$0x0] =	vst.idx.msk $0xffff, v5;
	v5 =	vor.u32 v32, v63  }
0xed: {  	v26 =	vshll.u32 v12, $0x6;
	v7 =	vor.u32 v37, v35  }
0xee: {  	v4 =	vor.u32 v33, v26;
	v6 =	vld.idx.msk [tilespmem:v9+s2+$0x0], $0xffff;
	[tilespmem:v10+s12+$0x0] =	vst.idx.msk $0xffff, v8;
	v8 =	vor.u32 v52, v60  }
0xef: {  	s29 =	simm.s32 $0x30;
	v12 =	vor.u32 v22, v30;
	v10 =	vld.idx.msk [tilespmem:v11+s2+$0x0], $0xffff;
	v11 =	vor.u32 v48, v49  }
0xf0: {  	v13 =	vor.u32 v29, v31;
	v9 =	vmov s29  }
0xf1: {  	v9 =	vshll.u32 v9, $0x6;
	[tilespmem:v5+s12+$0x0] =	vst.idx.msk $0xffff, v3  }
0xf2: {  	v34 =	vor.u32 v61, v9;
	v5 =	vld.idx.msk [tilespmem:v7+s2+$0x0], $0xffff;
	v7 =	vor.u32 v37, v63  }
0xf3: {  	v9 =	vor.u32 v39, v35;
	v4 =	vld.idx.msk [tilespmem:v4+s2+$0x0], $0xffff;
	v3 =	vor.u32 v33, v34;
	[tilespmem:v8+s12+$0x0] =	vst.idx.msk $0xffff, v6  }
0xf4: {  	v6 =	vor.u32 v44, v26;
	v8 =	vld.idx.msk [tilespmem:v11+s2+$0x0], $0xffff;
	[tilespmem:v12+s12+$0x0] =	vst.idx.msk $0xffff, v10;
	v10 =	vor.u32 v48, v60  }
0xf5: {  	v12 =	vor.u32 v53, v49;
	v11 =	vld.idx.msk [tilespmem:v13+s2+$0x0], $0xffff;
	v13 =	vor.u32 v29, v30  }
0xf6: {  	v14 =	vor.u32 v28, v31  }
0xf7: {  	[tilespmem:v7+s12+$0x0] =	vst.idx.msk $0xffff, v5  }
0xf8: {  	[tilespmem:v3+s12+$0x0] =	vst.idx.msk $0xffff, v4;
	v7 =	vor.u32 v39, v63;
	v5 =	vld.idx.msk [tilespmem:v9+s2+$0x0], $0xffff  }
0xf9: {  	v4 =	vor.u32 v44, v34;
	v3 =	vld.idx.msk [tilespmem:v6+s2+$0x0], $0xffff;
	[tilespmem:v10+s12+$0x0] =	vst.idx.msk $0xffff, v8  }
0xfa: {  	v10 =	vor.u32 v53, v60;
	v8 =	vld.idx.msk [tilespmem:v12+s2+$0x0], $0xffff;
	[tilespmem:v13+s12+$0x0] =	vst.idx.msk $0xffff, v11  }
0xfb: {  	v9 =	vor.u32 v47, v35;
	v13 =	vor.u32 v28, v30;
	v11 =	vld.idx.msk [tilespmem:v14+s2+$0x0], $0xffff;
	_ =	sdelay $0x1  }
0xfc: {  	v6 =	vor.u32 v36, v26;
	[tilespmem:v7+s12+$0x0] =	vst.idx.msk $0xffff, v5  }
0xfd: {  	v12 =	vor.u32 v54, v49;
	[tilespmem:v4+s12+$0x0] =	vst.idx.msk $0xffff, v3  }
0xfe: {  	v14 =	vor.u32 v27, v31;
	[tilespmem:v10+s12+$0x0] =	vst.idx.msk $0xffff, v8  }
0xff: {  	v5 =	vld.idx.msk [tilespmem:v9+s2+$0x0], $0xffff;
	[tilespmem:v13+s12+$0x0] =	vst.idx.msk $0xffff, v11  }
0x100: {  	v38 =	vmov v23;
	v7 =	vor.u32 v47, v63;
	v23 =	vld [tilespmem:$0x1FCC0]  }
0x101: {  	v9 =	vor.u32 v41, v35;
	v4 =	vor.u32 v36, v34;
	v3 =	vld.idx.msk [tilespmem:v6+s2+$0x0], $0xffff  }
0x102: {  	v6 =	vor.u32 v24, v26;
	v10 =	vor.u32 v54, v60;
	v8 =	vld.idx.msk [tilespmem:v12+s2+$0x0], $0xffff  }
0x103: {  	v12 =	vor.u32 v56, v49;
	v13 =	vor.u32 v27, v30;
	v11 =	vld.idx.msk [tilespmem:v14+s2+$0x0], $0xffff;
	_ =	sdelay $0x1  }
0x104: {  	[tilespmem:v7+s12+$0x0] =	vst.idx.msk $0xffff, v5;
	v14 =	vor.u32 v23, v31  }
0x105: {  	v5 =	vld.idx.msk [tilespmem:v9+s2+$0x0], $0xffff;
	[tilespmem:v4+s12+$0x0] =	vst.idx.msk $0xffff, v3  }
0x106: {  	v7 =	vor.u32 v41, v63;
	v3 =	vld.idx.msk [tilespmem:v6+s2+$0x0], $0xffff;
	[tilespmem:v10+s12+$0x0] =	vst.idx.msk $0xffff, v8  }
0x107: {  	v4 =	vor.u32 v24, v34;
	v8 =	vld.idx.msk [tilespmem:v12+s2+$0x0], $0xffff;
	[tilespmem:v13+s12+$0x0] =	vst.idx.msk $0xffff, v11  }
0x108: {  	v10 =	vor.u32 v56, v60;
	v19 =	vld [tilespmem:$0x1FCD0]  }
0x109: {  	v13 =	vor.u32 v23, v30;
	v11 =	vld.idx.msk [tilespmem:v14+s2+$0x0], $0xffff;
	_ =	sdelay $0x1  }
0x10a: {  	v6 =	vor.u32 v42, v26;
	[tilespmem:v7+s12+$0x0] =	vst.idx.msk $0xffff, v5  }
0x10b: {  	v9 =	vor.u32 v55, v35;
	[tilespmem:v4+s12+$0x0] =	vst.idx.msk $0xffff, v3  }
0x10c: {  	v12 =	vor.u32 v57, v49;
	[tilespmem:v10+s12+$0x0] =	vst.idx.msk $0xffff, v8  }
0x10d: {  	v14 =	vor.u32 v19, v31;
	[tilespmem:v13+s12+$0x0] =	vst.idx.msk $0xffff, v11  }
0x10e: {  	v27 =	vld [tilespmem:$0x1FCE0]  }
0x10f: {  	v4 =	vor.u32 v42, v34;
	v3 =	vld.idx.msk [tilespmem:v6+s2+$0x0], $0xffff  }
0x110: {  	v7 =	vor.u32 v55, v63;
	v5 =	vld.idx.msk [tilespmem:v9+s2+$0x0], $0xffff;
	v6 =	vor.u32 v43, v26  }
0x111: {  	v9 =	vor.u32 v38, v35;
	v10 =	vor.u32 v57, v60;
	v8 =	vld.idx.msk [tilespmem:v12+s2+$0x0], $0xffff  }
0x112: {  	v12 =	vor.u32 v62, v49;
	v13 =	vor.u32 v19, v30;
	v11 =	vld.idx.msk [tilespmem:v14+s2+$0x0], $0xffff  }
0x113: {  	v14 =	vor.u32 v27, v31  }
0x114: {  	[tilespmem:v4+s12+$0x0] =	vst.idx.msk $0xffff, v3  }
0x115: {  	[tilespmem:v7+s12+$0x0] =	vst.idx.msk $0xffff, v5;
	v4 =	vor.u32 v43, v34;
	v3 =	vld.idx.msk [tilespmem:v6+s2+$0x0], $0xffff  }
0x116: {  	[tilespmem:v10+s12+$0x0] =	vst.idx.msk $0xffff, v8;
	v7 =	vor.u32 v38, v63;
	v5 =	vld.idx.msk [tilespmem:v9+s2+$0x0], $0xffff;
	v6 =	vor.u32 v2, v26  }
0x117: {  	v10 =	vor.u32 v62, v60;
	v8 =	vld.idx.msk [tilespmem:v12+s2+$0x0], $0xffff;
	v9 =	vor.u32 v46, v35;
	[tilespmem:v13+s12+$0x0] =	vst.idx.msk $0xffff, v11  }
0x118: {  	v12 =	vor.u32 v50, v49;
	v13 =	vor.u32 v27, v30;
	v11 =	vld.idx.msk [tilespmem:v14+s2+$0x0], $0xffff  }
0x119: {  	v14 =	vor.u32 v15, v31  }
0x11a: {  	[tilespmem:v4+s12+$0x0] =	vst.idx.msk $0xffff, v3  }
0x11b: {  	[tilespmem:v7+s12+$0x0] =	vst.idx.msk $0xffff, v5;
	v3 =	vld.idx.msk [tilespmem:v6+s2+$0x0], $0xffff  }
0x11c: {  	v4 =	vor.u32 v2, v34;
	[tilespmem:v10+s12+$0x0] =	vst.idx.msk $0xffff, v8;
	v5 =	vld.idx.msk [tilespmem:v9+s2+$0x0], $0xffff  }
0x11d: {  	v7 =	vor.u32 v46, v63;
	v8 =	vld.idx.msk [tilespmem:v12+s2+$0x0], $0xffff;
	[tilespmem:v13+s12+$0x0] =	vst.idx.msk $0xffff, v11  }
0x11e: {  	v10 =	vor.u32 v50, v60;
	v11 =	vld.idx.msk [tilespmem:v14+s2+$0x0], $0xffff  }
0x11f: {  	v18 =	vmov v28;
	v13 =	vor.u32 v15, v30;
	v28 =	vld [tilespmem:$0x1FE50];
	_ =	sdelay $0x1  }
0x120: {  	v6 =	vor.u32 v45, v26;
	[tilespmem:v4+s12+$0x0] =	vst.idx.msk $0xffff, v3  }
0x121: {  	v9 =	vor.u32 v51, v35;
	[tilespmem:v7+s12+$0x0] =	vst.idx.msk $0xffff, v5  }
0x122: {  	v12 =	vor.u32 v21, v49;
	[tilespmem:v10+s12+$0x0] =	vst.idx.msk $0xffff, v8  }
0x123: {  	v14 =	vor.u32 v28, v31;
	[tilespmem:v13+s12+$0x0] =	vst.idx.msk $0xffff, v11  }
0x124: {  	v16 =	vld [tilespmem:$0x1FE60]  }
0x125: {  	v4 =	vor.u32 v45, v34;
	v3 =	vld.idx.msk [tilespmem:v6+s2+$0x0], $0xffff  }
0x126: {  	v7 =	vor.u32 v51, v63;
	v5 =	vld.idx.msk [tilespmem:v9+s2+$0x0], $0xffff;
	v6 =	vor.u32 v40, v26  }
0x127: {  	v10 =	vor.u32 v21, v60;
	v8 =	vld.idx.msk [tilespmem:v12+s2+$0x0], $0xffff;
	v9 =	vor.u32 v25, v35  }
0x128: {  	v12 =	vor.u32 v59, v49;
	v13 =	vor.u32 v28, v30;
	v11 =	vld.idx.msk [tilespmem:v14+s2+$0x0], $0xffff  }
0x129: {  	v14 =	vor.u32 v16, v31  }
0x12a: {  	[tilespmem:v4+s12+$0x0] =	vst.idx.msk $0xffff, v3  }
0x12b: {  	[tilespmem:v7+s12+$0x0] =	vst.idx.msk $0xffff, v5;
	v3 =	vld.idx.msk [tilespmem:v6+s2+$0x0], $0xffff  }
0x12c: {  	v4 =	vor.u32 v40, v34;
	[tilespmem:v10+s12+$0x0] =	vst.idx.msk $0xffff, v8;
	v5 =	vld.idx.msk [tilespmem:v9+s2+$0x0], $0xffff  }
0x12d: {  	v7 =	vor.u32 v25, v63;
	v8 =	vld.idx.msk [tilespmem:v12+s2+$0x0], $0xffff;
	[tilespmem:v13+s12+$0x0] =	vst.idx.msk $0xffff, v11  }
0x12e: {  	v10 =	vor.u32 v59, v60;
	v11 =	vld.idx.msk [tilespmem:v14+s2+$0x0], $0xffff  }
0x12f: {  	s20 =	sadd.s32 $0x10, s20;
	v13 =	vor.u32 v16, v30;
	v59 =	vld [tilespmem:$0x1FF00]  }
0x130: {  	v20 =	vmov v29;
	v29 =	vmov v15;
	v15 =	vld [tilespmem:s20+$0x0]  }
0x131: {  	v6 =	vor.u32 v32, v26;
	[tilespmem:v4+s12+$0x0] =	vst.idx.msk $0xffff, v3  }
0x132: {  	v9 =	vor.u32 v52, v35;
	[tilespmem:v7+s12+$0x0] =	vst.idx.msk $0xffff, v5  }
0x133: {  	v12 =	vor.u32 v22, v49;
	[tilespmem:v10+s12+$0x0] =	vst.idx.msk $0xffff, v8  }
0x134: {  	v14 =	vor.u32 v59, v31;
	[tilespmem:v13+s12+$0x0] =	vst.idx.msk $0xffff, v11  }
0x135: {  	v4 =	vshll.u32 v15, $0x6;
	v25 =	vld [tilespmem:$0x1FF10]  }
0x136: {  	v7 =	vor.u32 v32, v34;
	v6 =	vld.idx.msk [tilespmem:v6+s2+$0x0], $0xffff;
	v5 =	vor.u32 v33, v4  }
0x137: {  	s30 =	simm.s32 $0x40;
	v8 =	vor.u32 v37, v26;
	v10 =	vor.u32 v52, v63;
	v9 =	vld.idx.msk [tilespmem:v9+s2+$0x0], $0xffff  }
0x138: {  	v3 =	vmov s30;
	v12 =	vld.idx.msk [tilespmem:v12+s2+$0x0], $0xffff;
	v11 =	vor.u32 v48, v35;
	v13 =	vor.u32 v22, v60  }
0x139: {  	v15 =	vor.u32 v20, v49;
	v3 =	vshll.u32 v3, $0x6;
	v16 =	vor.u32 v59, v30;
	v14 =	vld.idx.msk [tilespmem:v14+s2+$0x0], $0xffff  }
0x13a: {  	v3 =	vor.u32 v61, v3;
	v17 =	vor.u32 v25, v31  }
0x13b: {  	v5 =	vld.idx.msk [tilespmem:v5+s2+$0x0], $0xffff;
	[tilespmem:v7+s12+$0x0] =	vst.idx.msk $0xffff, v6;
	v6 =	vor.u32 v33, v3  }
0x13c: {  	[tilespmem:v10+s12+$0x0] =	vst.idx.msk $0xffff, v9;
	v9 =	vor.u32 v37, v34;
	v7 =	vld.idx.msk [tilespmem:v8+s2+$0x0], $0xffff  }
0x13d: {  	v2 =	vmov v18;
	v10 =	vld.idx.msk [tilespmem:v11+s2+$0x0], $0xffff;
	[tilespmem:v13+s12+$0x0] =	vst.idx.msk $0xffff, v12;
	v12 =	vor.u32 v48, v63  }
0x13e: {  	v8 =	vor.u32 v44, v4;
	v13 =	vld.idx.msk [tilespmem:v15+s2+$0x0], $0xffff;
	v15 =	vor.u32 v20, v60;
	[tilespmem:v16+s12+$0x0] =	vst.idx.msk $0xffff, v14  }
0x13f: {  	v11 =	vor.u32 v39, v26;
	v16 =	vld.idx.msk [tilespmem:v17+s2+$0x0], $0xffff;
	v17 =	vor.u32 v18, v49;
	v18 =	vor.u32 v25, v30  }
0x140: {  	[tilespmem:v6+s12+$0x0] =	vst.idx.msk $0xffff, v5  }
0x141: {  	v0 =	vld [tilespmem:$0x1FF20];
	[tilespmem:v9+s12+$0x0] =	vst.idx.msk $0xffff, v7  }
0x142: {  	v14 =	vor.u32 v53, v35;
	[tilespmem:v12+s12+$0x0] =	vst.idx.msk $0xffff, v10  }
0x143: {  	v6 =	vld.idx.msk [tilespmem:v8+s2+$0x0], $0xffff;
	v7 =	vor.u32 v44, v3;
	[tilespmem:v15+s12+$0x0] =	vst.idx.msk $0xffff, v13  }
0x144: {  	v8 =	vld.idx.msk [tilespmem:v11+s2+$0x0], $0xffff;
	[tilespmem:v18+s12+$0x0] =	vst.idx.msk $0xffff, v16  }
0x145: {  	v9 =	vor.u32 v36, v4;
	v10 =	vor.u32 v39, v34;
	v16 =	vor.u32 v2, v60;
	v2 =	vld [tilespmem:$0x1FFA0]  }
0x146: {  	v5 =	vor.u32 v0, v31  }
0x147: {  	v12 =	vor.u32 v47, v26;
	v13 =	vor.u32 v53, v63;
	v11 =	vld.idx.msk [tilespmem:v14+s2+$0x0], $0xffff  }
0x148: {  	v15 =	vor.u32 v54, v35;
	v14 =	vld.idx.msk [tilespmem:v17+s2+$0x0], $0xffff;
	[tilespmem:v7+s12+$0x0] =	vst.idx.msk $0xffff, v6  }
0x149: {  	v1 =	vld [tilespmem:$0x1FF30]  }
0x14a: {  	v7 =	vld.idx.msk [tilespmem:v9+s2+$0x0], $0xffff;
	[tilespmem:v10+s12+$0x0] =	vst.idx.msk $0xffff, v8;
	v8 =	vor.u32 v36, v3;
	v17 =	vor.u32 v2, v49  }
0x14b: {  	v18 =	vor.u32 v0, v30;
	v5 =	vld.idx.msk [tilespmem:v5+s2+$0x0], $0xffff  }
0x14c: {  	v9 =	vld.idx.msk [tilespmem:v12+s2+$0x0], $0xffff;
	[tilespmem:v13+s12+$0x0] =	vst.idx.msk $0xffff, v11;
	v11 =	vor.u32 v47, v34  }
0x14d: {  	v10 =	vor.u32 v24, v4;
	v12 =	vld.idx.msk [tilespmem:v15+s2+$0x0], $0xffff;
	[tilespmem:v16+s12+$0x0] =	vst.idx.msk $0xffff, v14;
	v14 =	vor.u32 v54, v63;
	_ =	sdelay $0x1  }
0x14e: {  	v16 =	vor.u32 v2, v60;
	v6 =	vor.u32 v1, v31;
	[tilespmem:v8+s12+$0x0] =	vst.idx.msk $0xffff, v7;
	v15 =	vld.idx.msk [tilespmem:v17+s2+$0x0], $0xffff  }
0x14f: {  	[tilespmem:v18+s12+$0x0] =	vst.idx.msk $0xffff, v5  }
0x150: {  	v55 =	vld [tilespmem:$0x1FDE0];
	[tilespmem:v11+s12+$0x0] =	vst.idx.msk $0xffff, v9  }
0x151: {  	v13 =	vor.u32 v41, v26;
	v8 =	vld.idx.msk [tilespmem:v10+s2+$0x0], $0xffff;
	[tilespmem:v14+s12+$0x0] =	vst.idx.msk $0xffff, v12  }
0x152: {  	v5 =	vor.u32 v56, v35;
	v2 =	vld [tilespmem:$0x1FFC0]  }
0x153: {  	v18 =	vor.u32 v1, v30;
	v6 =	vld.idx.msk [tilespmem:v6+s2+$0x0], $0xffff;
	[tilespmem:v16+s12+$0x0] =	vst.idx.msk $0xffff, v15  }
0x154: {  	v17 =	vor.u32 v23, v49;
	v9 =	vor.u32 v24, v3;
	v24 =	vld [tilespmem:$0x1FC70];
	_ =	sdelay $0x1  }
0x155: {  	v12 =	vor.u32 v41, v34;
	v10 =	vld.idx.msk [tilespmem:v13+s2+$0x0], $0xffff;
	v7 =	vor.u32 v55, v31  }
0x156: {  	v14 =	vor.u32 v56, v63;
	v5 =	vld.idx.msk [tilespmem:v5+s2+$0x0], $0xffff;
	v11 =	vor.u32 v2, v4  }
0x157: {  	[tilespmem:v18+s12+$0x0] =	vst.idx.msk $0xffff, v6;
	v6 =	vor.u32 v57, v35  }
0x158: {  	v15 =	vld.idx.msk [tilespmem:v17+s2+$0x0], $0xffff;
	[tilespmem:v9+s12+$0x0] =	vst.idx.msk $0xffff, v8;
	v13 =	vor.u32 v24, v26  }
0x159: {  	v16 =	vor.u32 v23, v60;
	v58 =	vld [tilespmem:$0x1FDF0]  }
0x15a: {  	v18 =	vor.u32 v55, v30;
	[tilespmem:v12+s12+$0x0] =	vst.idx.msk $0xffff, v10;
	v7 =	vld.idx.msk [tilespmem:v7+s2+$0x0], $0xffff  }
0x15b: {  	v10 =	vor.u32 v2, v3;
	[tilespmem:v14+s12+$0x0] =	vst.idx.msk $0xffff, v5;
	v9 =	vld.idx.msk [tilespmem:v11+s2+$0x0], $0xffff  }
0x15c: {  	v14 =	vor.u32 v57, v63;
	v6 =	vld.idx.msk [tilespmem:v6+s2+$0x0], $0xffff  }
0x15d: {  	v12 =	vor.u32 v24, v34;
	v11 =	vld.idx.msk [tilespmem:v13+s2+$0x0], $0xffff  }
0x15e: {  	[tilespmem:v16+s12+$0x0] =	vst.idx.msk $0xffff, v15  }
0x15f: {  	[tilespmem:v18+s12+$0x0] =	vst.idx.msk $0xffff, v7  }
0x160: {  	v17 =	vor.u32 v19, v49;
	[tilespmem:v10+s12+$0x0] =	vst.idx.msk $0xffff, v9  }
0x161: {  	v8 =	vor.u32 v58, v31;
	v47 =	vld [tilespmem:$0x1FE00];
	[tilespmem:v14+s12+$0x0] =	vst.idx.msk $0xffff, v6  }
0x162: {  	v5 =	vor.u32 v43, v4;
	[tilespmem:v12+s12+$0x0] =	vst.idx.msk $0xffff, v11  }
0x163: {  	v24 =	vld [tilespmem:$0x1FC40]  }
0x164: {  	v7 =	vor.u32 v62, v35  }
0x165: {  	v16 =	vor.u32 v19, v60;
	v15 =	vld.idx.msk [tilespmem:v17+s2+$0x0], $0xffff;
	v13 =	vor.u32 v38, v26  }
0x166: {  	v17 =	vor.u32 v27, v49;
	v18 =	vor.u32 v58, v30;
	v8 =	vld.idx.msk [tilespmem:v8+s2+$0x0], $0xffff  }
0x167: {  	v10 =	vor.u32 v43, v3;
	v5 =	vld.idx.msk [tilespmem:v5+s2+$0x0], $0xffff;
	v9 =	vor.u32 v47, v31  }
0x168: {  	v6 =	vor.u32 v24, v4  }
0x169: {  	v14 =	vor.u32 v62, v63;
	v7 =	vld.idx.msk [tilespmem:v7+s2+$0x0], $0xffff  }
0x16a: {  	v12 =	vor.u32 v38, v34;
	v11 =	vld.idx.msk [tilespmem:v13+s2+$0x0], $0xffff;
	[tilespmem:v16+s12+$0x0] =	vst.idx.msk $0xffff, v15  }
0x16b: {  	[tilespmem:v18+s12+$0x0] =	vst.idx.msk $0xffff, v8;
	v16 =	vor.u32 v27, v60;
	v15 =	vld.idx.msk [tilespmem:v17+s2+$0x0], $0xffff  }
0x16c: {  	v18 =	vor.u32 v47, v30;
	[tilespmem:v10+s12+$0x0] =	vst.idx.msk $0xffff, v5;
	v9 =	vld.idx.msk [tilespmem:v9+s2+$0x0], $0xffff  }
0x16d: {  	v10 =	vor.u32 v24, v3;
	v6 =	vld.idx.msk [tilespmem:v6+s2+$0x0], $0xffff  }
0x16e: {  	v2 =	vmov v29;
	v17 =	vor.u32 v29, v49;
	v29 =	vld [tilespmem:$0x1FE10];
	[tilespmem:v14+s12+$0x0] =	vst.idx.msk $0xffff, v7  }
0x16f: {  	[tilespmem:v12+s12+$0x0] =	vst.idx.msk $0xffff, v11  }
0x170: {  	[tilespmem:v16+s12+$0x0] =	vst.idx.msk $0xffff, v15  }
0x171: {  	v13 =	vor.u32 v46, v26;
	[tilespmem:v18+s12+$0x0] =	vst.idx.msk $0xffff, v9  }
0x172: {  	[tilespmem:v10+s12+$0x0] =	vst.idx.msk $0xffff, v6  }
0x173: {  	v8 =	vor.u32 v50, v35;
	v10 =	vld [tilespmem:$0x1FDA0]  }
0x174: {  	v16 =	vor.u32 v2, v60;
	v2 =	vmov v21;
	v9 =	vor.u32 v21, v35;
	v21 =	vld [tilespmem:$0x1FDB0]  }
0x175: {  	v5 =	vor.u32 v29, v31  }
0x176: {  	v12 =	vor.u32 v46, v34;
	v11 =	vld.idx.msk [tilespmem:v13+s2+$0x0], $0xffff;
	_ =	sdelay $0x1  }
0x177: {  	v8 =	vld.idx.msk [tilespmem:v8+s2+$0x0], $0xffff  }
0x178: {  	v20 =	vmovc v40;
	v40 =	vmov v1;
	v14 =	vor.u32 v50, v63;
	v15 =	vld.idx.msk [tilespmem:v17+s2+$0x0], $0xffff;
	v1 =	vsel vm0, v21, v10  }
0x179: {  	v5 =	vld.idx.msk [tilespmem:v5+s2+$0x0], $0xffff;
	[tilespmem:$0x1FBC0] =	vst v1  }
0x17a: {  	v18 =	vor.u32 v29, v30;
	v41 =	vld [tilespmem:$0x1FE20];
	[tilespmem:v12+s12+$0x0] =	vst.idx.msk $0xffff, v11  }
0x17b: {  	v10 =	vld [tilespmem:$0x1FD20]  }
0x17c: {  	v12 =	vld [tilespmem:$0x1FD30]  }
0x17d: {  	[tilespmem:v14+s12+$0x0] =	vst.idx.msk $0xffff, v8  }
0x17e: {  	[tilespmem:v16+s12+$0x0] =	vst.idx.msk $0xffff, v15  }
0x17f: {  	v15 =	vor.u32 v2, v63;
	v2 =	vld [tilespmem:$0x1FC90];
	[tilespmem:v18+s12+$0x0] =	vst.idx.msk $0xffff, v5  }
0x180: {  	v7 =	vor.u32 v45, v4;
	v18 =	vld [tilespmem:$0x1FD00]  }
0x181: {  	v50 =	vsel vm0, v12, v10;
	v10 =	vld [tilespmem:$0x1FCF0]  }
0x182: {  	v13 =	vor.u32 v51, v26;
	_ =	sdelay $0x1  }
0x183: {  	v17 =	vor.u32 v28, v49  }
0x184: {  	v6 =	vor.u32 v41, v31;
	v7 =	vld.idx.msk [tilespmem:v7+s2+$0x0], $0xffff  }
0x185: {  	v18 =	vsel vm0, v18, v10;
	v10 =	vld [tilespmem:$0x1FDC0]  }
0x186: {  	v13 =	vld.idx.msk [tilespmem:v13+s2+$0x0], $0xffff  }
0x187: {  	v11 =	vor.u32 v45, v3;
	v9 =	vld.idx.msk [tilespmem:v9+s2+$0x0], $0xffff  }
0x188: {  	v8 =	vor.u32 v51, v34;
	v17 =	vld.idx.msk [tilespmem:v17+s2+$0x0], $0xffff  }
0x189: {  	v24 =	vmov v28;
	v6 =	vld.idx.msk [tilespmem:v6+s2+$0x0], $0xffff  }
0x18a: {  	v5 =	vor.u32 v24, v60;
	v24 =	vld [tilespmem:$0x1FE60];
	v1 =	vsel vm0, v10, v21  }
0x18b: {  	s20 =	sadd.s32 $0x10, s20;
	v12 =	vld [tilespmem:$0x1FCA0];
	[tilespmem:$0x1FC10] =	vst v1  }
0x18c: {  	[tilespmem:v11+s12+$0x0] =	vst.idx.msk $0xffff, v7;
	v11 =	vld [tilespmem:s20+$0x0]  }
0x18d: {  	v29 =	vmov v0;
	v0 =	vld [tilespmem:$0x1FE30];
	[tilespmem:v8+s12+$0x0] =	vst.idx.msk $0xffff, v13  }
0x18e: {  	v14 =	vor.u32 v20, v4;
	v10 =	vld [tilespmem:$0x1FD70];
	[tilespmem:v15+s12+$0x0] =	vst.idx.msk $0xffff, v9  }
0x18f: {  	v28 =	vmov v20;
	v20 =	vor.u32 v41, v30;
	v21 =	vor.u32 v24, v49;
	v9 =	vld [tilespmem:$0x1FD60]  }
0x190: {  	v16 =	vor.u32 v2, v26;
	v27 =	vld [tilespmem:$0x1FF90]  }
0x191: {  	v19 =	vor.u32 v12, v35;
	v13 =	vor.u32 v28, v3;
	v28 =	vld [tilespmem:$0x1FF70]  }
0x192: {  	v7 =	vmov v22;
	v41 =	vld [tilespmem:$0x1FFA0]  }
0x193: {  	[tilespmem:v5+s12+$0x0] =	vst.idx.msk $0xffff, v17;
	v22 =	vor.u32 v0, v31;
	v50 =	vcombine.low v50, v10;
	v10 =	vld.idx.msk [tilespmem:v14+s2+$0x0], $0xffff  }
0x194: {  	[tilespmem:v20+s12+$0x0] =	vst.idx.msk $0xffff, v6;
	v6 =	vld.idx.msk [tilespmem:v21+s2+$0x0], $0xffff  }
0x195: {  	v15 =	vor.u32 v2, v34;
	v14 =	vor.u32 v32, v4;
	v38 =	vcombine.low v18, v9;
	v9 =	vld.idx.msk [tilespmem:v16+s2+$0x0], $0xffff  }
0x196: {  	v17 =	vor.u32 v52, v26;
	v16 =	vld.idx.msk [tilespmem:v19+s2+$0x0], $0xffff;
	v18 =	vor.u32 v12, v63  }
0x197: {  	v8 =	vmov v23;
	v20 =	vor.u32 v24, v60;
	v2 =	vld [tilespmem:$0x1FED0]  }
0x198: {  	v23 =	vor.u32 v0, v30;
	v19 =	vor.u32 v7, v35;
	v22 =	vld.idx.msk [tilespmem:v22+s2+$0x0], $0xffff;
	[tilespmem:v13+s12+$0x0] =	vst.idx.msk $0xffff, v10  }
0x199: {  	v10 =	vld [tilespmem:$0x1FD10]  }
0x19a: {  	v21 =	vor.u32 v59, v49;
	v5 =	vshll.u32 v11, $0x6;
	v13 =	vld.idx.msk [tilespmem:v14+s2+$0x0], $0xffff;
	[tilespmem:v15+s12+$0x0] =	vst.idx.msk $0xffff, v9  }
0x19b: {  	v9 =	vor.u32 v33, v5;
	v14 =	vor.u32 v32, v3;
	[tilespmem:v18+s12+$0x0] =	vst.idx.msk $0xffff, v16;
	v15 =	vld.idx.msk [tilespmem:v17+s2+$0x0], $0xffff  }
0x19c: {  	v0 =	vld [tilespmem:$0x1FFF0];
	v17 =	vor.u32 v52, v34;
	[tilespmem:v20+s12+$0x0] =	vst.idx.msk $0xffff, v6  }
0x19d: {  	v18 =	vld.idx.msk [tilespmem:v19+s2+$0x0], $0xffff;
	v19 =	vor.u32 v48, v26;
	[tilespmem:v23+s12+$0x0] =	vst.idx.msk $0xffff, v22  }
0x19e: {  	v2 =	vcombine.low v2, v1;
	v20 =	vor.u32 v7, v63;
	v1 =	vld [tilespmem:$0x1FFB0]  }
0x19f: {  	v21 =	vld.idx.msk [tilespmem:v21+s2+$0x0], $0xffff;
	v12 =	vor.u32 v10, v31  }
0x1a0: {  	s31 =	simm.s32 $0x50;
	v9 =	vld.idx.msk [tilespmem:v9+s2+$0x0], $0xffff;
	[tilespmem:v14+s12+$0x0] =	vst.idx.msk $0xffff, v13  }
0x1a1: {  	v24 =	vmov s31;
	v22 =	vor.u32 v27, v35;
	v23 =	vor.u32 v59, v60;
	v6 =	vld [tilespmem:$0x1FD40];
	[tilespmem:v17+s12+$0x0] =	vst.idx.msk $0xffff, v15  }
0x1a2: {  	v11 =	vshll.u32 v24, $0x6;
	v16 =	vor.u32 v0, v4;
	v19 =	vld.idx.msk [tilespmem:v19+s2+$0x0], $0xffff  }
0x1a3: {  	v59 =	vor.u32 v1, v11;
	v1 =	vld [tilespmem:$0x1FFE0];
	[tilespmem:v20+s12+$0x0] =	vst.idx.msk $0xffff, v18;
	v20 =	vor.u32 v48, v34  }
0x1a4: {  	v24 =	vor.u32 v10, v30;
	v12 =	vld.idx.msk [tilespmem:v12+s2+$0x0], $0xffff  }
0x1a5: {  	v17 =	vor.u32 v0, v3;
	v14 =	vor.u32 v33, v59;
	v0 =	vld [tilespmem:$0x1FFD0]  }
0x1a6: {  	v11 =	vor.u32 v25, v49;
	v22 =	vld.idx.msk [tilespmem:v22+s2+$0x0], $0xffff;
	[tilespmem:v23+s12+$0x0] =	vst.idx.msk $0xffff, v21;
	v23 =	vor.u32 v27, v63  }
0x1a7: {  	v13 =	vor.u32 v6, v31;
	v16 =	vld.idx.msk [tilespmem:v16+s2+$0x0], $0xffff  }
0x1a8: {  	[tilespmem:v20+s12+$0x0] =	vst.idx.msk $0xffff, v19  }
0x1a9: {  	v15 =	vor.u32 v1, v5;
	[tilespmem:v24+s12+$0x0] =	vst.idx.msk $0xffff, v12  }
0x1aa: {  	[tilespmem:v14+s12+$0x0] =	vst.idx.msk $0xffff, v9  }
0x1ab: {  	v11 =	vld.idx.msk [tilespmem:v11+s2+$0x0], $0xffff;
	v18 =	vor.u32 v0, v4;
	[tilespmem:v23+s12+$0x0] =	vst.idx.msk $0xffff, v22  }
0x1ac: {  	v21 =	vor.u32 v53, v26;
	v24 =	vor.u32 v25, v60;
	v13 =	vld.idx.msk [tilespmem:v13+s2+$0x0], $0xffff;
	[tilespmem:v17+s12+$0x0] =	vst.idx.msk $0xffff, v16  }
0x1ad: {  	v12 =	vor.u32 v28, v35;
	v14 =	vor.u32 v6, v30;
	v17 =	vor.u32 v1, v59;
	v1 =	vld [tilespmem:$0x1FC50]  }
0x1ae: {  	v9 =	vor.u32 v29, v49;
	v15 =	vld.idx.msk [tilespmem:v15+s2+$0x0], $0xffff  }
0x1af: {  	v16 =	vor.u32 v2, v31  }
0x1b0: {  	v19 =	vor.u32 v36, v5;
	v20 =	vor.u32 v0, v3;
	v18 =	vld.idx.msk [tilespmem:v18+s2+$0x0], $0xffff  }
0x1b1: {  	v21 =	vld.idx.msk [tilespmem:v21+s2+$0x0], $0xffff;
	[tilespmem:v24+s12+$0x0] =	vst.idx.msk $0xffff, v11  }
0x1b2: {  	v23 =	vor.u32 v53, v34;
	v12 =	vld.idx.msk [tilespmem:v12+s2+$0x0], $0xffff;
	[tilespmem:v14+s12+$0x0] =	vst.idx.msk $0xffff, v13;
	v22 =	vor.u32 v1, v4  }
0x1b3: {  	v9 =	vld.idx.msk [tilespmem:v9+s2+$0x0], $0xffff;
	[tilespmem:v17+s12+$0x0] =	vst.idx.msk $0xffff, v15  }
0x1b4: {  	v11 =	vor.u32 v54, v26;
	v24 =	vor.u32 v28, v63;
	v16 =	vld.idx.msk [tilespmem:v16+s2+$0x0], $0xffff;
	[tilespmem:$0x1FBA0] =	vst v2  }
0x1b5: {  	v14 =	vor.u32 v29, v60;
	v19 =	vld.idx.msk [tilespmem:v19+s2+$0x0], $0xffff;
	[tilespmem:v20+s12+$0x0] =	vst.idx.msk $0xffff, v18  }
0x1b6: {  	v17 =	vor.u32 v2, v30;
	v10 =	vld [tilespmem:$0x1FE70]  }
0x1b7: {  	v20 =	vor.u32 v36, v59;
	v22 =	vld.idx.msk [tilespmem:v22+s2+$0x0], $0xffff;
	[tilespmem:v23+s12+$0x0] =	vst.idx.msk $0xffff, v21  }
0x1b8: {  	v13 =	vor.u32 v41, v35;
	v23 =	vor.u32 v1, v3;
	v0 =	vld [tilespmem:$0x1FC30]  }
0x1b9: {  	v15 =	vor.u32 v40, v49;
	v11 =	vld.idx.msk [tilespmem:v11+s2+$0x0], $0xffff;
	[tilespmem:v24+s12+$0x0] =	vst.idx.msk $0xffff, v12;
	v24 =	vor.u32 v54, v34  }
0x1ba: {  	v2 =	vld [tilespmem:$0x1FC60];
	[tilespmem:v14+s12+$0x0] =	vst.idx.msk $0xffff, v9  }
0x1bb: {  	v9 =	vor.u32 v56, v26;
	[tilespmem:v17+s12+$0x0] =	vst.idx.msk $0xffff, v16  }
0x1bc: {  	[tilespmem:v20+s12+$0x0] =	vst.idx.msk $0xffff, v19;
	v18 =	vor.u32 v10, v31  }
0x1bd: {  	v13 =	vld.idx.msk [tilespmem:v13+s2+$0x0], $0xffff;
	v14 =	vor.u32 v41, v63;
	[tilespmem:v23+s12+$0x0] =	vst.idx.msk $0xffff, v22;
	v21 =	vor.u32 v0, v5  }
0x1be: {  	v15 =	vld.idx.msk [tilespmem:v15+s2+$0x0], $0xffff;
	[tilespmem:v24+s12+$0x0] =	vst.idx.msk $0xffff, v11  }
0x1bf: {  	v12 =	vor.u32 v2, v4;
	v1 =	vld [tilespmem:$0x1FFC0]  }
0x1c0: {  	v16 =	vor.u32 v8, v35;
	v17 =	vor.u32 v40, v60;
	v9 =	vld.idx.msk [tilespmem:v9+s2+$0x0], $0xffff  }
0x1c1: {  	v19 =	vor.u32 v55, v49;
	v20 =	vor.u32 v10, v30;
	v18 =	vld.idx.msk [tilespmem:v18+s2+$0x0], $0xffff  }
0x1c2: {  	v23 =	vor.u32 v0, v59;
	[tilespmem:v14+s12+$0x0] =	vst.idx.msk $0xffff, v13;
	v21 =	vld.idx.msk [tilespmem:v21+s2+$0x0], $0xffff  }
0x1c3: {  	v22 =	vor.u32 v38, v31;
	v0 =	vld [tilespmem:$0x1FC70]  }
0x1c4: {  	v24 =	vor.u32 v2, v3;
	v12 =	vld.idx.msk [tilespmem:v12+s2+$0x0], $0xffff  }
0x1c5: {  	v14 =	vor.u32 v56, v34;
	v16 =	vld.idx.msk [tilespmem:v16+s2+$0x0], $0xffff;
	[tilespmem:v17+s12+$0x0] =	vst.idx.msk $0xffff, v15  }
0x1c6: {  	v19 =	vld.idx.msk [tilespmem:v19+s2+$0x0], $0xffff;
	[tilespmem:v20+s12+$0x0] =	vst.idx.msk $0xffff, v18  }
0x1c7: {  	v6 =	vld [tilespmem:$0x1FCD0];
	[tilespmem:v23+s12+$0x0] =	vst.idx.msk $0xffff, v21  }
0x1c8: {  	v22 =	vld.idx.msk [tilespmem:v22+s2+$0x0], $0xffff;
	[tilespmem:$0x1FBB0] =	vst v38  }
0x1c9: {  	v11 =	vor.u32 v1, v5;
	[tilespmem:v24+s12+$0x0] =	vst.idx.msk $0xffff, v12  }
0x1ca: {  	v13 =	vor.u32 v0, v4;
	[tilespmem:v14+s12+$0x0] =	vst.idx.msk $0xffff, v9  }
0x1cb: {  	v15 =	vor.u32 v57, v26;
	v17 =	vor.u32 v8, v63;
	v9 =	vld [tilespmem:$0x1FEE0]  }
0x1cc: {  	v20 =	vor.u32 v55, v60;
	v24 =	vor.u32 v1, v59;
	v1 =	vld [tilespmem:$0x1FBC0]  }
0x1cd: {  	v21 =	vor.u32 v58, v49;
	v23 =	vor.u32 v38, v30  }
0x1ce: {  	v11 =	vld.idx.msk [tilespmem:v11+s2+$0x0], $0xffff  }
0x1cf: {  	v12 =	vor.u32 v50, v31;
	v13 =	vld.idx.msk [tilespmem:v13+s2+$0x0], $0xffff  }
0x1d0: {  	v15 =	vld.idx.msk [tilespmem:v15+s2+$0x0], $0xffff;
	[tilespmem:v17+s12+$0x0] =	vst.idx.msk $0xffff, v16;
	v16 =	vor.u32 v57, v34;
	v18 =	vor.u32 v6, v35  }
0x1d1: {  	v2 =	vcombine.low v1, v9;
	v9 =	vor.u32 v0, v3;
	v0 =	vld [tilespmem:$0x1FC80];
	[tilespmem:v20+s12+$0x0] =	vst.idx.msk $0xffff, v19  }
0x1d2: {  	v14 =	vor.u32 v43, v5;
	[tilespmem:v23+s12+$0x0] =	vst.idx.msk $0xffff, v22;
	v21 =	vld.idx.msk [tilespmem:v21+s2+$0x0], $0xffff  }
0x1d3: {  	v19 =	vor.u32 v6, v63;
	v6 =	vld [tilespmem:$0x1FCE0]  }
0x1d4: {  	v12 =	vld.idx.msk [tilespmem:v12+s2+$0x0], $0xffff;
	[tilespmem:v24+s12+$0x0] =	vst.idx.msk $0xffff, v11  }
0x1d5: {  	v22 =	vor.u32 v58, v60;
	v18 =	vld.idx.msk [tilespmem:v18+s2+$0x0], $0xffff;
	[tilespmem:$0x1FBD0] =	vst v50  }
0x1d6: {  	v20 =	vor.u32 v62, v26;
	[tilespmem:v16+s12+$0x0] =	vst.idx.msk $0xffff, v15  }
0x1d7: {  	v14 =	vld.idx.msk [tilespmem:v14+s2+$0x0], $0xffff;
	[tilespmem:v9+s12+$0x0] =	vst.idx.msk $0xffff, v13  }
0x1d8: {  	v11 =	vor.u32 v50, v30;
	v24 =	vor.u32 v47, v49;
	v9 =	vld [tilespmem:$0x1FD80]  }
0x1d9: {  	v10 =	vld [tilespmem:$0x1FD50]  }
0x1da: {  	v1 =	vld [tilespmem:$0x1FC40];
	[tilespmem:v22+s12+$0x0] =	vst.idx.msk $0xffff, v21  }
0x1db: {  	v17 =	vor.u32 v0, v4;
	[tilespmem:v19+s12+$0x0] =	vst.idx.msk $0xffff, v18;
	v18 =	vld.idx.msk [tilespmem:v20+s2+$0x0], $0xffff  }
0x1dc: {  	v23 =	vor.u32 v6, v35;
	v27 =	vld [tilespmem:$0x1FF80]  }
0x1dd: {  	v25 =	vor.u32 v43, v59;
	[tilespmem:v11+s12+$0x0] =	vst.idx.msk $0xffff, v12;
	v11 =	vld.idx.msk [tilespmem:v24+s2+$0x0], $0xffff  }
0x1de: {  	v28 =	vld [tilespmem:$0x1FE40]  }
0x1df: {  	v13 =	vor.u32 v2, v31;
	v24 =	vor.u32 v47, v60;
	v47 =	vld [tilespmem:$0x1FCA0]  }
0x1e0: {  	v20 =	vor.u32 v62, v34;
	v15 =	vld.idx.msk [tilespmem:v17+s2+$0x0], $0xffff  }
0x1e1: {  	v17 =	vor.u32 v0, v3;
	v21 =	vld.idx.msk [tilespmem:v23+s2+$0x0], $0xffff  }
0x1e2: {  	v9 =	vsel vm0, v9, v10;
	v16 =	vor.u32 v1, v5;
	v10 =	vld [tilespmem:$0x1FDD0];
	[tilespmem:v25+s12+$0x0] =	vst.idx.msk $0xffff, v14  }
0x1e3: {  	v19 =	vor.u32 v46, v4;
	v23 =	vor.u32 v6, v63;
	v0 =	vld [tilespmem:$0x1FE10]  }
0x1e4: {  	v13 =	vld.idx.msk [tilespmem:v13+s2+$0x0], $0xffff;
	[tilespmem:$0x1FBE0] =	vst v2  }
0x1e5: {  	v25 =	vor.u32 v2, v30;
	v22 =	vor.u32 v27, v26;
	[tilespmem:v20+s12+$0x0] =	vst.idx.msk $0xffff, v18  }
0x1e6: {  	[tilespmem:v24+s12+$0x0] =	vst.idx.msk $0xffff, v11  }
0x1e7: {  	v12 =	vor.u32 v28, v35;
	[tilespmem:v17+s12+$0x0] =	vst.idx.msk $0xffff, v15;
	v17 =	vor.u32 v1, v59;
	v16 =	vld.idx.msk [tilespmem:v16+s2+$0x0], $0xffff  }
0x1e8: {  	v6 =	vcombine.low v9, v10;
	v19 =	vld.idx.msk [tilespmem:v19+s2+$0x0], $0xffff;
	[tilespmem:v23+s12+$0x0] =	vst.idx.msk $0xffff, v21;
	v14 =	vor.u32 v0, v49  }
0x1e9: {  	v1 =	vld [tilespmem:$0x1FF60]  }
0x1ea: {  	[tilespmem:v25+s12+$0x0] =	vst.idx.msk $0xffff, v13;
	v15 =	vor.u32 v6, v31;
	v22 =	vld.idx.msk [tilespmem:v22+s2+$0x0], $0xffff  }
0x1eb: {  	v18 =	vor.u32 v45, v5;
	v20 =	vor.u32 v46, v3;
	v29 =	vld [tilespmem:$0x1FE50]  }
0x1ec: {  	v9 =	vld.idx.msk [tilespmem:v12+s2+$0x0], $0xffff  }
0x1ed: {  	v23 =	vor.u32 v27, v34;
	[tilespmem:v17+s12+$0x0] =	vst.idx.msk $0xffff, v16;
	v58 =	vld.idx.msk [tilespmem:v14+s2+$0x0], $0xffff  }
0x1ee: {  	v24 =	vor.u32 v28, v63;
	v21 =	vor.u32 v51, v4;
	v28 =	vld [tilespmem:$0x1FE20]  }
0x1ef: {  	v11 =	vor.u32 v1, v26;
	v15 =	vld.idx.msk [tilespmem:v15+s2+$0x0], $0xffff;
	[tilespmem:$0x1FBF0] =	vst v6  }
0x1f0: {  	v25 =	vor.u32 v0, v60;
	v40 =	vld.idx.msk [tilespmem:v18+s2+$0x0], $0xffff;
	[tilespmem:v20+s12+$0x0] =	vst.idx.msk $0xffff, v19  }
0x1f1: {  	v17 =	vor.u32 v6, v30;
	v2 =	vld [tilespmem:$0x1FE80]  }
0x1f2: {  	v10 =	vld [tilespmem:$0x1FF50];
	[tilespmem:v23+s12+$0x0] =	vst.idx.msk $0xffff, v22  }
0x1f3: {  	v27 =	vld.idx.msk [tilespmem:v21+s2+$0x0], $0xffff;
	[tilespmem:v24+s12+$0x0] =	vst.idx.msk $0xffff, v9  }
0x1f4: {  	v18 =	vld.idx.msk [tilespmem:v11+s2+$0x0], $0xffff;
	[tilespmem:$0x1FC00] =	vst v34  }
0x1f5: {  	v6 =	vor.u32 v45, v59;
	v9 =	vld [tilespmem:$0x1FC90];
	[tilespmem:v25+s12+$0x0] =	vst.idx.msk $0xffff, v58  }
0x1f6: {  	[tilespmem:v17+s12+$0x0] =	vst.idx.msk $0xffff, v15  }
0x1f7: {  	v0 =	vld [tilespmem:$0x1FE60]  }
0x1f8: {  	v13 =	vor.u32 v29, v35;
	_ =	sdelay $0x1  }
0x1f9: {  	v12 =	vor.u32 v51, v3;
	v16 =	vor.u32 v28, v49;
	[tilespmem:v6+s12+$0x0] =	vst.idx.msk $0xffff, v40  }
0x1fa: {  	v50 =	vmov v4;
	v19 =	vor.u32 v2, v31;
	v55 =	vor.u32 v9, v4;
	v4 =	vld [tilespmem:$0x1FC10]  }
0x1fb: {  	v14 =	vor.u32 v1, v34;
	v23 =	vor.u32 v0, v35;
	v0 =	vld [tilespmem:$0x1FEF0]  }
0x1fc: {  	s20 =	sadd.s32 $0x10, s20;
	v38 =	vld.idx.msk [tilespmem:v13+s2+$0x0], $0xffff  }
0x1fd: {  	v21 =	vld [tilespmem:s20+$0x0]  }
0x1fe: {  	v41 =	vor.u32 v10, v5;
	v22 =	vld.idx.msk [tilespmem:v16+s2+$0x0], $0xffff;
	[tilespmem:v12+s12+$0x0] =	vst.idx.msk $0xffff, v27  }
0x1ff: {  	v34 =	vor.u32 v47, v26;
	v20 =	vld.idx.msk [tilespmem:v19+s2+$0x0], $0xffff;
	[tilespmem:$0x1FC20] =	vst v49  }
0x200: {  	v13 =	vor.u32 v29, v63;
	v11 =	vcombine.low v4, v0;
	v0 =	vld [tilespmem:$0x1FE30];
	[tilespmem:v14+s12+$0x0] =	vst.idx.msk $0xffff, v18  }
0x201: {  	v1 =	vmov v26;
	v26 =	vor.u32 v2, v30;
	v2 =	vld [tilespmem:$0x1FD90];
	_ =	sdelay $0x1  }
0x202: {  	v15 =	vld.idx.msk [tilespmem:v41+s2+$0x0], $0xffff  }
0x203: {  	v24 =	vor.u32 v28, v60;
	v58 =	vmov v35;
	v17 =	vor.u32 v9, v3;
	v16 =	vld.idx.msk [tilespmem:v55+s2+$0x0], $0xffff  }
0x204: {  	v19 =	vor.u32 v32, v5;
	v18 =	vor.u32 v10, v59;
	[tilespmem:v13+s12+$0x0] =	vst.idx.msk $0xffff, v38;
	v14 =	vld.idx.msk [tilespmem:v34+s2+$0x0], $0xffff  }
0x205: {  	s21 =	simm.s32 $0x60;
	s22 =	simm.s32 $0x70;
	v25 =	vor.u32 v0, v49;
	v49 =	vmovc v60;
	v60 =	vmovc v30;
	v0 =	vmov v31;
	v27 =	vor.u32 v2, v31  }
.LBB2_3:
0x206: {  	v55 =	vld [tilespmem:$0x1FC00]  }
0x207: {  	v2 =	vld [tilespmem:$0x1FC10]  }
0x208: {  	v23 =	vld.idx.msk [tilespmem:v23+s2+$0x0], $0xffff  }
0x209: {  	v41 =	vld [tilespmem:$0x1FE60]  }
0x20a: {  	v35 =	vmov v3;
	v3 =	vld [tilespmem:$0x1FF00]  }
0x20b: {  	v40 =	vld [tilespmem:$0x1FE30]  }
0x20c: {  	v13 =	vmov v2;
	v2 =	vld [tilespmem:$0x1FED0]  }
0x20d: {  	v38 =	vld [tilespmem:$0x1FD10]  }
0x20e: {  	[tilespmem:v24+s12+$0x0] =	vst.idx.msk $0xffff, v22;
	v9 =	vld [tilespmem:$0x1FF10]  }
0x20f: {  	v28 =	vor.u32 v52, v50;
	v4 =	vmov v59;
	v24 =	vld.idx.msk [tilespmem:v25+s2+$0x0], $0xffff  }
0x210: {  	v59 =	vmov v58;
	[tilespmem:v26+s12+$0x0] =	vst.idx.msk $0xffff, v20;
	v29 =	vor.u32 v47, v55;
	v20 =	vor.u32 v3, v58;
	v58 =	vld [tilespmem:$0x1FC20]  }
0x211: {  	v12 =	vmov v63;
	v6 =	vor.u32 v7, v1;
	v26 =	vcombine.low v2, v13;
	v2 =	vld [tilespmem:$0x1FD90]  }
0x212: {  	v34 =	vld [tilespmem:$0x1FC70];
	v22 =	vor.u32 v41, v12  }
0x213: {  	v27 =	vld.idx.msk [tilespmem:v27+s2+$0x0], $0xffff;
	[tilespmem:v18+s12+$0x0] =	vst.idx.msk $0xffff, v15  }
0x214: {  	v19 =	vld.idx.msk [tilespmem:v19+s2+$0x0], $0xffff;
	[tilespmem:v17+s12+$0x0] =	vst.idx.msk $0xffff, v16;
	v25 =	vor.u32 v40, v49  }
0x215: {  	v30 =	vmov s21;
	v15 =	vshll.u32 v21, $0x6;
	v28 =	vld.idx.msk [tilespmem:v28+s2+$0x0], $0xffff;
	v18 =	vor.u32 v38, v58;
	[tilespmem:v29+s12+$0x0] =	vst.idx.msk $0xffff, v14  }
0x216: {  	v21 =	vshll.u32 v30, $0x6;
	v30 =	vor.u32 v32, v4;
	v63 =	vmovc v55;
	v32 =	vld.idx.msk [tilespmem:v6+s2+$0x0], $0xffff;
	v31 =	vor.u32 v2, v60  }
0x217: {  	v16 =	vor.u32 v11, v0;
	[tilespmem:v22+s12+$0x0] =	vst.idx.msk $0xffff, v23;
	v23 =	vor.u32 v7, v63;
	v7 =	vld [tilespmem:$0x1FF90]  }
0x218: {  	v17 =	vor.u32 v33, v15;
	v20 =	vld.idx.msk [tilespmem:v20+s2+$0x0], $0xffff  }
0x219: {  	v14 =	vor.u32 v37, v5;
	[tilespmem:v25+s12+$0x0] =	vst.idx.msk $0xffff, v24;
	v25 =	vor.u32 v3, v12;
	v3 =	vmov v5;
	v5 =	vld [tilespmem:$0x1FD40]  }
0x21a: {  	v29 =	vor.u32 v52, v35;
	v18 =	vld.idx.msk [tilespmem:v18+s2+$0x0], $0xffff  }
0x21b: {  	v22 =	vor.u32 v48, v50;
	v2 =	vld [tilespmem:$0x1FE90];
	[tilespmem:v31+s12+$0x0] =	vst.idx.msk $0xffff, v27  }
0x21c: {  	v16 =	vld.idx.msk [tilespmem:v16+s2+$0x0], $0xffff  }
0x21d: {  	v55 =	vor.u32 v61, v21;
	v24 =	vor.u32 v7, v1;
	v17 =	vld.idx.msk [tilespmem:v17+s2+$0x0], $0xffff  }
0x21e: {  	[tilespmem:v30+s12+$0x0] =	vst.idx.msk $0xffff, v19;
	v30 =	vor.u32 v33, v55;
	v33 =	vld [tilespmem:$0x1FDE0]  }
0x21f: {  	v21 =	vor.u32 v9, v59;
	v14 =	vld.idx.msk [tilespmem:v14+s2+$0x0], $0xffff;
	[tilespmem:v29+s12+$0x0] =	vst.idx.msk $0xffff, v28  }
0x220: {  	v11 =	vor.u32 v11, v60;
	v27 =	vor.u32 v38, v49;
	v19 =	vor.u32 v5, v58;
	v22 =	vld.idx.msk [tilespmem:v22+s2+$0x0], $0xffff  }
0x221: {  	v38 =	vmov v39;
	[tilespmem:v23+s12+$0x0] =	vst.idx.msk $0xffff, v32;
	v23 =	vor.u32 v39, v3;
	v32 =	vor.u32 v39, v4;
	v39 =	vld [tilespmem:$0x1FC50]  }
0x222: {  	v24 =	vld.idx.msk [tilespmem:v24+s2+$0x0], $0xffff  }
0x223: {  	v28 =	vor.u32 v2, v0;
	[tilespmem:v25+s12+$0x0] =	vst.idx.msk $0xffff, v20;
	v25 =	vor.u32 v7, v63;
	v7 =	vld [tilespmem:$0x1FF70]  }
0x224: {  	v29 =	vor.u32 v44, v15;
	v21 =	vld.idx.msk [tilespmem:v21+s2+$0x0], $0xffff  }
0x225: {  	v31 =	vor.u32 v37, v4;
	[tilespmem:v27+s12+$0x0] =	vst.idx.msk $0xffff, v18;
	v27 =	vor.u32 v9, v12;
	v9 =	vld [tilespmem:$0x1FF20]  }
0x226: {  	v19 =	vld.idx.msk [tilespmem:v19+s2+$0x0], $0xffff;
	[tilespmem:v11+s12+$0x0] =	vst.idx.msk $0xffff, v16  }
0x227: {  	v6 =	vmov v61;
	v61 =	vor.u32 v48, v35;
	v16 =	vor.u32 v5, v49;
	v5 =	vld [tilespmem:$0x1FEA0];
	[tilespmem:v30+s12+$0x0] =	vst.idx.msk $0xffff, v17  }
0x228: {  	v20 =	vor.u32 v53, v50;
	v17 =	vld.idx.msk [tilespmem:v28+s2+$0x0], $0xffff  }
0x229: {  	v28 =	vld.idx.msk [tilespmem:v29+s2+$0x0], $0xffff;
	v18 =	vor.u32 v7, v1  }
0x22a: {  	[tilespmem:v31+s12+$0x0] =	vst.idx.msk $0xffff, v14;
	v29 =	vor.u32 v2, v60;
	v2 =	vld [tilespmem:$0x1FE70]  }
0x22b: {  	v23 =	vld.idx.msk [tilespmem:v23+s2+$0x0], $0xffff;
	v11 =	vor.u32 v9, v59  }
0x22c: {  	[tilespmem:v61+s12+$0x0] =	vst.idx.msk $0xffff, v22;
	v61 =	vld [tilespmem:$0x1FFA0]  }
0x22d: {  	v14 =	vor.u32 v26, v58;
	v20 =	vld.idx.msk [tilespmem:v20+s2+$0x0], $0xffff;
	[tilespmem:v25+s12+$0x0] =	vst.idx.msk $0xffff, v24  }
0x22e: {  	v30 =	vor.u32 v44, v55;
	v18 =	vld.idx.msk [tilespmem:v18+s2+$0x0], $0xffff  }
0x22f: {  	v22 =	vor.u32 v5, v0;
	[tilespmem:v27+s12+$0x0] =	vst.idx.msk $0xffff, v21;
	v27 =	vor.u32 v7, v63;
	v7 =	vld [tilespmem:$0x1FC30]  }
0x230: {  	v31 =	vor.u32 v36, v15;
	v11 =	vld.idx.msk [tilespmem:v11+s2+$0x0], $0xffff  }
0x231: {  	[tilespmem:v16+s12+$0x0] =	vst.idx.msk $0xffff, v19;
	v19 =	vor.u32 v9, v12;
	v9 =	vld [tilespmem:$0x1FF30]  }
0x232: {  	v24 =	vor.u32 v39, v3;
	v25 =	vor.u32 v53, v35;
	v14 =	vld.idx.msk [tilespmem:v14+s2+$0x0], $0xffff;
	[tilespmem:v29+s12+$0x0] =	vst.idx.msk $0xffff, v17  }
0x233: {  	v21 =	vor.u32 v54, v50;
	v29 =	vor.u32 v5, v60;
	v5 =	vld [tilespmem:$0x1FEB0];
	[tilespmem:v30+s12+$0x0] =	vst.idx.msk $0xffff, v28  }
0x234: {  	v16 =	vor.u32 v61, v1;
	v22 =	vld.idx.msk [tilespmem:v22+s2+$0x0], $0xffff  }
0x235: {  	v26 =	vor.u32 v26, v49;
	v28 =	vld.idx.msk [tilespmem:v31+s2+$0x0], $0xffff  }
0x236: {  	[tilespmem:v32+s12+$0x0] =	vst.idx.msk $0xffff, v23;
	v31 =	vor.u32 v39, v4;
	v39 =	vld [tilespmem:$0x1FC60];
	v17 =	vor.u32 v9, v59  }
0x237: {  	v23 =	vor.u32 v2, v58;
	v24 =	vld.idx.msk [tilespmem:v24+s2+$0x0], $0xffff;
	[tilespmem:v25+s12+$0x0] =	vst.idx.msk $0xffff, v20  }
0x238: {  	v21 =	vld.idx.msk [tilespmem:v21+s2+$0x0], $0xffff;
	[tilespmem:v27+s12+$0x0] =	vst.idx.msk $0xffff, v18  }
0x239: {  	v30 =	vor.u32 v36, v55;
	v16 =	vld.idx.msk [tilespmem:v16+s2+$0x0], $0xffff  }
0x23a: {  	[tilespmem:v19+s12+$0x0] =	vst.idx.msk $0xffff, v11;
	v19 =	vor.u32 v61, v63;
	v61 =	vld [tilespmem:$0x1FBB0]  }
0x23b: {  	v20 =	vor.u32 v5, v0;
	v17 =	vld.idx.msk [tilespmem:v17+s2+$0x0], $0xffff;
	[tilespmem:v26+s12+$0x0] =	vst.idx.msk $0xffff, v14  }
0x23c: {  	v25 =	vor.u32 v7, v15;
	v27 =	vor.u32 v54, v35;
	v23 =	vld.idx.msk [tilespmem:v23+s2+$0x0], $0xffff  }
0x23d: {  	v18 =	vor.u32 v39, v3;
	[tilespmem:v29+s12+$0x0] =	vst.idx.msk $0xffff, v22;
	v29 =	vor.u32 v5, v60;
	v5 =	vld [tilespmem:$0x1FDF0]  }
0x23e: {  	v11 =	vor.u32 v56, v50;
	[tilespmem:v30+s12+$0x0] =	vst.idx.msk $0xffff, v28;
	v28 =	vor.u32 v2, v49;
	v2 =	vld [tilespmem:$0x1FEC0]  }
0x23f: {  	v14 =	vor.u32 v8, v1;
	v30 =	vor.u32 v7, v55;
	v7 =	vld [tilespmem:$0x1FEE0]  }
0x240: {  	v26 =	vor.u32 v9, v12;
	v20 =	vld.idx.msk [tilespmem:v20+s2+$0x0], $0xffff  }
0x241: {  	v22 =	vor.u32 v33, v59;
	v25 =	vld.idx.msk [tilespmem:v25+s2+$0x0], $0xffff;
	[tilespmem:v31+s12+$0x0] =	vst.idx.msk $0xffff, v24  }
0x242: {  	v24 =	vor.u32 v61, v58;
	v18 =	vld.idx.msk [tilespmem:v18+s2+$0x0], $0xffff;
	[tilespmem:v27+s12+$0x0] =	vst.idx.msk $0xffff, v21  }
0x243: {  	v11 =	vld.idx.msk [tilespmem:v11+s2+$0x0], $0xffff;
	[tilespmem:v19+s12+$0x0] =	vst.idx.msk $0xffff, v16  }
0x244: {  	v31 =	vor.u32 v39, v4;
	v27 =	vor.u32 v42, v15;
	v14 =	vld.idx.msk [tilespmem:v14+s2+$0x0], $0xffff  }
0x245: {  	[tilespmem:v26+s12+$0x0] =	vst.idx.msk $0xffff, v17;
	v26 =	vor.u32 v8, v63;
	v8 =	vld [tilespmem:$0x1FCD0];
	v21 =	vor.u32 v2, v0  }
0x246: {  	v16 =	vor.u32 v34, v3;
	v22 =	vld.idx.msk [tilespmem:v22+s2+$0x0], $0xffff;
	[tilespmem:v28+s12+$0x0] =	vst.idx.msk $0xffff, v23  }
0x247: {  	v19 =	vor.u32 v56, v35;
	v24 =	vld.idx.msk [tilespmem:v24+s2+$0x0], $0xffff;
	[tilespmem:v29+s12+$0x0] =	vst.idx.msk $0xffff, v20  }
0x248: {  	v0 =	vld [tilespmem:$0x1FBD0];
	[tilespmem:v30+s12+$0x0] =	vst.idx.msk $0xffff, v25  }
0x249: {  	v27 =	vld.idx.msk [tilespmem:v27+s2+$0x0], $0xffff  }
0x24a: {  	v17 =	vor.u32 v57, v50;
	v21 =	vld.idx.msk [tilespmem:v21+s2+$0x0], $0xffff;
	[tilespmem:v31+s12+$0x0] =	vst.idx.msk $0xffff, v18  }
0x24b: {  	v23 =	vor.u32 v8, v1;
	v16 =	vld.idx.msk [tilespmem:v16+s2+$0x0], $0xffff  }
0x24c: {  	[tilespmem:v19+s12+$0x0] =	vst.idx.msk $0xffff, v11;
	v11 =	vld [tilespmem:$0x1FBC0]  }
0x24d: {  	v39 =	vld [tilespmem:$0x1FF60];
	v28 =	vor.u32 v33, v12  }
0x24e: {  	v9 =	vmov v42;
	v20 =	vor.u32 v5, v59;
	v29 =	vor.u32 v42, v55;
	v42 =	vld [tilespmem:$0x1FE50]  }
0x24f: {  	v25 =	vor.u32 v61, v49;
	v17 =	vld.idx.msk [tilespmem:v17+s2+$0x0], $0xffff;
	[tilespmem:v26+s12+$0x0] =	vst.idx.msk $0xffff, v14  }
0x250: {  	v18 =	vor.u32 v0, v58;
	v23 =	vld.idx.msk [tilespmem:v23+s2+$0x0], $0xffff  }
0x251: {  	v2 =	vor.u32 v2, v60;
	v11 =	vcombine.low v11, v7;
	v7 =	vld [tilespmem:$0x1FC80]  }
0x252: {  	[tilespmem:v28+s12+$0x0] =	vst.idx.msk $0xffff, v22;
	v28 =	vor.u32 v8, v63;
	v8 =	vld [tilespmem:$0x1FCE0]  }
0x253: {  	v19 =	vor.u32 v43, v15;
	v20 =	vld.idx.msk [tilespmem:v20+s2+$0x0], $0xffff  }
0x254: {  	v30 =	vor.u32 v34, v4;
	[tilespmem:v25+s12+$0x0] =	vst.idx.msk $0xffff, v24;
	v25 =	vor.u32 v5, v12;
	v5 =	vld [tilespmem:$0x1FE00]  }
0x255: {  	v26 =	vor.u32 v57, v35;
	v18 =	vld.idx.msk [tilespmem:v18+s2+$0x0], $0xffff  }
0x256: {  	[tilespmem:v2+s12+$0x0] =	vst.idx.msk $0xffff, v21;
	v21 =	vor.u32 v0, v49;
	v0 =	vld [tilespmem:$0x1FC40];
	v14 =	vor.u32 v7, v3  }
0x257: {  	v22 =	vor.u32 v62, v50;
	[tilespmem:v29+s12+$0x0] =	vst.idx.msk $0xffff, v27;
	v29 =	vld [tilespmem:$0x1FBF0]  }
0x258: {  	v19 =	vld.idx.msk [tilespmem:v19+s2+$0x0], $0xffff  }
0x259: {  	[tilespmem:v30+s12+$0x0] =	vst.idx.msk $0xffff, v16;
	v30 =	vld [tilespmem:$0x1FE40];
	v24 =	vor.u32 v8, v1  }
0x25a: {  	v60 =	vmov v59;
	v2 =	vor.u32 v5, v59;
	v59 =	vmov v1;
	v1 =	vld [tilespmem:$0x1FF80]  }
0x25b: {  	v61 =	vmov v58;
	v14 =	vld.idx.msk [tilespmem:v14+s2+$0x0], $0xffff;
	[tilespmem:v26+s12+$0x0] =	vst.idx.msk $0xffff, v17  }
0x25c: {  	v27 =	vor.u32 v43, v55;
	v16 =	vor.u32 v11, v61;
	v17 =	vor.u32 v0, v15;
	v22 =	vld.idx.msk [tilespmem:v22+s2+$0x0], $0xffff  }
0x25d: {  	v26 =	vor.u32 v7, v4;
	v7 =	vmov v3;
	[tilespmem:v28+s12+$0x0] =	vst.idx.msk $0xffff, v23;
	v23 =	vor.u32 v46, v3;
	v3 =	vld [tilespmem:$0x1FF50]  }
0x25e: {  	v28 =	vor.u32 v62, v35;
	v24 =	vld.idx.msk [tilespmem:v24+s2+$0x0], $0xffff  }
0x25f: {  	[tilespmem:v25+s12+$0x0] =	vst.idx.msk $0xffff, v20;
	v20 =	vor.u32 v1, v50;
	v25 =	vor.u32 v8, v63;
	v8 =	vld [tilespmem:$0x1FE10]  }
0x260: {  	v2 =	vld.idx.msk [tilespmem:v2+s2+$0x0], $0xffff;
	[tilespmem:v21+s12+$0x0] =	vst.idx.msk $0xffff, v18;
	v18 =	vor.u32 v30, v59  }
0x261: {  	v21 =	vor.u32 v5, v12;
	v16 =	vld.idx.msk [tilespmem:v16+s2+$0x0], $0xffff;
	[tilespmem:v27+s12+$0x0] =	vst.idx.msk $0xffff, v19  }
0x262: {  	v17 =	vld.idx.msk [tilespmem:v17+s2+$0x0], $0xffff;
	[tilespmem:v26+s12+$0x0] =	vst.idx.msk $0xffff, v14  }
0x263: {  	v23 =	vld.idx.msk [tilespmem:v23+s2+$0x0], $0xffff;
	[tilespmem:v28+s12+$0x0] =	vst.idx.msk $0xffff, v22  }
0x264: {  	v11 =	vor.u32 v11, v49;
	v19 =	vor.u32 v8, v60;
	v20 =	vld.idx.msk [tilespmem:v20+s2+$0x0], $0xffff;
	[tilespmem:v25+s12+$0x0] =	vst.idx.msk $0xffff, v24  }
0x265: {  	v5 =	vmov v15;
	v15 =	vor.u32 v0, v55;
	v14 =	vor.u32 v29, v61;
	v18 =	vld.idx.msk [tilespmem:v18+s2+$0x0], $0xffff  }
0x266: {  	v26 =	vor.u32 v46, v4;
	v22 =	vor.u32 v45, v5;
	[tilespmem:v21+s12+$0x0] =	vst.idx.msk $0xffff, v2;
	v2 =	vld [tilespmem:$0x1FE20]  }
0x267: {  	v58 =	vmov v50;
	v0 =	vld [tilespmem:$0x1FE80];
	v24 =	vor.u32 v51, v7;
	v25 =	vor.u32 v1, v35  }
0x268: {  	[tilespmem:$0x1FC00] =	vst v35;
	v27 =	vor.u32 v30, v63;
	v1 =	vld [tilespmem:$0x1FC90];
	v21 =	vor.u32 v39, v58  }
0x269: {  	v19 =	vld.idx.msk [tilespmem:v19+s2+$0x0], $0xffff;
	[tilespmem:v11+s12+$0x0] =	vst.idx.msk $0xffff, v16;
	v11 =	vor.u32 v42, v59  }
0x26a: {  	v10 =	vmov v49;
	v16 =	vor.u32 v8, v12;
	v14 =	vld.idx.msk [tilespmem:v14+s2+$0x0], $0xffff;
	[tilespmem:v15+s12+$0x0] =	vst.idx.msk $0xffff, v17  }
0x26b: {  	v15 =	vor.u32 v2, v60;
	v17 =	vor.u32 v29, v49;
	v28 =	vld.idx.msk [tilespmem:v22+s2+$0x0], $0xffff;
	[tilespmem:v26+s12+$0x0] =	vst.idx.msk $0xffff, v23  }
0x26c: {  	v26 =	vor.u32 v0, v61;
	v30 =	vld.idx.msk [tilespmem:v24+s2+$0x0], $0xffff;
	[tilespmem:v25+s12+$0x0] =	vst.idx.msk $0xffff, v20  }
0x26d: {  	v33 =	vld.idx.msk [tilespmem:v21+s2+$0x0], $0xffff;
	[tilespmem:v27+s12+$0x0] =	vst.idx.msk $0xffff, v18  }
0x26e: {  	v49 =	vmovc v10;
	v29 =	vor.u32 v45, v55;
	v10 =	vmovc v56;
	v56 =	vmov v45;
	v45 =	vmov v36;
	v36 =	vld.idx.msk [tilespmem:v11+s2+$0x0], $0xffff  }
0x26f: {  	v31 =	vor.u32 v3, v5;
	[tilespmem:v16+s12+$0x0] =	vst.idx.msk $0xffff, v19;
	v11 =	vld [tilespmem:$0x1FEF0]  }
0x270: {  	v32 =	vor.u32 v51, v4;
	v22 =	vld.idx.msk [tilespmem:v15+s2+$0x0], $0xffff;
	[tilespmem:v17+s12+$0x0] =	vst.idx.msk $0xffff, v14  }
0x271: {  	s20 =	sadd.s32 $0x10, s20;
	[tilespmem:$0x1FC20] =	vst v60;
	v47 =	vor.u32 v47, v58;
	v20 =	vld.idx.msk [tilespmem:v26+s2+$0x0], $0xffff  }
0x272: {  	v50 =	vmovc v7;
	v35 =	vor.u32 v39, v35;
	v39 =	vmovc v38;
	v8 =	vmov v54;
	v34 =	vor.u32 v1, v7;
	v21 =	vld [tilespmem:s20+$0x0]  }
0x273: {  	v54 =	vmovc v43;
	v43 =	vmovc v6;
	v6 =	vmov v62;
	v7 =	vmov v48;
	v48 =	vmov v52;
	[tilespmem:v29+s12+$0x0] =	vst.idx.msk $0xffff, v28;
	v28 =	vld [tilespmem:$0x1FD90]  }
0x274: {  	v62 =	vmovc v1;
	v1 =	vmovc v58;
	v42 =	vor.u32 v42, v63;
	v58 =	vmov v59;
	v52 =	vmov v48;
	v15 =	vld.idx.msk [tilespmem:v31+s2+$0x0], $0xffff  }
0x275: {  	p2 =	sne.s32 s22, $0x1F0;
	v23 =	vor.u32 v41, v59;
	v59 =	vmov v55;
	v24 =	vor.u32 v2, v12;
	[tilespmem:v32+s12+$0x0] =	vst.idx.msk $0xffff, v30;
	v32 =	vld [tilespmem:$0x1FF40]  }
.Ltmp4:
0x276: {  	v25 =	vor.u32 v40, v60;
	v60 =	vmovc v49;
	v48 =	vmovc v7;
	v7 =	vld [tilespmem:$0x1FCB0];
	v18 =	vor.u32 v3, v55;
	v3 =	vmov v4;
	(pc) =	sbr.rel @p2 .LBB2_3-.Ltmp4, $4  }
0x277: {  	v26 =	vor.u32 v0, v49;
	v49 =	vmov v12;
	v12 =	vmov v62;
	v16 =	vld.idx.msk [tilespmem:v34+s2+$0x0], $0xffff;
	[tilespmem:v35+s12+$0x0] =	vst.idx.msk $0xffff, v33  }
0x278: {  	v0 =	vmovc v61;
	v62 =	vmov v6;
	v17 =	vor.u32 v12, v4;
	v11 =	vcombine.low v13, v11;
	v14 =	vld.idx.msk [tilespmem:v47+s2+$0x0], $0xffff  }
0x279: {  	v33 =	vlaneseq.u32;
	[tilespmem:v42+s12+$0x0] =	vst.idx.msk $0xffff, v36;
	v42 =	vmovc v9;
	v47 =	vld [tilespmem:$0x1FCA0];
	v36 =	vmovc v45;
	v45 =	vmov v56;
	v56 =	vmov v10  }
0x27a: {  	s21 =	smov.u32 s22;
	s22 =	sadd.s32 $0x10, s22;
	v27 =	vor.u32 v28, v61;
	v61 =	vmovc v43;
	v43 =	vmovc v54;
	v54 =	vmov v8;
	v8 =	vld [tilespmem:$0x1FCC0];
	v19 =	vor.u32 v32, v5  }
0x27b: {  	v38 =	vshll.u32 v21, $0x6  }
0x27c: {  	v12 =	vor.u32 v33, v38;
	_ =	sdelay $0x1  }
0x27d: {  	v13 =	vmov s21  }
0x27e: {  	v13 =	vshll.u32 v13, $0x6  }
0x27f: {  	v41 =	vor.u32 v61, v13  }
0x280: {  	v13 =	vor.u32 v33, v41;
	v12 =	vld.idx.msk [tilespmem:v12+s2+$0x0], $0xffff  }
0x281: {  	[tilespmem:v26+s12+$0x0] =	vst.idx.msk $0xffff, v20;
	v20 =	vor.u32 v44, v38;
	_ =	sdelay $0x3  }
0x282: {  	[tilespmem:v13+s12+$0x0] =	vst.idx.msk $0xffff, v12  }
0x283: {  	v4 =	vor.u32 v44, v41;
	v12 =	vld.idx.msk [tilespmem:v20+s2+$0x0], $0xffff;
	_ =	sdelay $0x3  }
0x284: {  	[tilespmem:v24+s12+$0x0] =	vst.idx.msk $0xffff, v22  }
0x285: {  	v20 =	vor.u32 v36, v38;
	[tilespmem:v4+s12+$0x0] =	vst.idx.msk $0xffff, v12  }
0x286: {  	v2 =	vld [tilespmem:$0x1FC30];
	_ =	sdelay $0x3  }
0x287: {  	v6 =	vor.u32 v36, v41;
	v12 =	vld.idx.msk [tilespmem:v20+s2+$0x0], $0xffff  }
0x288: {  	v20 =	vor.u32 v2, v38;
	_ =	sdelay $0x3  }
0x289: {  	[tilespmem:v6+s12+$0x0] =	vst.idx.msk $0xffff, v12  }
0x28a: {  	v9 =	vor.u32 v2, v41;
	v12 =	vld.idx.msk [tilespmem:v20+s2+$0x0], $0xffff  }
0x28b: {  	v20 =	vor.u32 v42, v38;
	_ =	sdelay $0x3  }
0x28c: {  	[tilespmem:v9+s12+$0x0] =	vst.idx.msk $0xffff, v12  }
0x28d: {  	v24 =	vor.u32 v42, v41;
	v12 =	vld.idx.msk [tilespmem:v20+s2+$0x0], $0xffff;
	_ =	sdelay $0x4  }
0x28e: {  	v20 =	vor.u32 v43, v38;
	[tilespmem:v24+s12+$0x0] =	vst.idx.msk $0xffff, v12  }
0x28f: {  	v34 =	vld [tilespmem:$0x1FC40];
	_ =	sdelay $0x2  }
0x290: {  	v30 =	vld.idx.msk [tilespmem:v25+s2+$0x0], $0xffff  }
0x291: {  	v25 =	vor.u32 v43, v41;
	v12 =	vld.idx.msk [tilespmem:v20+s2+$0x0], $0xffff  }
0x292: {  	v20 =	vor.u32 v34, v38;
	_ =	sdelay $0x3  }
0x293: {  	[tilespmem:v25+s12+$0x0] =	vst.idx.msk $0xffff, v12  }
0x294: {  	v35 =	vor.u32 v34, v41;
	v12 =	vld.idx.msk [tilespmem:v20+s2+$0x0], $0xffff;
	_ =	sdelay $0x4  }
0x295: {  	v20 =	vor.u32 v45, v38;
	[tilespmem:v35+s12+$0x0] =	vst.idx.msk $0xffff, v12  }
0x296: {  	v55 =	vld [tilespmem:$0x1FF50];
	_ =	sdelay $0x3  }
0x297: {  	v40 =	vor.u32 v45, v41;
	v12 =	vld.idx.msk [tilespmem:v20+s2+$0x0], $0xffff  }
0x298: {  	v20 =	vor.u32 v55, v38;
	_ =	sdelay $0x3  }
0x299: {  	[tilespmem:v40+s12+$0x0] =	vst.idx.msk $0xffff, v12  }
0x29a: {  	v2 =	vor.u32 v55, v41;
	v12 =	vld.idx.msk [tilespmem:v20+s2+$0x0], $0xffff  }
0x29b: {  	v20 =	vor.u32 v32, v38;
	_ =	sdelay $0x2  }
0x29c: {  	[tilespmem:v18+s12+$0x0] =	vst.idx.msk $0xffff, v15  }
0x29d: {  	v4 =	vor.u32 v32, v59;
	v15 =	vld.idx.msk [tilespmem:v19+s2+$0x0], $0xffff;
	[tilespmem:v2+s12+$0x0] =	vst.idx.msk $0xffff, v12  }
0x29e: {  	v6 =	vor.u32 v37, v5;
	v9 =	vor.u32 v32, v41;
	v13 =	vld.idx.msk [tilespmem:v20+s2+$0x0], $0xffff  }
0x29f: {  	v20 =	vor.u32 v37, v38;
	_ =	sdelay $0x2  }
0x2a0: {  	[tilespmem:v4+s12+$0x0] =	vst.idx.msk $0xffff, v15  }
0x2a1: {  	v24 =	vor.u32 v37, v59;
	v12 =	vld.idx.msk [tilespmem:v6+s2+$0x0], $0xffff;
	[tilespmem:v9+s12+$0x0] =	vst.idx.msk $0xffff, v13  }
0x2a2: {  	v25 =	vor.u32 v39, v5;
	v35 =	vor.u32 v37, v41;
	v34 =	vld.idx.msk [tilespmem:v20+s2+$0x0], $0xffff;
	_ =	sdelay $0x1  }
0x2a3: {  	v20 =	vor.u32 v39, v38;
	_ =	sdelay $0x1  }
0x2a4: {  	[tilespmem:v24+s12+$0x0] =	vst.idx.msk $0xffff, v12  }
0x2a5: {  	v12 =	vld.idx.msk [tilespmem:v25+s2+$0x0], $0xffff;
	[tilespmem:v35+s12+$0x0] =	vst.idx.msk $0xffff, v34  }
0x2a6: {  	v40 =	vor.u32 v39, v59;
	v55 =	vld [tilespmem:$0x1FC50]  }
0x2a7: {  	v9 =	vor.u32 v39, v41;
	v18 =	vld.idx.msk [tilespmem:v20+s2+$0x0], $0xffff;
	_ =	sdelay $0x3  }
0x2a8: {  	[tilespmem:v40+s12+$0x0] =	vst.idx.msk $0xffff, v12  }
0x2a9: {  	v6 =	vor.u32 v55, v5;
	[tilespmem:v9+s12+$0x0] =	vst.idx.msk $0xffff, v18  }
0x2aa: {  	v20 =	vor.u32 v55, v38;
	v4 =	vld [tilespmem:$0x1FC60];
	_ =	sdelay $0x3  }
0x2ab: {  	v24 =	vor.u32 v55, v59;
	v12 =	vld.idx.msk [tilespmem:v6+s2+$0x0], $0xffff  }
0x2ac: {  	v34 =	vor.u32 v55, v41;
	v18 =	vld.idx.msk [tilespmem:v20+s2+$0x0], $0xffff;
	v25 =	vor.u32 v4, v5;
	_ =	sdelay $0x1  }
0x2ad: {  	v20 =	vor.u32 v4, v38;
	_ =	sdelay $0x1  }
0x2ae: {  	[tilespmem:v24+s12+$0x0] =	vst.idx.msk $0xffff, v12  }
0x2af: {  	[tilespmem:v34+s12+$0x0] =	vst.idx.msk $0xffff, v18;
	v12 =	vld.idx.msk [tilespmem:v25+s2+$0x0], $0xffff  }
0x2b0: {  	v35 =	vor.u32 v4, v59;
	v40 =	vld [tilespmem:$0x1FC70]  }
0x2b1: {  	v6 =	vor.u32 v4, v41;
	v18 =	vld.idx.msk [tilespmem:v20+s2+$0x0], $0xffff;
	_ =	sdelay $0x3  }
0x2b2: {  	[tilespmem:v35+s12+$0x0] =	vst.idx.msk $0xffff, v12  }
0x2b3: {  	v55 =	vor.u32 v40, v5;
	[tilespmem:v6+s12+$0x0] =	vst.idx.msk $0xffff, v18  }
0x2b4: {  	v20 =	vor.u32 v40, v38;
	v24 =	vld [tilespmem:$0x1FC80];
	_ =	sdelay $0x3  }
0x2b5: {  	v9 =	vor.u32 v40, v59;
	v12 =	vld.idx.msk [tilespmem:v55+s2+$0x0], $0xffff  }
0x2b6: {  	v34 =	vor.u32 v40, v41;
	v18 =	vld.idx.msk [tilespmem:v20+s2+$0x0], $0xffff;
	v25 =	vor.u32 v24, v5  }
0x2b7: {  	v20 =	vor.u32 v24, v38;
	_ =	sdelay $0x2  }
0x2b8: {  	[tilespmem:v9+s12+$0x0] =	vst.idx.msk $0xffff, v12  }
0x2b9: {  	v35 =	vor.u32 v24, v59;
	[tilespmem:v34+s12+$0x0] =	vst.idx.msk $0xffff, v18;
	v12 =	vld.idx.msk [tilespmem:v25+s2+$0x0], $0xffff  }
0x2ba: {  	v40 =	vor.u32 v46, v5;
	v55 =	vor.u32 v24, v41;
	v18 =	vld.idx.msk [tilespmem:v20+s2+$0x0], $0xffff  }
0x2bb: {  	v20 =	vor.u32 v46, v38;
	_ =	sdelay $0x1  }
0x2bc: {  	v10 =	vld.idx.msk [tilespmem:v23+s2+$0x0], $0xffff  }
0x2bd: {  	v26 =	vld.idx.msk [tilespmem:v27+s2+$0x0], $0xffff;
	[tilespmem:v35+s12+$0x0] =	vst.idx.msk $0xffff, v12  }
0x2be: {  	v2 =	vor.u32 v46, v59;
	[tilespmem:v55+s12+$0x0] =	vst.idx.msk $0xffff, v18;
	v12 =	vld.idx.msk [tilespmem:v40+s2+$0x0], $0xffff  }
0x2bf: {  	v6 =	vor.u32 v46, v41;
	v18 =	vld.idx.msk [tilespmem:v20+s2+$0x0], $0xffff;
	_ =	sdelay $0x3  }
0x2c0: {  	[tilespmem:v2+s12+$0x0] =	vst.idx.msk $0xffff, v12  }
0x2c1: {  	v4 =	vor.u32 v51, v5;
	[tilespmem:v6+s12+$0x0] =	vst.idx.msk $0xffff, v18  }
0x2c2: {  	v24 =	vld [tilespmem:$0x1FC90];
	_ =	sdelay $0x3  }
0x2c3: {  	v9 =	vor.u32 v51, v59;
	v20 =	vor.u32 v51, v38;
	v12 =	vld.idx.msk [tilespmem:v4+s2+$0x0], $0xffff  }
0x2c4: {  	v25 =	vor.u32 v24, v5;
	_ =	sdelay $0x3  }
0x2c5: {  	v34 =	vor.u32 v51, v41;
	v35 =	vor.u32 v52, v50;
	v18 =	vld.idx.msk [tilespmem:v20+s2+$0x0], $0xffff;
	[tilespmem:v9+s12+$0x0] =	vst.idx.msk $0xffff, v12  }
0x2c6: {  	v20 =	vor.u32 v24, v38;
	v40 =	vor.u32 v24, v59;
	v13 =	vld.idx.msk [tilespmem:v25+s2+$0x0], $0xffff  }
0x2c7: {  	v55 =	vor.u32 v52, v5;
	_ =	sdelay $0x1  }
0x2c8: {  	[tilespmem:v17+s12+$0x0] =	vst.idx.msk $0xffff, v16  }
0x2c9: {  	v2 =	vor.u32 v52, v3;
	[tilespmem:v34+s12+$0x0] =	vst.idx.msk $0xffff, v18;
	v12 =	vld.idx.msk [tilespmem:v35+s2+$0x0], $0xffff  }
0x2ca: {  	v6 =	vor.u32 v48, v50;
	v19 =	vld.idx.msk [tilespmem:v20+s2+$0x0], $0xffff;
	v20 =	vor.u32 v24, v41;
	[tilespmem:v40+s12+$0x0] =	vst.idx.msk $0xffff, v13  }
0x2cb: {  	v21 =	vor.u32 v52, v38;
	v9 =	vor.u32 v52, v59;
	v15 =	vld.idx.msk [tilespmem:v55+s2+$0x0], $0xffff  }
0x2cc: {  	v24 =	vor.u32 v48, v5;
	_ =	sdelay $0x1  }
0x2cd: {  	[tilespmem:v2+s12+$0x0] =	vst.idx.msk $0xffff, v12  }
0x2ce: {  	v25 =	vor.u32 v48, v3;
	v12 =	vld.idx.msk [tilespmem:v6+s2+$0x0], $0xffff;
	[tilespmem:v20+s12+$0x0] =	vst.idx.msk $0xffff, v19  }
0x2cf: {  	v34 =	vor.u32 v53, v50;
	v20 =	vor.u32 v52, v41;
	v19 =	vld.idx.msk [tilespmem:v21+s2+$0x0], $0xffff;
	[tilespmem:v9+s12+$0x0] =	vst.idx.msk $0xffff, v15  }
0x2d0: {  	v40 =	vor.u32 v48, v59;
	v21 =	vor.u32 v48, v38;
	v35 =	vld.idx.msk [tilespmem:v24+s2+$0x0], $0xffff  }
0x2d1: {  	v55 =	vor.u32 v53, v5;
	_ =	sdelay $0x1  }
0x2d2: {  	[tilespmem:v25+s12+$0x0] =	vst.idx.msk $0xffff, v12  }
0x2d3: {  	v2 =	vor.u32 v53, v3;
	v12 =	vld.idx.msk [tilespmem:v34+s2+$0x0], $0xffff;
	[tilespmem:v20+s12+$0x0] =	vst.idx.msk $0xffff, v19  }
0x2d4: {  	v6 =	vor.u32 v54, v50;
	v20 =	vor.u32 v48, v41;
	v19 =	vld.idx.msk [tilespmem:v21+s2+$0x0], $0xffff;
	[tilespmem:v40+s12+$0x0] =	vst.idx.msk $0xffff, v35  }
0x2d5: {  	v9 =	vor.u32 v53, v59;
	v21 =	vor.u32 v53, v38;
	v16 =	vld.idx.msk [tilespmem:v55+s2+$0x0], $0xffff  }
0x2d6: {  	v24 =	vor.u32 v54, v5;
	_ =	sdelay $0x1  }
0x2d7: {  	[tilespmem:v2+s12+$0x0] =	vst.idx.msk $0xffff, v12  }
0x2d8: {  	v25 =	vor.u32 v54, v3;
	v12 =	vld.idx.msk [tilespmem:v6+s2+$0x0], $0xffff;
	[tilespmem:v20+s12+$0x0] =	vst.idx.msk $0xffff, v19  }
0x2d9: {  	v34 =	vor.u32 v56, v50;
	v20 =	vor.u32 v53, v41;
	v19 =	vld.idx.msk [tilespmem:v21+s2+$0x0], $0xffff;
	[tilespmem:v9+s12+$0x0] =	vst.idx.msk $0xffff, v16  }
0x2da: {  	v35 =	vor.u32 v54, v59;
	v21 =	vor.u32 v54, v38;
	v16 =	vld.idx.msk [tilespmem:v24+s2+$0x0], $0xffff  }
0x2db: {  	v40 =	vor.u32 v56, v5;
	_ =	sdelay $0x1  }
0x2dc: {  	[tilespmem:v25+s12+$0x0] =	vst.idx.msk $0xffff, v12  }
0x2dd: {  	v55 =	vor.u32 v56, v3;
	v12 =	vld.idx.msk [tilespmem:v34+s2+$0x0], $0xffff;
	[tilespmem:v20+s12+$0x0] =	vst.idx.msk $0xffff, v19  }
0x2de: {  	v2 =	vor.u32 v57, v50;
	v20 =	vor.u32 v54, v41;
	v19 =	vld.idx.msk [tilespmem:v21+s2+$0x0], $0xffff;
	[tilespmem:v35+s12+$0x0] =	vst.idx.msk $0xffff, v16  }
0x2df: {  	v6 =	vor.u32 v56, v59;
	v21 =	vor.u32 v56, v38;
	v16 =	vld.idx.msk [tilespmem:v40+s2+$0x0], $0xffff  }
0x2e0: {  	v9 =	vor.u32 v57, v5;
	_ =	sdelay $0x1  }
0x2e1: {  	[tilespmem:v55+s12+$0x0] =	vst.idx.msk $0xffff, v12  }
0x2e2: {  	v24 =	vor.u32 v57, v3;
	v12 =	vld.idx.msk [tilespmem:v2+s2+$0x0], $0xffff;
	[tilespmem:v20+s12+$0x0] =	vst.idx.msk $0xffff, v19  }
0x2e3: {  	v25 =	vor.u32 v62, v50;
	v20 =	vor.u32 v56, v41;
	v19 =	vld.idx.msk [tilespmem:v21+s2+$0x0], $0xffff;
	[tilespmem:v6+s12+$0x0] =	vst.idx.msk $0xffff, v16  }
0x2e4: {  	v34 =	vor.u32 v57, v59;
	v21 =	vor.u32 v57, v38;
	v16 =	vld.idx.msk [tilespmem:v9+s2+$0x0], $0xffff;
	_ =	sdelay $0x1  }
0x2e5: {  	v35 =	vor.u32 v62, v5  }
0x2e6: {  	[tilespmem:v24+s12+$0x0] =	vst.idx.msk $0xffff, v12  }
0x2e7: {  	v12 =	vld.idx.msk [tilespmem:v25+s2+$0x0], $0xffff;
	[tilespmem:v20+s12+$0x0] =	vst.idx.msk $0xffff, v19  }
0x2e8: {  	v20 =	vor.u32 v57, v41;
	v19 =	vld.idx.msk [tilespmem:v21+s2+$0x0], $0xffff;
	[tilespmem:v34+s12+$0x0] =	vst.idx.msk $0xffff, v16  }
0x2e9: {  	v4 =	vmov v50;
	v40 =	vor.u32 v62, v3;
	v50 =	vld [tilespmem:$0x1FF80]  }
0x2ea: {  	v2 =	vor.u32 v62, v59;
	v21 =	vor.u32 v62, v38;
	v16 =	vld.idx.msk [tilespmem:v35+s2+$0x0], $0xffff;
	_ =	sdelay $0x2  }
0x2eb: {  	[tilespmem:v20+s12+$0x0] =	vst.idx.msk $0xffff, v19  }
0x2ec: {  	[tilespmem:v40+s12+$0x0] =	vst.idx.msk $0xffff, v12;
	v55 =	vor.u32 v50, v4  }
0x2ed: {  	v20 =	vor.u32 v62, v41;
	v19 =	vld.idx.msk [tilespmem:v21+s2+$0x0], $0xffff;
	v6 =	vor.u32 v50, v5;
	[tilespmem:v2+s12+$0x0] =	vst.idx.msk $0xffff, v16  }
0x2ee: {  	v21 =	vor.u32 v50, v38;
	v24 =	vld [tilespmem:$0x1FF60];
	_ =	sdelay $0x2  }
0x2ef: {  	v9 =	vor.u32 v50, v3;
	v12 =	vld.idx.msk [tilespmem:v55+s2+$0x0], $0xffff  }
0x2f0: {  	v34 =	vor.u32 v50, v59;
	[tilespmem:v20+s12+$0x0] =	vst.idx.msk $0xffff, v19;
	v16 =	vld.idx.msk [tilespmem:v6+s2+$0x0], $0xffff  }
0x2f1: {  	v20 =	vor.u32 v50, v41;
	v19 =	vld.idx.msk [tilespmem:v21+s2+$0x0], $0xffff;
	v25 =	vor.u32 v24, v4;
	_ =	sdelay $0x2  }
0x2f2: {  	[tilespmem:v9+s12+$0x0] =	vst.idx.msk $0xffff, v12  }
0x2f3: {  	v35 =	vor.u32 v24, v5;
	[tilespmem:v34+s12+$0x0] =	vst.idx.msk $0xffff, v16  }
0x2f4: {  	v21 =	vor.u32 v24, v38;
	[tilespmem:v20+s12+$0x0] =	vst.idx.msk $0xffff, v19;
	v12 =	vld.idx.msk [tilespmem:v25+s2+$0x0], $0xffff  }
0x2f5: {  	v40 =	vor.u32 v24, v3;
	v31 =	vld [tilespmem:$0x1FC00]  }
0x2f6: {  	v55 =	vor.u32 v47, v4;
	_ =	sdelay $0x1  }
0x2f7: {  	v6 =	vor.u32 v24, v59;
	v16 =	vld.idx.msk [tilespmem:v35+s2+$0x0], $0xffff  }
0x2f8: {  	v20 =	vor.u32 v24, v41;
	v19 =	vld.idx.msk [tilespmem:v21+s2+$0x0], $0xffff  }
0x2f9: {  	v22 =	vor.u32 v47, v31;
	[tilespmem:v40+s12+$0x0] =	vst.idx.msk $0xffff, v12  }
0x2fa: {  	v9 =	vor.u32 v47, v5;
	v25 =	vor.u32 v47, v3;
	v13 =	vld.idx.msk [tilespmem:v55+s2+$0x0], $0xffff;
	_ =	sdelay $0x1  }
0x2fb: {  	v21 =	vor.u32 v47, v38;
	[tilespmem:v6+s12+$0x0] =	vst.idx.msk $0xffff, v16  }
0x2fc: {  	v24 =	vor.u32 v7, v1;
	[tilespmem:v20+s12+$0x0] =	vst.idx.msk $0xffff, v19  }
0x2fd: {  	v34 =	vor.u32 v7, v4;
	[tilespmem:v22+s12+$0x0] =	vst.idx.msk $0xffff, v14  }
0x2fe: {  	v17 =	vld.idx.msk [tilespmem:v9+s2+$0x0], $0xffff;
	[tilespmem:v25+s12+$0x0] =	vst.idx.msk $0xffff, v13  }
0x2ff: {  	v29 =	vmov v1;
	v35 =	vor.u32 v47, v59;
	v1 =	vld [tilespmem:$0x1FF90]  }
0x300: {  	v20 =	vld.idx.msk [tilespmem:v21+s2+$0x0], $0xffff;
	v21 =	vor.u32 v47, v41  }
0x301: {  	v40 =	vor.u32 v7, v5;
	v55 =	vor.u32 v7, v31;
	v12 =	vld.idx.msk [tilespmem:v24+s2+$0x0], $0xffff  }
0x302: {  	v23 =	vor.u32 v7, v38;
	v6 =	vor.u32 v7, v3;
	v15 =	vld.idx.msk [tilespmem:v34+s2+$0x0], $0xffff;
	_ =	sdelay $0x1  }
0x303: {  	[tilespmem:v35+s12+$0x0] =	vst.idx.msk $0xffff, v17;
	v2 =	vor.u32 v1, v29  }
0x304: {  	[tilespmem:v21+s12+$0x0] =	vst.idx.msk $0xffff, v20;
	v9 =	vor.u32 v1, v4  }
0x305: {  	v18 =	vld.idx.msk [tilespmem:v40+s2+$0x0], $0xffff;
	[tilespmem:v55+s12+$0x0] =	vst.idx.msk $0xffff, v12  }
0x306: {  	v24 =	vor.u32 v7, v59;
	v21 =	vld.idx.msk [tilespmem:v23+s2+$0x0], $0xffff;
	[tilespmem:v6+s12+$0x0] =	vst.idx.msk $0xffff, v15  }
0x307: {  	v22 =	vor.u32 v7, v41;
	v47 =	vld [tilespmem:$0x1FF70]  }
0x308: {  	v25 =	vor.u32 v1, v31;
	v12 =	vld.idx.msk [tilespmem:v2+s2+$0x0], $0xffff  }
0x309: {  	v35 =	vor.u32 v1, v3;
	v15 =	vld.idx.msk [tilespmem:v9+s2+$0x0], $0xffff;
	_ =	sdelay $0x1  }
0x30a: {  	[tilespmem:v24+s12+$0x0] =	vst.idx.msk $0xffff, v18  }
0x30b: {  	v20 =	vor.u32 v1, v5;
	[tilespmem:v22+s12+$0x0] =	vst.idx.msk $0xffff, v21  }
0x30c: {  	v23 =	vor.u32 v1, v38;
	[tilespmem:v25+s12+$0x0] =	vst.idx.msk $0xffff, v12  }
0x30d: {  	v34 =	vor.u32 v47, v29;
	[tilespmem:v35+s12+$0x0] =	vst.idx.msk $0xffff, v15  }
0x30e: {  	v40 =	vor.u32 v47, v4;
	v35 =	vld [tilespmem:$0x1FFA0];
	_ =	sdelay $0x1  }
0x30f: {  	v55 =	vor.u32 v1, v59;
	v18 =	vld.idx.msk [tilespmem:v20+s2+$0x0], $0xffff  }
0x310: {  	v22 =	vor.u32 v1, v41;
	v21 =	vld.idx.msk [tilespmem:v23+s2+$0x0], $0xffff;
	v20 =	vor.u32 v47, v5  }
0x311: {  	v23 =	vor.u32 v47, v38;
	v2 =	vor.u32 v47, v31;
	v12 =	vld.idx.msk [tilespmem:v34+s2+$0x0], $0xffff  }
0x312: {  	v7 =	vor.u32 v47, v3;
	v15 =	vld.idx.msk [tilespmem:v40+s2+$0x0], $0xffff;
	v6 =	vor.u32 v35, v29  }
0x313: {  	v9 =	vor.u32 v35, v4  }
0x314: {  	[tilespmem:v55+s12+$0x0] =	vst.idx.msk $0xffff, v18  }
0x315: {  	v24 =	vor.u32 v47, v59;
	[tilespmem:v22+s12+$0x0] =	vst.idx.msk $0xffff, v21;
	v18 =	vld.idx.msk [tilespmem:v20+s2+$0x0], $0xffff  }
0x316: {  	v22 =	vor.u32 v47, v41;
	v21 =	vld.idx.msk [tilespmem:v23+s2+$0x0], $0xffff;
	v20 =	vor.u32 v35, v5;
	[tilespmem:v2+s12+$0x0] =	vst.idx.msk $0xffff, v12  }
0x317: {  	v23 =	vor.u32 v35, v38;
	v25 =	vor.u32 v35, v31;
	[tilespmem:v7+s12+$0x0] =	vst.idx.msk $0xffff, v15;
	v12 =	vld.idx.msk [tilespmem:v6+s2+$0x0], $0xffff  }
0x318: {  	v34 =	vor.u32 v8, v29;
	v40 =	vor.u32 v35, v3;
	v15 =	vld.idx.msk [tilespmem:v9+s2+$0x0], $0xffff;
	_ =	sdelay $0x1  }
0x319: {  	v55 =	vor.u32 v8, v4;
	[tilespmem:v24+s12+$0x0] =	vst.idx.msk $0xffff, v18  }
0x31a: {  	[tilespmem:v22+s12+$0x0] =	vst.idx.msk $0xffff, v21;
	v18 =	vld.idx.msk [tilespmem:v20+s2+$0x0], $0xffff  }
0x31b: {  	v6 =	vor.u32 v35, v59;
	v21 =	vld.idx.msk [tilespmem:v23+s2+$0x0], $0xffff;
	[tilespmem:v25+s12+$0x0] =	vst.idx.msk $0xffff, v12  }
0x31c: {  	v22 =	vor.u32 v35, v41;
	[tilespmem:v40+s12+$0x0] =	vst.idx.msk $0xffff, v15;
	v12 =	vld.idx.msk [tilespmem:v34+s2+$0x0], $0xffff  }
0x31d: {  	v7 =	vor.u32 v8, v31;
	v1 =	vld [tilespmem:$0x1FCD0]  }
0x31e: {  	v24 =	vor.u32 v8, v3;
	v15 =	vld.idx.msk [tilespmem:v55+s2+$0x0], $0xffff;
	_ =	sdelay $0x1  }
0x31f: {  	[tilespmem:v6+s12+$0x0] =	vst.idx.msk $0xffff, v18  }
0x320: {  	v20 =	vor.u32 v8, v5;
	[tilespmem:v22+s12+$0x0] =	vst.idx.msk $0xffff, v21  }
0x321: {  	v23 =	vor.u32 v8, v38;
	[tilespmem:v7+s12+$0x0] =	vst.idx.msk $0xffff, v12  }
0x322: {  	v9 =	vor.u32 v1, v29;
	[tilespmem:v24+s12+$0x0] =	vst.idx.msk $0xffff, v15  }
0x323: {  	v25 =	vor.u32 v1, v4;
	v2 =	vld [tilespmem:$0x1FCE0];
	_ =	sdelay $0x1  }
0x324: {  	v34 =	vor.u32 v8, v59;
	v18 =	vld.idx.msk [tilespmem:v20+s2+$0x0], $0xffff  }
0x325: {  	v22 =	vor.u32 v8, v41;
	v21 =	vld.idx.msk [tilespmem:v23+s2+$0x0], $0xffff;
	v20 =	vor.u32 v1, v5  }
0x326: {  	v23 =	vor.u32 v1, v38;
	v40 =	vor.u32 v1, v31;
	v12 =	vld.idx.msk [tilespmem:v9+s2+$0x0], $0xffff  }
0x327: {  	v6 =	vor.u32 v1, v3;
	v15 =	vld.idx.msk [tilespmem:v25+s2+$0x0], $0xffff;
	v55 =	vor.u32 v2, v29;
	_ =	sdelay $0x1  }
0x328: {  	[tilespmem:v34+s12+$0x0] =	vst.idx.msk $0xffff, v18;
	v7 =	vor.u32 v2, v4  }
0x329: {  	[tilespmem:v22+s12+$0x0] =	vst.idx.msk $0xffff, v21;
	v18 =	vld.idx.msk [tilespmem:v20+s2+$0x0], $0xffff  }
0x32a: {  	v8 =	vor.u32 v1, v59;
	v21 =	vld.idx.msk [tilespmem:v23+s2+$0x0], $0xffff;
	[tilespmem:v40+s12+$0x0] =	vst.idx.msk $0xffff, v12  }
0x32b: {  	v22 =	vor.u32 v1, v41;
	v20 =	vor.u32 v2, v5;
	[tilespmem:v6+s12+$0x0] =	vst.idx.msk $0xffff, v15;
	v12 =	vld.idx.msk [tilespmem:v55+s2+$0x0], $0xffff  }
0x32c: {  	v23 =	vor.u32 v2, v38;
	v9 =	vor.u32 v2, v31;
	v24 =	vld [tilespmem:$0x1FE40]  }
0x32d: {  	v34 =	vor.u32 v2, v3;
	v15 =	vld.idx.msk [tilespmem:v7+s2+$0x0], $0xffff;
	_ =	sdelay $0x1  }
0x32e: {  	[tilespmem:v8+s12+$0x0] =	vst.idx.msk $0xffff, v18  }
0x32f: {  	v55 =	vor.u32 v2, v59;
	[tilespmem:v22+s12+$0x0] =	vst.idx.msk $0xffff, v21;
	v18 =	vld.idx.msk [tilespmem:v20+s2+$0x0], $0xffff  }
0x330: {  	v22 =	vor.u32 v2, v41;
	v21 =	vld.idx.msk [tilespmem:v23+s2+$0x0], $0xffff;
	v25 =	vor.u32 v24, v29;
	[tilespmem:v9+s12+$0x0] =	vst.idx.msk $0xffff, v12  }
0x331: {  	[tilespmem:v34+s12+$0x0] =	vst.idx.msk $0xffff, v15  }
0x332: {  	v7 =	vld [tilespmem:$0x1FE50]  }
0x333: {  	v40 =	vor.u32 v24, v4  }
0x334: {  	v20 =	vor.u32 v24, v5;
	[tilespmem:v55+s12+$0x0] =	vst.idx.msk $0xffff, v18  }
0x335: {  	v23 =	vor.u32 v24, v38;
	v2 =	vor.u32 v24, v31;
	[tilespmem:v22+s12+$0x0] =	vst.idx.msk $0xffff, v21;
	v12 =	vld.idx.msk [tilespmem:v25+s2+$0x0], $0xffff  }
0x336: {  	v6 =	vld [tilespmem:$0x1FE60]  }
0x337: {  	v14 =	vor.u32 v7, v29  }
0x338: {  	v34 =	vor.u32 v24, v3;
	v15 =	vld.idx.msk [tilespmem:v40+s2+$0x0], $0xffff  }
0x339: {  	v55 =	vor.u32 v24, v59;
	v18 =	vld.idx.msk [tilespmem:v20+s2+$0x0], $0xffff  }
0x33a: {  	v22 =	vor.u32 v24, v41;
	v21 =	vld.idx.msk [tilespmem:v23+s2+$0x0], $0xffff;
	[tilespmem:v2+s12+$0x0] =	vst.idx.msk $0xffff, v12  }
0x33b: {  	v20 =	vor.u32 v7, v5;
	v9 =	vor.u32 v6, v63;
	v2 =	vld [tilespmem:$0x1FF00]  }
0x33c: {  	v23 =	vor.u32 v7, v38;
	v13 =	vld.idx.msk [tilespmem:v14+s2+$0x0], $0xffff;
	v14 =	vor.u32 v7, v31  }
0x33d: {  	[tilespmem:v34+s12+$0x0] =	vst.idx.msk $0xffff, v15  }
0x33e: {  	v40 =	vor.u32 v7, v4;
	[tilespmem:v55+s12+$0x0] =	vst.idx.msk $0xffff, v18  }
0x33f: {  	[tilespmem:v22+s12+$0x0] =	vst.idx.msk $0xffff, v21  }
0x340: {  	v19 =	vld.idx.msk [tilespmem:v20+s2+$0x0], $0xffff;
	[tilespmem:v9+s12+$0x0] =	vst.idx.msk $0xffff, v10  }
0x341: {  	v15 =	vor.u32 v6, v29;
	v22 =	vld.idx.msk [tilespmem:v23+s2+$0x0], $0xffff;
	v25 =	vor.u32 v2, v58;
	[tilespmem:v14+s12+$0x0] =	vst.idx.msk $0xffff, v13  }
0x342: {  	v34 =	vor.u32 v7, v3;
	v20 =	vor.u32 v7, v59;
	v23 =	vor.u32 v7, v41;
	v7 =	vld [tilespmem:$0x1FF10]  }
0x343: {  	v16 =	vld.idx.msk [tilespmem:v40+s2+$0x0], $0xffff  }
0x344: {  	v40 =	vor.u32 v6, v4  }
0x345: {  	v21 =	vor.u32 v6, v5  }
0x346: {  	v10 =	vor.u32 v6, v38;
	v55 =	vor.u32 v2, v63;
	v12 =	vld.idx.msk [tilespmem:v25+s2+$0x0], $0xffff  }
0x347: {  	v14 =	vld.idx.msk [tilespmem:v15+s2+$0x0], $0xffff;
	v15 =	vor.u32 v6, v31;
	v25 =	vor.u32 v7, v58  }
0x348: {  	[tilespmem:v34+s12+$0x0] =	vst.idx.msk $0xffff, v16  }
0x349: {  	v18 =	vor.u32 v6, v3;
	v34 =	vor.u32 v2, v29;
	[tilespmem:v20+s12+$0x0] =	vst.idx.msk $0xffff, v19;
	v17 =	vld.idx.msk [tilespmem:v40+s2+$0x0], $0xffff  }
0x34a: {  	[tilespmem:v23+s12+$0x0] =	vst.idx.msk $0xffff, v22;
	v40 =	vor.u32 v2, v4;
	v20 =	vld.idx.msk [tilespmem:v21+s2+$0x0], $0xffff  }
0x34b: {  	v21 =	vor.u32 v6, v59;
	v10 =	vld.idx.msk [tilespmem:v10+s2+$0x0], $0xffff;
	[tilespmem:v55+s12+$0x0] =	vst.idx.msk $0xffff, v12  }
0x34c: {  	v23 =	vor.u32 v6, v41;
	[tilespmem:v15+s12+$0x0] =	vst.idx.msk $0xffff, v14;
	v13 =	vld.idx.msk [tilespmem:v25+s2+$0x0], $0xffff  }
0x34d: {  	v22 =	vor.u32 v2, v5;
	v55 =	vor.u32 v7, v63;
	v25 =	vld [tilespmem:$0x1FF20]  }
0x34e: {  	v15 =	vld.idx.msk [tilespmem:v34+s2+$0x0], $0xffff;
	v34 =	vor.u32 v2, v31;
	[tilespmem:v18+s12+$0x0] =	vst.idx.msk $0xffff, v17  }
0x34f: {  	v12 =	vor.u32 v2, v38;
	v18 =	vld.idx.msk [tilespmem:v40+s2+$0x0], $0xffff;
	v40 =	vor.u32 v2, v3  }
0x350: {  	[tilespmem:v21+s12+$0x0] =	vst.idx.msk $0xffff, v20  }
0x351: {  	v17 =	vor.u32 v7, v29;
	[tilespmem:v23+s12+$0x0] =	vst.idx.msk $0xffff, v10  }
0x352: {  	v21 =	vld.idx.msk [tilespmem:v22+s2+$0x0], $0xffff;
	v6 =	vor.u32 v25, v58;
	[tilespmem:v55+s12+$0x0] =	vst.idx.msk $0xffff, v13  }
0x353: {  	v9 =	vld [tilespmem:$0x1FE30];
	[tilespmem:v34+s12+$0x0] =	vst.idx.msk $0xffff, v15  }
0x354: {  	v22 =	vor.u32 v2, v59;
	v12 =	vld.idx.msk [tilespmem:v12+s2+$0x0], $0xffff;
	[tilespmem:v40+s12+$0x0] =	vst.idx.msk $0xffff, v18  }
0x355: {  	v23 =	vor.u32 v2, v41;
	v8 =	vld [tilespmem:$0x1FF30]  }
0x356: {  	v40 =	vor.u32 v7, v31;
	v17 =	vld.idx.msk [tilespmem:v17+s2+$0x0], $0xffff  }
0x357: {  	v20 =	vor.u32 v7, v4;
	v2 =	vor.u32 v25, v63;
	v14 =	vld.idx.msk [tilespmem:v6+s2+$0x0], $0xffff  }
0x358: {  	v10 =	vor.u32 v7, v5;
	v13 =	vor.u32 v9, v49  }
0x359: {  	[tilespmem:v22+s12+$0x0] =	vst.idx.msk $0xffff, v21  }
0x35a: {  	[tilespmem:v23+s12+$0x0] =	vst.idx.msk $0xffff, v12  }
0x35b: {  	v55 =	vor.u32 v7, v38;
	[tilespmem:v40+s12+$0x0] =	vst.idx.msk $0xffff, v17  }
0x35c: {  	v20 =	vld.idx.msk [tilespmem:v20+s2+$0x0], $0xffff;
	v21 =	vor.u32 v7, v3;
	v34 =	vor.u32 v8, v58;
	[tilespmem:v2+s12+$0x0] =	vst.idx.msk $0xffff, v14  }
0x35d: {  	v10 =	vld.idx.msk [tilespmem:v10+s2+$0x0], $0xffff;
	[tilespmem:v13+s12+$0x0] =	vst.idx.msk $0xffff, v30  }
0x35e: {  	v1 =	vmov v58;
	v19 =	vor.u32 v25, v29;
	v58 =	vld [tilespmem:$0x1FC20]  }
0x35f: {  	v22 =	vor.u32 v7, v59;
	v12 =	vor.u32 v25, v4;
	v40 =	vld [tilespmem:$0x1FD10]  }
0x360: {  	v24 =	vor.u32 v7, v41;
	v23 =	vld.idx.msk [tilespmem:v55+s2+$0x0], $0xffff  }
0x361: {  	v14 =	vor.u32 v28, v60;
	v16 =	vld.idx.msk [tilespmem:v34+s2+$0x0], $0xffff;
	[tilespmem:v21+s12+$0x0] =	vst.idx.msk $0xffff, v20  }
0x362: {  	v55 =	vor.u32 v25, v38;
	v34 =	vor.u32 v8, v63;
	v7 =	vld [tilespmem:$0x1FDE0]  }
0x363: {  	v19 =	vld.idx.msk [tilespmem:v19+s2+$0x0], $0xffff;
	v13 =	vor.u32 v25, v5;
	v21 =	vor.u32 v25, v31  }
0x364: {  	[tilespmem:v22+s12+$0x0] =	vst.idx.msk $0xffff, v10;
	v12 =	vld.idx.msk [tilespmem:v12+s2+$0x0], $0xffff;
	v22 =	vor.u32 v25, v3;
	v2 =	vor.u32 v40, v58  }
0x365: {  	[tilespmem:v24+s12+$0x0] =	vst.idx.msk $0xffff, v23  }
0x366: {  	[tilespmem:v14+s12+$0x0] =	vst.idx.msk $0xffff, v26  }
0x367: {  	v15 =	vld.idx.msk [tilespmem:v55+s2+$0x0], $0xffff;
	[tilespmem:v34+s12+$0x0] =	vst.idx.msk $0xffff, v16;
	v20 =	vor.u32 v7, v1  }
0x368: {  	v10 =	vor.u32 v8, v29;
	v13 =	vld.idx.msk [tilespmem:v13+s2+$0x0], $0xffff;
	[tilespmem:v21+s12+$0x0] =	vst.idx.msk $0xffff, v19  }
0x369: {  	v23 =	vor.u32 v8, v4;
	v24 =	vor.u32 v25, v59;
	[tilespmem:v22+s12+$0x0] =	vst.idx.msk $0xffff, v12;
	v17 =	vld.idx.msk [tilespmem:v2+s2+$0x0], $0xffff  }
0x36a: {  	v25 =	vor.u32 v25, v41;
	v55 =	vor.u32 v11, v0;
	v2 =	vld [tilespmem:$0x1FDF0]  }
0x36b: {  	v14 =	vor.u32 v8, v5;
	v16 =	vor.u32 v40, v49  }
0x36c: {  	v27 =	vmov v49;
	v49 =	vor.u32 v8, v38;
	v21 =	vor.u32 v7, v63;
	v20 =	vld.idx.msk [tilespmem:v20+s2+$0x0], $0xffff  }
0x36d: {  	v10 =	vld.idx.msk [tilespmem:v10+s2+$0x0], $0xffff;
	v22 =	vor.u32 v8, v31  }
0x36e: {  	v23 =	vld.idx.msk [tilespmem:v23+s2+$0x0], $0xffff;
	[tilespmem:v24+s12+$0x0] =	vst.idx.msk $0xffff, v13  }
0x36f: {  	v19 =	vld.idx.msk [tilespmem:v55+s2+$0x0], $0xffff;
	[tilespmem:v25+s12+$0x0] =	vst.idx.msk $0xffff, v15;
	v34 =	vor.u32 v2, v1  }
0x370: {  	v13 =	vor.u32 v7, v29;
	v24 =	vor.u32 v8, v3;
	v14 =	vld.idx.msk [tilespmem:v14+s2+$0x0], $0xffff;
	[tilespmem:v16+s12+$0x0] =	vst.idx.msk $0xffff, v17  }
0x371: {  	v25 =	vor.u32 v8, v59;
	v17 =	vld.idx.msk [tilespmem:v49+s2+$0x0], $0xffff;
	[tilespmem:v21+s12+$0x0] =	vst.idx.msk $0xffff, v20  }
0x372: {  	v55 =	vor.u32 v11, v60;
	v15 =	vor.u32 v7, v4;
	v49 =	vld [tilespmem:$0x1FD40];
	[tilespmem:v22+s12+$0x0] =	vst.idx.msk $0xffff, v10  }
0x373: {  	v18 =	vor.u32 v8, v41;
	v16 =	vor.u32 v7, v5;
	v8 =	vld [tilespmem:$0x1FE00]  }
0x374: {  	v20 =	vor.u32 v7, v38;
	v12 =	vld.idx.msk [tilespmem:v34+s2+$0x0], $0xffff;
	v34 =	vor.u32 v2, v63  }
0x375: {  	v13 =	vld.idx.msk [tilespmem:v13+s2+$0x0], $0xffff;
	[tilespmem:v24+s12+$0x0] =	vst.idx.msk $0xffff, v23;
	v23 =	vor.u32 v7, v31  }
0x376: {  	[tilespmem:v25+s12+$0x0] =	vst.idx.msk $0xffff, v14  }
0x377: {  	[tilespmem:v55+s12+$0x0] =	vst.idx.msk $0xffff, v19;
	v15 =	vld.idx.msk [tilespmem:v15+s2+$0x0], $0xffff;
	v21 =	vor.u32 v49, v58  }
0x378: {  	v16 =	vld.idx.msk [tilespmem:v16+s2+$0x0], $0xffff;
	[tilespmem:v18+s12+$0x0] =	vst.idx.msk $0xffff, v17;
	v22 =	vor.u32 v8, v1  }
0x379: {  	v14 =	vor.u32 v7, v3;
	v18 =	vld.idx.msk [tilespmem:v20+s2+$0x0], $0xffff;
	[tilespmem:v34+s12+$0x0] =	vst.idx.msk $0xffff, v12  }
0x37a: {  	v24 =	vor.u32 v2, v29;
	v17 =	vor.u32 v7, v59;
	v34 =	vld [tilespmem:$0x1FE90];
	[tilespmem:v23+s12+$0x0] =	vst.idx.msk $0xffff, v13  }
0x37b: {  	v25 =	vor.u32 v2, v4;
	v55 =	vor.u32 v7, v41;
	v7 =	vld [tilespmem:$0x1FE10]  }
0x37c: {  	v11 =	vor.u32 v2, v5;
	v20 =	vld.idx.msk [tilespmem:v21+s2+$0x0], $0xffff;
	v21 =	vor.u32 v49, v27  }
0x37d: {  	v10 =	vor.u32 v2, v38;
	v13 =	vor.u32 v8, v63;
	v22 =	vld.idx.msk [tilespmem:v22+s2+$0x0], $0xffff  }
0x37e: {  	[tilespmem:v14+s12+$0x0] =	vst.idx.msk $0xffff, v15  }
0x37f: {  	v24 =	vld.idx.msk [tilespmem:v24+s2+$0x0], $0xffff;
	[tilespmem:v17+s12+$0x0] =	vst.idx.msk $0xffff, v16;
	v12 =	vor.u32 v34, v0  }
0x380: {  	v14 =	vor.u32 v2, v31;
	[tilespmem:v55+s12+$0x0] =	vst.idx.msk $0xffff, v18;
	v25 =	vld.idx.msk [tilespmem:v25+s2+$0x0], $0xffff;
	v23 =	vor.u32 v7, v1  }
0x381: {  	v16 =	vor.u32 v2, v3;
	v11 =	vld.idx.msk [tilespmem:v11+s2+$0x0], $0xffff;
	[tilespmem:v21+s12+$0x0] =	vst.idx.msk $0xffff, v20  }
0x382: {  	v18 =	vor.u32 v2, v59;
	v10 =	vld.idx.msk [tilespmem:v10+s2+$0x0], $0xffff;
	[tilespmem:v13+s12+$0x0] =	vst.idx.msk $0xffff, v22  }
0x383: {  	v20 =	vor.u32 v2, v41;
	v26 =	vld [tilespmem:$0x1FBA0]  }
0x384: {  	v6 =	vmov v60;
	v21 =	vor.u32 v34, v60;
	v12 =	vld.idx.msk [tilespmem:v12+s2+$0x0], $0xffff  }
0x385: {  	v15 =	vor.u32 v8, v29;
	v60 =	vor.u32 v7, v63;
	[tilespmem:v14+s12+$0x0] =	vst.idx.msk $0xffff, v24;
	v23 =	vld.idx.msk [tilespmem:v23+s2+$0x0], $0xffff  }
0x386: {  	v2 =	vld [tilespmem:$0x1FE20];
	[tilespmem:v16+s12+$0x0] =	vst.idx.msk $0xffff, v25  }
0x387: {  	v17 =	vor.u32 v8, v4;
	[tilespmem:v18+s12+$0x0] =	vst.idx.msk $0xffff, v11  }
0x388: {  	v55 =	vor.u32 v8, v5;
	[tilespmem:v20+s12+$0x0] =	vst.idx.msk $0xffff, v10  }
0x389: {  	v13 =	vor.u32 v8, v38;
	[tilespmem:v21+s12+$0x0] =	vst.idx.msk $0xffff, v12  }
0x38a: {  	v15 =	vld.idx.msk [tilespmem:v15+s2+$0x0], $0xffff;
	v22 =	vor.u32 v26, v58;
	[tilespmem:v60+s12+$0x0] =	vst.idx.msk $0xffff, v23  }
0x38b: {  	v16 =	vor.u32 v8, v31;
	v24 =	vor.u32 v2, v1;
	v60 =	vld [tilespmem:$0x1FEA0]  }
0x38c: {  	v25 =	vor.u32 v7, v29;
	v11 =	vor.u32 v8, v3;
	v17 =	vld.idx.msk [tilespmem:v17+s2+$0x0], $0xffff  }
0x38d: {  	v18 =	vor.u32 v7, v4;
	v19 =	vld.idx.msk [tilespmem:v55+s2+$0x0], $0xffff;
	v10 =	vor.u32 v8, v59  }
0x38e: {  	v55 =	vor.u32 v7, v5;
	v20 =	vor.u32 v8, v41;
	v13 =	vld.idx.msk [tilespmem:v13+s2+$0x0], $0xffff  }
0x38f: {  	v14 =	vor.u32 v7, v38;
	v21 =	vld.idx.msk [tilespmem:v22+s2+$0x0], $0xffff;
	v22 =	vor.u32 v26, v27  }
0x390: {  	[tilespmem:v16+s12+$0x0] =	vst.idx.msk $0xffff, v15;
	v26 =	vor.u32 v2, v63;
	v24 =	vld.idx.msk [tilespmem:v24+s2+$0x0], $0xffff;
	v23 =	vor.u32 v60, v0  }
0x391: {  	v15 =	vor.u32 v9, v1;
	[tilespmem:v11+s12+$0x0] =	vst.idx.msk $0xffff, v17;
	v16 =	vld.idx.msk [tilespmem:v25+s2+$0x0], $0xffff;
	v25 =	vor.u32 v7, v31  }
0x392: {  	v11 =	vor.u32 v2, v29;
	[tilespmem:v10+s12+$0x0] =	vst.idx.msk $0xffff, v19;
	v17 =	vld.idx.msk [tilespmem:v18+s2+$0x0], $0xffff;
	v18 =	vor.u32 v7, v3  }
0x393: {  	v10 =	vor.u32 v2, v4;
	v19 =	vor.u32 v7, v59;
	[tilespmem:v20+s12+$0x0] =	vst.idx.msk $0xffff, v13;
	v12 =	vld.idx.msk [tilespmem:v55+s2+$0x0], $0xffff  }
0x394: {  	v20 =	vor.u32 v7, v41;
	v55 =	vor.u32 v2, v5;
	v14 =	vld.idx.msk [tilespmem:v14+s2+$0x0], $0xffff;
	[tilespmem:v22+s12+$0x0] =	vst.idx.msk $0xffff, v21  }
0x395: {  	v22 =	vor.u32 v60, v6;
	[tilespmem:v26+s12+$0x0] =	vst.idx.msk $0xffff, v24;
	v21 =	vld.idx.msk [tilespmem:v23+s2+$0x0], $0xffff;
	v23 =	vor.u32 v2, v38  }
0x396: {  	[tilespmem:v25+s12+$0x0] =	vst.idx.msk $0xffff, v16;
	v24 =	vor.u32 v9, v63;
	v15 =	vld.idx.msk [tilespmem:v15+s2+$0x0], $0xffff  }
0x397: {  	v25 =	vor.u32 v2, v31;
	[tilespmem:v18+s12+$0x0] =	vst.idx.msk $0xffff, v17;
	v11 =	vld.idx.msk [tilespmem:v11+s2+$0x0], $0xffff  }
0x398: {  	v16 =	vor.u32 v40, v1;
	v18 =	vor.u32 v2, v3;
	[tilespmem:v19+s12+$0x0] =	vst.idx.msk $0xffff, v12;
	v10 =	vld.idx.msk [tilespmem:v10+s2+$0x0], $0xffff  }
0x399: {  	v17 =	vor.u32 v9, v29;
	[tilespmem:v20+s12+$0x0] =	vst.idx.msk $0xffff, v14;
	v13 =	vld.idx.msk [tilespmem:v55+s2+$0x0], $0xffff;
	v55 =	vor.u32 v2, v59  }
0x39a: {  	v12 =	vor.u32 v9, v4;
	[tilespmem:v22+s12+$0x0] =	vst.idx.msk $0xffff, v21;
	v20 =	vld.idx.msk [tilespmem:v23+s2+$0x0], $0xffff;
	v21 =	vor.u32 v2, v41  }
0x39b: {  	v30 =	vld [tilespmem:$0x1FE70];
	[tilespmem:v24+s12+$0x0] =	vst.idx.msk $0xffff, v15  }
0x39c: {  	[tilespmem:v25+s12+$0x0] =	vst.idx.msk $0xffff, v11  }
0x39d: {  	v7 =	vor.u32 v9, v5;
	v24 =	vor.u32 v40, v63;
	[tilespmem:v18+s12+$0x0] =	vst.idx.msk $0xffff, v10;
	v16 =	vld.idx.msk [tilespmem:v16+s2+$0x0], $0xffff  }
0x39e: {  	[tilespmem:v55+s12+$0x0] =	vst.idx.msk $0xffff, v13;
	v17 =	vld.idx.msk [tilespmem:v17+s2+$0x0], $0xffff  }
0x39f: {  	v15 =	vor.u32 v9, v38;
	v25 =	vor.u32 v9, v31;
	v12 =	vld.idx.msk [tilespmem:v12+s2+$0x0], $0xffff;
	[tilespmem:v21+s12+$0x0] =	vst.idx.msk $0xffff, v20  }
0x3a0: {  	v18 =	vor.u32 v40, v29;
	v55 =	vld [tilespmem:$0x1FDC0]  }
0x3a1: {  	v8 =	vld [tilespmem:$0x1FDB0]  }
0x3a2: {  	v26 =	vor.u32 v9, v3;
	v14 =	vld.idx.msk [tilespmem:v7+s2+$0x0], $0xffff;
	v22 =	vor.u32 v30, v58;
	[tilespmem:v24+s12+$0x0] =	vst.idx.msk $0xffff, v16  }
0x3a3: {  	v19 =	vor.u32 v9, v59;
	v11 =	vor.u32 v49, v1;
	v7 =	vld [tilespmem:$0x1FED0]  }
0x3a4: {  	v13 =	vor.u32 v40, v4;
	v15 =	vld.idx.msk [tilespmem:v15+s2+$0x0], $0xffff;
	[tilespmem:v25+s12+$0x0] =	vst.idx.msk $0xffff, v17  }
0x3a5: {  	v2 =	vor.u32 v40, v31;
	v21 =	vor.u32 v9, v41;
	v18 =	vld.idx.msk [tilespmem:v18+s2+$0x0], $0xffff  }
0x3a6: {  	v20 =	vor.u32 v40, v5;
	v9 =	vor.u32 v49, v63;
	v10 =	vsel vm0, v55, v8;
	v55 =	vld [tilespmem:$0x1FEB0]  }
0x3a7: {  	v23 =	vor.u32 v30, v27;
	v24 =	vor.u32 v40, v38;
	v22 =	vld.idx.msk [tilespmem:v22+s2+$0x0], $0xffff;
	[tilespmem:v26+s12+$0x0] =	vst.idx.msk $0xffff, v12  }
0x3a8: {  	v11 =	vld.idx.msk [tilespmem:v11+s2+$0x0], $0xffff;
	[tilespmem:v19+s12+$0x0] =	vst.idx.msk $0xffff, v14;
	v14 =	vor.u32 v49, v29;
	v16 =	vcombine.low v7, v10  }
0x3a9: {  	v13 =	vld.idx.msk [tilespmem:v13+s2+$0x0], $0xffff;
	v7 =	vor.u32 v40, v3  }
0x3aa: {  	[tilespmem:v21+s12+$0x0] =	vst.idx.msk $0xffff, v15;
	v12 =	vor.u32 v16, v1  }
0x3ab: {  	v20 =	vld.idx.msk [tilespmem:v20+s2+$0x0], $0xffff;
	[tilespmem:v2+s12+$0x0] =	vst.idx.msk $0xffff, v18;
	v17 =	vor.u32 v55, v0  }
0x3ac: {  	v21 =	vor.u32 v40, v59;
	[tilespmem:v23+s12+$0x0] =	vst.idx.msk $0xffff, v22;
	v23 =	vld.idx.msk [tilespmem:v24+s2+$0x0], $0xffff  }
0x3ad: {  	[tilespmem:v9+s12+$0x0] =	vst.idx.msk $0xffff, v11;
	v24 =	vor.u32 v40, v41;
	v14 =	vld.idx.msk [tilespmem:v14+s2+$0x0], $0xffff  }
0x3ae: {  	v15 =	vor.u32 v49, v4;
	v9 =	vld [tilespmem:$0x1FBB0];
	[tilespmem:v7+s12+$0x0] =	vst.idx.msk $0xffff, v13;
	v7 =	vor.u32 v49, v31  }
0x3af: {  	v22 =	vor.u32 v49, v5;
	v40 =	vor.u32 v16, v63;
	v12 =	vld.idx.msk [tilespmem:v12+s2+$0x0], $0xffff  }
0x3b0: {  	v25 =	vor.u32 v49, v38;
	v11 =	vor.u32 v55, v6;
	v17 =	vld.idx.msk [tilespmem:v17+s2+$0x0], $0xffff  }
0x3b1: {  	[tilespmem:v21+s12+$0x0] =	vst.idx.msk $0xffff, v20  }
0x3b2: {  	[tilespmem:v24+s12+$0x0] =	vst.idx.msk $0xffff, v23  }
0x3b3: {  	v2 =	vor.u32 v30, v1;
	v15 =	vld.idx.msk [tilespmem:v15+s2+$0x0], $0xffff;
	[tilespmem:v7+s12+$0x0] =	vst.idx.msk $0xffff, v14  }
0x3b4: {  	v22 =	vld.idx.msk [tilespmem:v22+s2+$0x0], $0xffff;
	v18 =	vor.u32 v9, v58;
	[tilespmem:v40+s12+$0x0] =	vst.idx.msk $0xffff, v12  }
0x3b5: {  	v21 =	vor.u32 v49, v3;
	[tilespmem:v11+s12+$0x0] =	vst.idx.msk $0xffff, v17;
	v17 =	vld.idx.msk [tilespmem:v25+s2+$0x0], $0xffff  }
0x3b6: {  	v20 =	vor.u32 v16, v29;
	v24 =	vor.u32 v49, v59;
	v25 =	vor.u32 v49, v41;
	v49 =	vld [tilespmem:$0x1FEC0]  }
0x3b7: {  	v23 =	vor.u32 v16, v4  }
0x3b8: {  	v11 =	vor.u32 v16, v5;
	v13 =	vld.idx.msk [tilespmem:v2+s2+$0x0], $0xffff;
	v2 =	vor.u32 v30, v63  }
0x3b9: {  	v12 =	vor.u32 v9, v27;
	v40 =	vor.u32 v16, v38;
	v18 =	vld.idx.msk [tilespmem:v18+s2+$0x0], $0xffff  }
0x3ba: {  	v7 =	vor.u32 v9, v1;
	[tilespmem:v21+s12+$0x0] =	vst.idx.msk $0xffff, v15  }
0x3bb: {  	v20 =	vld.idx.msk [tilespmem:v20+s2+$0x0], $0xffff;
	v21 =	vor.u32 v16, v31;
	[tilespmem:v24+s12+$0x0] =	vst.idx.msk $0xffff, v22;
	v0 =	vor.u32 v49, v0  }
0x3bc: {  	v23 =	vld.idx.msk [tilespmem:v23+s2+$0x0], $0xffff;
	[tilespmem:v25+s12+$0x0] =	vst.idx.msk $0xffff, v17  }
0x3bd: {  	v22 =	vor.u32 v30, v29;
	v24 =	vor.u32 v16, v3;
	v11 =	vld.idx.msk [tilespmem:v11+s2+$0x0], $0xffff;
	[tilespmem:v2+s12+$0x0] =	vst.idx.msk $0xffff, v13  }
0x3be: {  	v25 =	vor.u32 v16, v59;
	[tilespmem:v12+s12+$0x0] =	vst.idx.msk $0xffff, v18;
	v18 =	vld.idx.msk [tilespmem:v40+s2+$0x0], $0xffff  }
0x3bf: {  	v17 =	vor.u32 v30, v4;
	v16 =	vor.u32 v16, v41;
	v15 =	vld.idx.msk [tilespmem:v7+s2+$0x0], $0xffff  }
0x3c0: {  	v12 =	vor.u32 v30, v5;
	[tilespmem:v21+s12+$0x0] =	vst.idx.msk $0xffff, v20;
	v7 =	vor.u32 v9, v63;
	v13 =	vld.idx.msk [tilespmem:v0+s2+$0x0], $0xffff  }
0x3c1: {  	v40 =	vor.u32 v49, v6;
	v6 =	vor.u32 v30, v38;
	v0 =	vld [tilespmem:$0x1FBD0]  }
0x3c2: {  	v21 =	vld.idx.msk [tilespmem:v22+s2+$0x0], $0xffff;
	v22 =	vor.u32 v30, v31;
	[tilespmem:v24+s12+$0x0] =	vst.idx.msk $0xffff, v23  }
0x3c3: {  	[tilespmem:v25+s12+$0x0] =	vst.idx.msk $0xffff, v11  }
0x3c4: {  	v23 =	vor.u32 v9, v29;
	v11 =	vor.u32 v30, v3;
	[tilespmem:v16+s12+$0x0] =	vst.idx.msk $0xffff, v18;
	v17 =	vld.idx.msk [tilespmem:v17+s2+$0x0], $0xffff  }
0x3c5: {  	v24 =	vor.u32 v9, v4;
	v16 =	vor.u32 v30, v59;
	[tilespmem:v7+s12+$0x0] =	vst.idx.msk $0xffff, v15;
	v12 =	vld.idx.msk [tilespmem:v12+s2+$0x0], $0xffff  }
0x3c6: {  	v20 =	vor.u32 v0, v58;
	[tilespmem:v40+s12+$0x0] =	vst.idx.msk $0xffff, v13;
	v13 =	vld.idx.msk [tilespmem:v6+s2+$0x0], $0xffff  }
0x3c7: {  	v14 =	vor.u32 v30, v41;
	v2 =	vor.u32 v9, v5;
	v6 =	vld [tilespmem:$0x1FBE0];
	[tilespmem:v22+s12+$0x0] =	vst.idx.msk $0xffff, v21  }
0x3c8: {  	v26 =	vld [tilespmem:$0x1FDA0]  }
0x3c9: {  	v40 =	vor.u32 v9, v38;
	v23 =	vld.idx.msk [tilespmem:v23+s2+$0x0], $0xffff;
	[tilespmem:v11+s12+$0x0] =	vst.idx.msk $0xffff, v17;
	v11 =	vor.u32 v9, v31  }
0x3ca: {  	v17 =	vor.u32 v0, v29;
	[tilespmem:v16+s12+$0x0] =	vst.idx.msk $0xffff, v12;
	v12 =	vor.u32 v9, v3;
	v24 =	vld.idx.msk [tilespmem:v24+s2+$0x0], $0xffff  }
0x3cb: {  	v18 =	vor.u32 v0, v27;
	v21 =	vor.u32 v0, v1;
	v19 =	vld.idx.msk [tilespmem:v20+s2+$0x0], $0xffff  }
0x3cc: {  	v2 =	vld.idx.msk [tilespmem:v2+s2+$0x0], $0xffff;
	[tilespmem:v14+s12+$0x0] =	vst.idx.msk $0xffff, v13;
	v20 =	vor.u32 v6, v58  }
0x3cd: {  	v25 =	vld [tilespmem:$0x1FEE0]  }
0x3ce: {  	v16 =	vor.u32 v0, v4;
	v13 =	vor.u32 v9, v59;
	v15 =	vld.idx.msk [tilespmem:v40+s2+$0x0], $0xffff;
	[tilespmem:v11+s12+$0x0] =	vst.idx.msk $0xffff, v23  }
0x3cf: {  	v40 =	vor.u32 v9, v41;
	[tilespmem:v12+s12+$0x0] =	vst.idx.msk $0xffff, v24;
	v17 =	vld.idx.msk [tilespmem:v17+s2+$0x0], $0xffff  }
0x3d0: {  	v24 =	vor.u32 v0, v31;
	[tilespmem:v18+s12+$0x0] =	vst.idx.msk $0xffff, v19;
	v18 =	vld.idx.msk [tilespmem:v21+s2+$0x0], $0xffff  }
0x3d1: {  	v19 =	vor.u32 v0, v63;
	v11 =	vld.idx.msk [tilespmem:v20+s2+$0x0], $0xffff  }
0x3d2: {  	v22 =	vsel vm0, v8, v26;
	v20 =	vor.u32 v6, v27;
	v6 =	vld [tilespmem:$0x1FBF0]  }
0x3d3: {  	v26 =	vor.u32 v0, v3;
	v14 =	vcombine.low v22, v25;
	[tilespmem:v13+s12+$0x0] =	vst.idx.msk $0xffff, v2;
	v25 =	vld.idx.msk [tilespmem:v16+s2+$0x0], $0xffff  }
0x3d4: {  	[tilespmem:v40+s12+$0x0] =	vst.idx.msk $0xffff, v15  }
0x3d5: {  	v22 =	vor.u32 v0, v5;
	[tilespmem:v24+s12+$0x0] =	vst.idx.msk $0xffff, v17  }
0x3d6: {  	v21 =	vor.u32 v0, v38;
	[tilespmem:v19+s12+$0x0] =	vst.idx.msk $0xffff, v18  }
0x3d7: {  	v23 =	vor.u32 v14, v1;
	[tilespmem:v20+s12+$0x0] =	vst.idx.msk $0xffff, v11  }
0x3d8: {  	v12 =	vor.u32 v6, v58;
	[tilespmem:v26+s12+$0x0] =	vst.idx.msk $0xffff, v25  }
0x3d9: {  	v2 =	vor.u32 v14, v29;
	v24 =	vld [tilespmem:$0x1FE80]  }
0x3da: {  	v8 =	vor.u32 v14, v4;
	v40 =	vld.idx.msk [tilespmem:v22+s2+$0x0], $0xffff;
	v22 =	vor.u32 v0, v59  }
0x3db: {  	v7 =	vor.u32 v0, v41;
	v18 =	vor.u32 v14, v5;
	v19 =	vld.idx.msk [tilespmem:v21+s2+$0x0], $0xffff  }
0x3dc: {  	v21 =	vor.u32 v14, v38;
	v20 =	vor.u32 v14, v63;
	v11 =	vld.idx.msk [tilespmem:v23+s2+$0x0], $0xffff  }
0x3dd: {  	v17 =	vor.u32 v6, v27;
	v23 =	vor.u32 v6, v1;
	v12 =	vld.idx.msk [tilespmem:v12+s2+$0x0], $0xffff  }
0x3de: {  	v26 =	vor.u32 v14, v31;
	v2 =	vld.idx.msk [tilespmem:v2+s2+$0x0], $0xffff;
	v13 =	vor.u32 v24, v58  }
0x3df: {  	v8 =	vld.idx.msk [tilespmem:v8+s2+$0x0], $0xffff;
	[tilespmem:v22+s12+$0x0] =	vst.idx.msk $0xffff, v40;
	v40 =	vor.u32 v6, v29;
	v22 =	vor.u32 v14, v3  }
0x3e0: {  	v25 =	vor.u32 v14, v59;
	[tilespmem:v7+s12+$0x0] =	vst.idx.msk $0xffff, v19;
	v7 =	vor.u32 v6, v4;
	v18 =	vld.idx.msk [tilespmem:v18+s2+$0x0], $0xffff  }
0x3e1: {  	v14 =	vor.u32 v14, v41;
	[tilespmem:v20+s12+$0x0] =	vst.idx.msk $0xffff, v11;
	v11 =	vor.u32 v6, v5;
	v20 =	vld.idx.msk [tilespmem:v21+s2+$0x0], $0xffff  }
0x3e2: {  	v21 =	vor.u32 v6, v38;
	[tilespmem:v17+s12+$0x0] =	vst.idx.msk $0xffff, v12;
	v12 =	vld.idx.msk [tilespmem:v23+s2+$0x0], $0xffff;
	v17 =	vor.u32 v6, v63  }
0x3e3: {  	[tilespmem:v26+s12+$0x0] =	vst.idx.msk $0xffff, v2;
	v2 =	vor.u32 v24, v27;
	v26 =	vor.u32 v24, v1;
	v13 =	vld.idx.msk [tilespmem:v13+s2+$0x0], $0xffff  }
0x3e4: {  	[tilespmem:v22+s12+$0x0] =	vst.idx.msk $0xffff, v8;
	v8 =	vld.idx.msk [tilespmem:v40+s2+$0x0], $0xffff  }
0x3e5: {  	v15 =	vor.u32 v6, v31;
	[tilespmem:v25+s12+$0x0] =	vst.idx.msk $0xffff, v18;
	v7 =	vld.idx.msk [tilespmem:v7+s2+$0x0], $0xffff  }
0x3e6: {  	v19 =	vor.u32 v6, v3;
	[tilespmem:v14+s12+$0x0] =	vst.idx.msk $0xffff, v20;
	v11 =	vld.idx.msk [tilespmem:v11+s2+$0x0], $0xffff  }
0x3e7: {  	v40 =	vor.u32 v24, v29;
	v20 =	vor.u32 v6, v59;
	[tilespmem:v17+s12+$0x0] =	vst.idx.msk $0xffff, v12;
	v17 =	vld.idx.msk [tilespmem:v21+s2+$0x0], $0xffff  }
0x3e8: {  	v9 =	vor.u32 v6, v41;
	v25 =	vor.u32 v24, v4;
	[tilespmem:v2+s12+$0x0] =	vst.idx.msk $0xffff, v13;
	v2 =	vld.idx.msk [tilespmem:v26+s2+$0x0], $0xffff  }
0x3e9: {  	v0 =	vor.u32 v24, v63;
	v12 =	vor.u32 v24, v5;
	v21 =	vld [tilespmem:$0x1FC10]  }
0x3ea: {  	v26 =	vor.u32 v24, v38;
	v23 =	vld [tilespmem:$0x1FEF0];
	[tilespmem:v15+s12+$0x0] =	vst.idx.msk $0xffff, v8  }
0x3eb: {  	v22 =	vor.u32 v28, v58;
	[tilespmem:v19+s12+$0x0] =	vst.idx.msk $0xffff, v7  }
0x3ec: {  	v8 =	vor.u32 v28, v1;
	[tilespmem:v20+s12+$0x0] =	vst.idx.msk $0xffff, v11;
	v15 =	vld.idx.msk [tilespmem:v40+s2+$0x0], $0xffff;
	v40 =	vor.u32 v24, v31  }
0x3ed: {  	v7 =	vor.u32 v28, v29;
	v14 =	vld.idx.msk [tilespmem:v25+s2+$0x0], $0xffff;
	v25 =	vor.u32 v24, v3;
	[tilespmem:v9+s12+$0x0] =	vst.idx.msk $0xffff, v17  }
0x3ee: {  	v11 =	vor.u32 v28, v4;
	v20 =	vor.u32 v24, v59;
	v12 =	vld.idx.msk [tilespmem:v12+s2+$0x0], $0xffff;
	[tilespmem:v0+s12+$0x0] =	vst.idx.msk $0xffff, v2  }
0x3ef: {  	v2 =	vor.u32 v28, v5;
	v9 =	vld.idx.msk [tilespmem:v26+s2+$0x0], $0xffff;
	v26 =	vor.u32 v24, v41;
	v21 =	vcombine.low v21, v23  }
0x3f0: {  	v16 =	vld.idx.msk [tilespmem:v22+s2+$0x0], $0xffff;
	v22 =	vor.u32 v28, v38;
	v17 =	vor.u32 v28, v27;
	v10 =	vcombine.low v10, v23  }
0x3f1: {  	v8 =	vld.idx.msk [tilespmem:v8+s2+$0x0], $0xffff;
	[tilespmem:v40+s12+$0x0] =	vst.idx.msk $0xffff, v15;
	v40 =	vor.u32 v28, v63;
	v15 =	vor.u32 v21, v58  }
0x3f2: {  	[tilespmem:v25+s12+$0x0] =	vst.idx.msk $0xffff, v14;
	v25 =	vor.u32 v28, v31;
	v24 =	vor.u32 v10, v1;
	v7 =	vld.idx.msk [tilespmem:v7+s2+$0x0], $0xffff  }
0x3f3: {  	v11 =	vld.idx.msk [tilespmem:v11+s2+$0x0], $0xffff;
	[tilespmem:v20+s12+$0x0] =	vst.idx.msk $0xffff, v12;
	v12 =	vor.u32 v10, v29;
	v20 =	vor.u32 v28, v3  }
0x3f4: {  	[tilespmem:v26+s12+$0x0] =	vst.idx.msk $0xffff, v9;
	v9 =	vor.u32 v10, v4;
	v2 =	vld.idx.msk [tilespmem:v2+s2+$0x0], $0xffff;
	v26 =	vor.u32 v28, v59  }
0x3f5: {  	[tilespmem:v17+s12+$0x0] =	vst.idx.msk $0xffff, v16;
	v16 =	vor.u32 v10, v5;
	v17 =	vld.idx.msk [tilespmem:v22+s2+$0x0], $0xffff;
	v22 =	vor.u32 v28, v41  }
0x3f6: {  	[tilespmem:v40+s12+$0x0] =	vst.idx.msk $0xffff, v8;
	v40 =	vor.u32 v10, v38;
	v8 =	vld.idx.msk [tilespmem:v15+s2+$0x0], $0xffff;
	v15 =	vor.u32 v21, v27  }
0x3f7: {  	[tilespmem:v25+s12+$0x0] =	vst.idx.msk $0xffff, v7;
	v7 =	vor.u32 v34, v58;
	v14 =	vld.idx.msk [tilespmem:v24+s2+$0x0], $0xffff;
	v24 =	vor.u32 v10, v63  }
0x3f8: {  	v25 =	vor.u32 v34, v1;
	[tilespmem:v20+s12+$0x0] =	vst.idx.msk $0xffff, v11;
	v12 =	vld.idx.msk [tilespmem:v12+s2+$0x0], $0xffff;
	v20 =	vor.u32 v10, v31  }
0x3f9: {  	[tilespmem:v26+s12+$0x0] =	vst.idx.msk $0xffff, v2;
	v2 =	vor.u32 v34, v29;
	v9 =	vld.idx.msk [tilespmem:v9+s2+$0x0], $0xffff;
	v26 =	vor.u32 v10, v3  }
0x3fa: {  	v21 =	vor.u32 v10, v59;
	[tilespmem:v22+s12+$0x0] =	vst.idx.msk $0xffff, v17;
	v17 =	vor.u32 v34, v4;
	v16 =	vld.idx.msk [tilespmem:v16+s2+$0x0], $0xffff  }
0x3fb: {  	v10 =	vor.u32 v10, v41;
	v40 =	vld.idx.msk [tilespmem:v40+s2+$0x0], $0xffff;
	[tilespmem:v15+s12+$0x0] =	vst.idx.msk $0xffff, v8;
	v8 =	vor.u32 v34, v5  }
0x3fc: {  	v18 =	vor.u32 v34, v38;
	[tilespmem:v24+s12+$0x0] =	vst.idx.msk $0xffff, v14;
	v14 =	vor.u32 v34, v27;
	v7 =	vld.idx.msk [tilespmem:v7+s2+$0x0], $0xffff  }
0x3fd: {  	v24 =	vor.u32 v60, v58;
	[tilespmem:v20+s12+$0x0] =	vst.idx.msk $0xffff, v12;
	v11 =	vld.idx.msk [tilespmem:v25+s2+$0x0], $0xffff;
	v25 =	vor.u32 v34, v63  }
0x3fe: {  	[tilespmem:v26+s12+$0x0] =	vst.idx.msk $0xffff, v9;
	v9 =	vor.u32 v60, v1;
	v2 =	vld.idx.msk [tilespmem:v2+s2+$0x0], $0xffff;
	v26 =	vor.u32 v34, v31  }
0x3ff: {  	v20 =	vor.u32 v34, v3;
	[tilespmem:v21+s12+$0x0] =	vst.idx.msk $0xffff, v16;
	v16 =	vor.u32 v60, v29;
	v17 =	vld.idx.msk [tilespmem:v17+s2+$0x0], $0xffff  }
0x400: {  	[tilespmem:v10+s12+$0x0] =	vst.idx.msk $0xffff, v40;
	v10 =	vor.u32 v60, v4;
	v40 =	vor.u32 v34, v59;
	v8 =	vld.idx.msk [tilespmem:v8+s2+$0x0], $0xffff  }
0x401: {  	[tilespmem:v14+s12+$0x0] =	vst.idx.msk $0xffff, v7;
	v7 =	vor.u32 v60, v5;
	v14 =	vld.idx.msk [tilespmem:v18+s2+$0x0], $0xffff;
	v18 =	vor.u32 v34, v41  }
0x402: {  	[tilespmem:v25+s12+$0x0] =	vst.idx.msk $0xffff, v11;
	v25 =	vor.u32 v60, v38;
	v12 =	vld.idx.msk [tilespmem:v24+s2+$0x0], $0xffff;
	v24 =	vor.u32 v60, v27  }
0x403: {  	v34 =	vor.u32 v60, v63;
	[tilespmem:v26+s12+$0x0] =	vst.idx.msk $0xffff, v2;
	v26 =	vor.u32 v55, v58;
	v9 =	vld.idx.msk [tilespmem:v9+s2+$0x0], $0xffff  }
0x404: {  	[tilespmem:v20+s12+$0x0] =	vst.idx.msk $0xffff, v17;
	v17 =	vor.u32 v55, v1;
	v16 =	vld.idx.msk [tilespmem:v16+s2+$0x0], $0xffff;
	v20 =	vor.u32 v60, v31  }
0x405: {  	v10 =	vld.idx.msk [tilespmem:v10+s2+$0x0], $0xffff;
	[tilespmem:v40+s12+$0x0] =	vst.idx.msk $0xffff, v8;
	v8 =	vor.u32 v55, v29;
	v40 =	vor.u32 v60, v3  }
0x406: {  	[tilespmem:v18+s12+$0x0] =	vst.idx.msk $0xffff, v14;
	v14 =	vor.u32 v55, v4;
	v7 =	vld.idx.msk [tilespmem:v7+s2+$0x0], $0xffff;
	v18 =	vor.u32 v60, v59  }
0x407: {  	v11 =	vor.u32 v55, v5;
	[tilespmem:v24+s12+$0x0] =	vst.idx.msk $0xffff, v12;
	v12 =	vld.idx.msk [tilespmem:v25+s2+$0x0], $0xffff;
	v24 =	vor.u32 v60, v41  }
0x408: {  	[tilespmem:v34+s12+$0x0] =	vst.idx.msk $0xffff, v9;
	v25 =	vor.u32 v55, v27;
	v2 =	vld.idx.msk [tilespmem:v26+s2+$0x0], $0xffff;
	v26 =	vor.u32 v55, v38  }
0x409: {  	v34 =	vor.u32 v49, v58;
	[tilespmem:v20+s12+$0x0] =	vst.idx.msk $0xffff, v16;
	v17 =	vld.idx.msk [tilespmem:v17+s2+$0x0], $0xffff;
	v20 =	vor.u32 v55, v63  }
0x40a: {  	v1 =	vor.u32 v49, v1;
	[tilespmem:v40+s12+$0x0] =	vst.idx.msk $0xffff, v10;
	v8 =	vld.idx.msk [tilespmem:v8+s2+$0x0], $0xffff;
	v40 =	vor.u32 v55, v31  }
0x40b: {  	v15 =	vor.u32 v55, v3;
	[tilespmem:v18+s12+$0x0] =	vst.idx.msk $0xffff, v7;
	v7 =	vor.u32 v49, v29;
	v14 =	vld.idx.msk [tilespmem:v14+s2+$0x0], $0xffff  }
0x40c: {  	v4 =	vor.u32 v49, v4;
	v58 =	vor.u32 v55, v59;
	[tilespmem:v24+s12+$0x0] =	vst.idx.msk $0xffff, v12;
	v11 =	vld.idx.msk [tilespmem:v11+s2+$0x0], $0xffff  }
0x40d: {  	v60 =	vor.u32 v49, v5;
	[tilespmem:v25+s12+$0x0] =	vst.idx.msk $0xffff, v2;
	v24 =	vld.idx.msk [tilespmem:v26+s2+$0x0], $0xffff;
	v25 =	vor.u32 v55, v41  }
0x40e: {  	v38 =	vor.u32 v49, v38;
	[tilespmem:v20+s12+$0x0] =	vst.idx.msk $0xffff, v17;
	v26 =	vld.idx.msk [tilespmem:v34+s2+$0x0], $0xffff;
	v34 =	vor.u32 v49, v27  }
0x40f: {  	v1 =	vld.idx.msk [tilespmem:v1+s2+$0x0], $0xffff;
	[tilespmem:v40+s12+$0x0] =	vst.idx.msk $0xffff, v8;
	v40 =	vor.u32 v49, v63  }
0x410: {  	v55 =	vor.u32 v49, v31;
	[tilespmem:v15+s12+$0x0] =	vst.idx.msk $0xffff, v14;
	v7 =	vld.idx.msk [tilespmem:v7+s2+$0x0], $0xffff  }
0x411: {  	[tilespmem:v58+s12+$0x0] =	vst.idx.msk $0xffff, v11;
	v4 =	vld.idx.msk [tilespmem:v4+s2+$0x0], $0xffff;
	v58 =	vor.u32 v49, v3  }
0x412: {  	v59 =	vor.u32 v49, v59;
	[tilespmem:v25+s12+$0x0] =	vst.idx.msk $0xffff, v24;
	v2 =	vld.idx.msk [tilespmem:v60+s2+$0x0], $0xffff  }
0x413: {  	v63 =	vor.u32 v49, v41;
	[tilespmem:v34+s12+$0x0] =	vst.idx.msk $0xffff, v26;
	v60 =	vld.idx.msk [tilespmem:v38+s2+$0x0], $0xffff  }
0x414: {  	[tilespmem:v40+s12+$0x0] =	vst.idx.msk $0xffff, v1  }
0x415: {  	[tilespmem:v55+s12+$0x0] =	vst.idx.msk $0xffff, v7  }
0x416: {  	p2 =	slt.u32 @!p0 s19, $0x2;
	[tilespmem:v58+s12+$0x0] =	vst.idx.msk $0xffff, v4  }
0x417: {  	p2 =	por p2, p0;
	[tilespmem:v59+s12+$0x0] =	vst.idx.msk $0xffff, v2  }
0x418: {  	s20 =	sadd.s32 @!p2 $0x3, s18;
	[tilespmem:v63+s12+$0x0] =	vst.idx.msk $0xffff, v60  }
0x419: {  	_ =	swait.ge @!p2 [sflag:s20], $0x10000  }
0x41a: {  	s31 =	sshll.u32 s18, $0x13;
	[sflag:s20] =	ssyncset.done @!p2 $0x0  }
0x41b: {  	[sflag:s20] =	ssyncadd.s32 @!p2 $0xFFFF0000;
	s20 =	sadd.s32 s31, s1  }
0x41c: {  	[bflag:$0x0] =	sbarrier.arrive $0xFFFF;
	s21 =	sadd.s32 s13, s20  }
0x41d: {  	[spmem:s21] =	stream.linear.scatter [tilespmem:s12], [sflag:$0x5], $0x8000, $0x38;
	[tilespmem:$0x1C400] =	vst v63  }
0x41e: {  	_ =	swait.ge [sflag:s10], $0x8000  }
0x41f: {  	[sflag:s10] =	ssyncset.done $0x0  }
.Ltmp5:
0x420: {  	[sflag:s10] =	ssyncadd.s32 $0xFFFF8000;
	(pc) =	sbr.rel @!p0 .LBB2_5-.Ltmp5, $4  }
0x421: {  	[bflag:$0x0] =	sbarrier.arrive $0xFFFF  }
0x422: {  	v40 =	vld [tilespmem:$0x1FF50]  }
0x423: {  	v21 =	vld [tilespmem:$0x1FF60]  }
0x424: {  	v22 =	vmov v50;
	v29 =	vld [tilespmem:$0x1FF90]  }
0x425: {  	p2 =	seq.s32 s17, $0x320  }
.Ltmp6:
0x426: {  	_ = 	snop;
	(pc) =	sbr.rel @!p2 .LBB2_6-.Ltmp6, $4  }
.Ltmp7:
0x427: {  	_ = 	snop;
	(pc) =	sbr.rel @p2 .LBB2_9-.Ltmp7, $4  }
0x428: {  	_ = 	snop  }
0x429: {  	_ = 	snop  }
0x42a: {  	_ = 	snop  }
0x42b: {  	_ = 	snop  }
.LBB2_10:
0x42c: {  	_ =	sfence.sel $0x180000  }
0x42d: {  	[bflag:$0x0] =	sbarrier.arrive $0xFFFF  }
0x42e: {  	_ =	strace $0x90000047  }
0x42f: {  	s0 =	sadd.s32 @!p0 $0x100000, s0;
	[bflag:$0x2] =	sbarrier.arrive $0xFFFF  }
0x430: {  	[sflag:s0] =	ssyncadd.tile.s32 @!p0 $0x1;
	_ =	shalt  }
.Lfunc_end2:
_tile_overlayer_lowered:
.L_overlay_start_2:
0x431: {  	(tag) =	ssettag $0x2  }
0x432: {  	s0 =	rddreg [dreg:$0x0];
	s2 =	stileid.u32  }
0x433: {  	s1 =	rddreg [dreg:$0x1];
	p0 =	sne.s32 s2, $0x0  }
0x434: {  	s3 =	rddreg [dreg:$0x2];
	[bflag:$0x3] =	sbarrier.arrive $0xFFFF;
	s2 =	simm.s32 @!p0 $0x1C05  }
0x435: {  	[timem:s3], [sflag:s2] =	dma.local @!p0 [hbm:s0], s1  }
0x436: {  	s0 =	simm.s32 @!p0 $0x5  }
0x437: {  	_ =	swait.ge @!p0 [sflag:s0], s1  }
0x438: {  	s1 =	ssub.s32 @!p0 $0x0, s1;
	[sflag:s0] =	ssyncset.done @!p0 $0x0  }
0x439: {  	[sflag:s0] =	ssyncadd.s32 @!p0 s1  }
0x43a: {  	[bflag:$0x3] =	sbarrier.arrive $0xFFFF  }
0x43b: {  	_ =	shalt  }

</sc_bundles>
